<compile_context>
chip_gen: v7x
topology: tpu7x:2x2x1
jax: 0.10.2.dev20260603
libtpu: 0.0.44.dev20260713+nightly
codegen_flags: <defaults>
</compile_context>

<pallas_src>
import functools

import jax
import jax.numpy as jnp
from jax import lax
from jax.experimental import pallas as pl
from jax.experimental.pallas import tpu as pltpu
from jax.experimental.pallas import tpu_sc as plsc

SEQ = 16384
Q = 32
D = 4 * Q
NC = 2
NS = 16
NW = NC * NS
BPW = SEQ // NW
L = 16

_TAB_ROWS = (24, 7, 12, 10)

_mesh = plsc.VectorSubcoreMesh(core_axis_name="c", subcore_axis_name="s")


@functools.partial(
    pl.kernel,
    out_type=jax.ShapeDtypeStruct((SEQ, D), jnp.float32),
    mesh=_mesh,
    compiler_params=pltpu.CompilerParams(needs_layout_passes=False),
    scratch_types=[
        pltpu.VMEM((BPW,), jnp.int32),
        pltpu.VMEM((BPW,), jnp.int32),
        pltpu.VMEM((BPW,), jnp.int32),
        pltpu.VMEM((BPW,), jnp.int32),
        pltpu.VMEM((_TAB_ROWS[0], Q), jnp.float32),
        pltpu.VMEM((_TAB_ROWS[1], Q), jnp.float32),
        pltpu.VMEM((_TAB_ROWS[2], Q), jnp.float32),
        pltpu.VMEM((_TAB_ROWS[3], Q), jnp.float32),
        pltpu.VMEM((BPW, D), jnp.float32),
        pltpu.SemaphoreType.DMA,
    ],
)
def _encode(hours, days, months, years, wh, wd, wm, wy, out,
            ih_v, id_v, im_v, iy_v, th_v, td_v, tm_v, ty_v, out_v, sem):
    wid = lax.axis_index("s") * NC + lax.axis_index("c")
    base = wid * BPW

    idx_vs = (ih_v, id_v, im_v, iy_v)
    copies = [pltpu.async_copy(src, dst, sem)
              for src, dst in ((wh, th_v), (wd, td_v), (wm, tm_v),
                               (wy, ty_v))]
    copies += [pltpu.async_copy(src.at[pl.ds(base, BPW)], dst, sem)
               for src, dst in zip((hours, days, months, years), idx_vs)]
    for c in copies:
        c.wait()

    tab_vs = (th_v, td_v, tm_v, ty_v)

    @plsc.parallel_loop(0, BPW // L, unroll=1)
    def body(g):
        row0 = g * L
        vs = [idx_vs[t][pl.ds(row0, L)] for t in range(4)]
        for j in range(L):
            r = row0 + j
            for t in range(4):
                s = vs[t][j]
                for c0 in range(0, Q, L):
                    out_v[r, pl.ds(t * Q + c0, L)] = tab_vs[t][s, pl.ds(c0, L)]

    pltpu.sync_copy(out_v, out.at[pl.ds(base, BPW), :])


def kernel(hours, days, months, years, W_hour, W_day, W_month, W_year):
    return _encode(hours.astype(jnp.int32), days.astype(jnp.int32),
                   months.astype(jnp.int32), years.astype(jnp.int32),
                   W_hour, W_day, W_month, W_year)

# --- scband reference (transcript-rebuilt; emitter-appended) ---
"""Pipeline reference for scband-cyclical-time-encoding-17231408792336 (READ-ONLY COPY).

The authoritative reference and input builder live on the scoring server;
editing this copy changes nothing except your own understanding.
"""

import jax, jax.numpy as jnp
import numpy as np

D_MODEL = 128
QUARTER = D_MODEL // 4
SEQ = 16384

def setup_inputs(seed: int = 0) -> dict:
    key = jax.random.key(seed)
    k1, k2, k3, k4, k5, k6, k7, k8 = jax.random.split(key, 8)
    hours = jax.random.randint(k1, (SEQ,), 0, 24, dtype=jnp.int64) if jax.config.jax_enable_x64 else jax.random.randint(k1, (SEQ,), 0, 24).astype(jnp.int32)
    days = jax.random.randint(k2, (SEQ,), 0, 7).astype(hours.dtype)
    months = jax.random.randint(k3, (SEQ,), 0, 12).astype(hours.dtype)
    years = jax.random.randint(k4, (SEQ,), 0, 10).astype(hours.dtype)
    W_hour = jax.random.normal(k5, (24, QUARTER), dtype=jnp.float32)
    W_day = jax.random.normal(k6, (7, QUARTER), dtype=jnp.float32)
    W_month = jax.random.normal(k7, (12, QUARTER), dtype=jnp.float32)
    W_year = jax.random.normal(k8, (10, QUARTER), dtype=jnp.float32)
    return {"hours": hours, "days": days, "months": months, "years": years,
            "W_hour": W_hour, "W_day": W_day, "W_month": W_month, "W_year": W_year}

def reference(hours, days, months, years, W_hour, W_day, W_month, W_year):
    hour_emb = jnp.take(W_hour, hours, axis=0)
    day_emb = jnp.take(W_day, days, axis=0)
    month_emb = jnp.take(W_month, months, axis=0)
    year_emb = jnp.take(W_year, years, axis=0)
    time_encoding = jnp.concatenate([hour_emb, day_emb, month_emb, year_emb], axis=-1)
    return time_encoding

if __name__ == "__main__":
    import jax
    _d = setup_inputs()
    print(jax.jit(kernel)(*tuple(_d.values())))

</pallas_src>

<mosaic_0001>
#map = affine_map<(d0, d1) -> (0)>
#map1 = affine_map<(d0, d1) -> (0, 0)>
module attributes {stable_mosaic.version = 14 : i64} {
  func.func @_encode(%arg0: i32, %arg1: i32, %arg2: memref<16384xi32, #tpu.memory_space<hbm>>, %arg3: memref<16384xi32, #tpu.memory_space<hbm>>, %arg4: memref<16384xi32, #tpu.memory_space<hbm>>, %arg5: memref<16384xi32, #tpu.memory_space<hbm>>, %arg6: memref<24x32xf32, #tpu.memory_space<hbm>>, %arg7: memref<7x32xf32, #tpu.memory_space<hbm>>, %arg8: memref<12x32xf32, #tpu.memory_space<hbm>>, %arg9: memref<10x32xf32, #tpu.memory_space<hbm>>, %arg10: memref<16384x128xf32, #tpu.memory_space<hbm>>, %arg11: memref<512xi32, #tpu.memory_space<vmem>>, %arg12: memref<512xi32, #tpu.memory_space<vmem>>, %arg13: memref<512xi32, #tpu.memory_space<vmem>>, %arg14: memref<512xi32, #tpu.memory_space<vmem>>, %arg15: memref<24x32xf32, #tpu.memory_space<vmem>>, %arg16: memref<7x32xf32, #tpu.memory_space<vmem>>, %arg17: memref<12x32xf32, #tpu.memory_space<vmem>>, %arg18: memref<10x32xf32, #tpu.memory_space<vmem>>, %arg19: memref<512x128xf32, #tpu.memory_space<vmem>>, %arg20: memref<!tpu.dma_semaphore, #tpu.memory_space<semaphore_mem>>) attributes {dimension_semantics = [#tpu.dimension_semantics<core_parallel>, #tpu.dimension_semantics<subcore_parallel>], iteration_bounds = array<i64: 2, 16>, scalar_prefetch = 0 : i64, scratch_operands = 10 : i64, tpu.core_type = #tpu.core_type<sc_vector_subcore>, window_params = [{transform_indices = #map}, {transform_indices = #map}, {transform_indices = #map}, {transform_indices = #map}, {transform_indices = #map1}, {transform_indices = #map1}, {transform_indices = #map1}, {transform_indices = #map1}, {transform_indices = #map1}]} {
    %mul3A = arith.constant 2 : i32
    %mul3A_0 = arith.muli %arg1, %mul3A : i32
    %add3A = arith.addi %mul3A_0, %arg0 : i32
    %mul3A_1 = arith.constant 512 : i32
    %mul3A_2 = arith.muli %add3A, %mul3A_1 : i32
    tpu.enqueue_dma source(%arg6 : memref<24x32xf32, #tpu.memory_space<hbm>>) target(%arg15 : memref<24x32xf32, #tpu.memory_space<vmem>>) target_semaphore(%arg20 : memref<!tpu.dma_semaphore, #tpu.memory_space<semaphore_mem>>)
    tpu.enqueue_dma source(%arg7 : memref<7x32xf32, #tpu.memory_space<hbm>>) target(%arg16 : memref<7x32xf32, #tpu.memory_space<vmem>>) target_semaphore(%arg20 : memref<!tpu.dma_semaphore, #tpu.memory_space<semaphore_mem>>)
    tpu.enqueue_dma source(%arg8 : memref<12x32xf32, #tpu.memory_space<hbm>>) target(%arg17 : memref<12x32xf32, #tpu.memory_space<vmem>>) target_semaphore(%arg20 : memref<!tpu.dma_semaphore, #tpu.memory_space<semaphore_mem>>)
    tpu.enqueue_dma source(%arg9 : memref<10x32xf32, #tpu.memory_space<hbm>>) target(%arg18 : memref<10x32xf32, #tpu.memory_space<vmem>>) target_semaphore(%arg20 : memref<!tpu.dma_semaphore, #tpu.memory_space<semaphore_mem>>)
    %dma_start3A = tpu.memref_slice %arg2[%mul3A_2] : memref<16384xi32, #tpu.memory_space<hbm>> -> memref<512xi32, #tpu.memory_space<hbm>>
    %dma_start3A_3 = tpu.memref_slice %arg2[%mul3A_2] : memref<16384xi32, #tpu.memory_space<hbm>> -> memref<512xi32, #tpu.memory_space<hbm>>
    tpu.enqueue_dma source(%dma_start3A_3 : memref<512xi32, #tpu.memory_space<hbm>>) target(%arg11 : memref<512xi32, #tpu.memory_space<vmem>>) target_semaphore(%arg20 : memref<!tpu.dma_semaphore, #tpu.memory_space<semaphore_mem>>)
    %dma_start3A_4 = tpu.memref_slice %arg3[%mul3A_2] : memref<16384xi32, #tpu.memory_space<hbm>> -> memref<512xi32, #tpu.memory_space<hbm>>
    %dma_start3A_5 = tpu.memref_slice %arg3[%mul3A_2] : memref<16384xi32, #tpu.memory_space<hbm>> -> memref<512xi32, #tpu.memory_space<hbm>>
    tpu.enqueue_dma source(%dma_start3A_5 : memref<512xi32, #tpu.memory_space<hbm>>) target(%arg12 : memref<512xi32, #tpu.memory_space<vmem>>) target_semaphore(%arg20 : memref<!tpu.dma_semaphore, #tpu.memory_space<semaphore_mem>>)
    %dma_start3A_6 = tpu.memref_slice %arg4[%mul3A_2] : memref<16384xi32, #tpu.memory_space<hbm>> -> memref<512xi32, #tpu.memory_space<hbm>>
    %dma_start3A_7 = tpu.memref_slice %arg4[%mul3A_2] : memref<16384xi32, #tpu.memory_space<hbm>> -> memref<512xi32, #tpu.memory_space<hbm>>
    tpu.enqueue_dma source(%dma_start3A_7 : memref<512xi32, #tpu.memory_space<hbm>>) target(%arg13 : memref<512xi32, #tpu.memory_space<vmem>>) target_semaphore(%arg20 : memref<!tpu.dma_semaphore, #tpu.memory_space<semaphore_mem>>)
    %dma_start3A_8 = tpu.memref_slice %arg5[%mul3A_2] : memref<16384xi32, #tpu.memory_space<hbm>> -> memref<512xi32, #tpu.memory_space<hbm>>
    %dma_start3A_9 = tpu.memref_slice %arg5[%mul3A_2] : memref<16384xi32, #tpu.memory_space<hbm>> -> memref<512xi32, #tpu.memory_space<hbm>>
    tpu.enqueue_dma source(%dma_start3A_9 : memref<512xi32, #tpu.memory_space<hbm>>) target(%arg14 : memref<512xi32, #tpu.memory_space<vmem>>) target_semaphore(%arg20 : memref<!tpu.dma_semaphore, #tpu.memory_space<semaphore_mem>>)
    tpu.wait_dma2 semaphore(%arg20 : memref<!tpu.dma_semaphore, #tpu.memory_space<semaphore_mem>>) src(%arg6 : memref<24x32xf32, #tpu.memory_space<hbm>>) dst(%arg15 : memref<24x32xf32, #tpu.memory_space<vmem>>)
    tpu.wait_dma2 semaphore(%arg20 : memref<!tpu.dma_semaphore, #tpu.memory_space<semaphore_mem>>) src(%arg7 : memref<7x32xf32, #tpu.memory_space<hbm>>) dst(%arg16 : memref<7x32xf32, #tpu.memory_space<vmem>>)
    tpu.wait_dma2 semaphore(%arg20 : memref<!tpu.dma_semaphore, #tpu.memory_space<semaphore_mem>>) src(%arg8 : memref<12x32xf32, #tpu.memory_space<hbm>>) dst(%arg17 : memref<12x32xf32, #tpu.memory_space<vmem>>)
    tpu.wait_dma2 semaphore(%arg20 : memref<!tpu.dma_semaphore, #tpu.memory_space<semaphore_mem>>) src(%arg9 : memref<10x32xf32, #tpu.memory_space<hbm>>) dst(%arg18 : memref<10x32xf32, #tpu.memory_space<vmem>>)
    %dma_wait3A = tpu.memref_slice %arg2[%mul3A_2] : memref<16384xi32, #tpu.memory_space<hbm>> -> memref<512xi32, #tpu.memory_space<hbm>>
    %dma_wait3A_10 = tpu.memref_slice %arg2[%mul3A_2] : memref<16384xi32, #tpu.memory_space<hbm>> -> memref<512xi32, #tpu.memory_space<hbm>>
    tpu.wait_dma2 semaphore(%arg20 : memref<!tpu.dma_semaphore, #tpu.memory_space<semaphore_mem>>) src(%dma_wait3A_10 : memref<512xi32, #tpu.memory_space<hbm>>) dst(%arg11 : memref<512xi32, #tpu.memory_space<vmem>>)
    %dma_wait3A_11 = tpu.memref_slice %arg3[%mul3A_2] : memref<16384xi32, #tpu.memory_space<hbm>> -> memref<512xi32, #tpu.memory_space<hbm>>
    %dma_wait3A_12 = tpu.memref_slice %arg3[%mul3A_2] : memref<16384xi32, #tpu.memory_space<hbm>> -> memref<512xi32, #tpu.memory_space<hbm>>
    tpu.wait_dma2 semaphore(%arg20 : memref<!tpu.dma_semaphore, #tpu.memory_space<semaphore_mem>>) src(%dma_wait3A_12 : memref<512xi32, #tpu.memory_space<hbm>>) dst(%arg12 : memref<512xi32, #tpu.memory_space<vmem>>)
    %dma_wait3A_13 = tpu.memref_slice %arg4[%mul3A_2] : memref<16384xi32, #tpu.memory_space<hbm>> -> memref<512xi32, #tpu.memory_space<hbm>>
    %dma_wait3A_14 = tpu.memref_slice %arg4[%mul3A_2] : memref<16384xi32, #tpu.memory_space<hbm>> -> memref<512xi32, #tpu.memory_space<hbm>>
    tpu.wait_dma2 semaphore(%arg20 : memref<!tpu.dma_semaphore, #tpu.memory_space<semaphore_mem>>) src(%dma_wait3A_14 : memref<512xi32, #tpu.memory_space<hbm>>) dst(%arg13 : memref<512xi32, #tpu.memory_space<vmem>>)
    %dma_wait3A_15 = tpu.memref_slice %arg5[%mul3A_2] : memref<16384xi32, #tpu.memory_space<hbm>> -> memref<512xi32, #tpu.memory_space<hbm>>
    %dma_wait3A_16 = tpu.memref_slice %arg5[%mul3A_2] : memref<16384xi32, #tpu.memory_space<hbm>> -> memref<512xi32, #tpu.memory_space<hbm>>
    tpu.wait_dma2 semaphore(%arg20 : memref<!tpu.dma_semaphore, #tpu.memory_space<semaphore_mem>>) src(%dma_wait3A_16 : memref<512xi32, #tpu.memory_space<hbm>>) dst(%arg14 : memref<512xi32, #tpu.memory_space<vmem>>)
    %parallel_loop3A = arith.constant 0 : i32
    %parallel_loop3A_17 = arith.constant 32 : i32
    %parallel_loop3A_18 = arith.constant 1 : i32
    scf.for %parallel_loop3A_19 = %parallel_loop3A to %parallel_loop3A_17 step %parallel_loop3A_18  : i32 {
      %parallel_loop3A_20 = arith.constant 16 : i32
      %parallel_loop3A_21 = arith.muli %parallel_loop3A_19, %parallel_loop3A_20 : i32
      %parallel_loop3A_22 = arith.index_cast %parallel_loop3A_21 : i32 to index
      %parallel_loop3A_23 = tpu.vector_load %arg11[%parallel_loop3A_22] {strides = array<i32>} : memref<512xi32, #tpu.memory_space<vmem>>, vector<16xi32>,
      %parallel_loop3A_24 = arith.index_cast %parallel_loop3A_21 : i32 to index
      %parallel_loop3A_25 = tpu.vector_load %arg12[%parallel_loop3A_24] {strides = array<i32>} : memref<512xi32, #tpu.memory_space<vmem>>, vector<16xi32>,
      %parallel_loop3A_26 = arith.index_cast %parallel_loop3A_21 : i32 to index
      %parallel_loop3A_27 = tpu.vector_load %arg13[%parallel_loop3A_26] {strides = array<i32>} : memref<512xi32, #tpu.memory_space<vmem>>, vector<16xi32>,
      %parallel_loop3A_28 = arith.index_cast %parallel_loop3A_21 : i32 to index
      %parallel_loop3A_29 = tpu.vector_load %arg14[%parallel_loop3A_28] {strides = array<i32>} : memref<512xi32, #tpu.memory_space<vmem>>, vector<16xi32>,
      %parallel_loop3A_30 = arith.constant 0 : i32
      %parallel_loop3A_31 = arith.addi %parallel_loop3A_21, %parallel_loop3A_30 : i32
      %parallel_loop3A_32 = vector.extract_strided_slice %parallel_loop3A_23 {offsets = [0], sizes = [1], strides = [1]} : vector<16xi32> to vector<1xi32>
      %parallel_loop3A_33 = vector.extract %parallel_loop3A_32[0] : i32 from vector<1xi32>
      %parallel_loop3A_34 = arith.index_cast %parallel_loop3A_33 : i32 to index
      %parallel_loop3A_35 = arith.constant 0 : index
      %parallel_loop3A_36 = tpu.vector_load %arg15[%parallel_loop3A_34, %parallel_loop3A_35] {strides = array<i32>} : memref<24x32xf32, #tpu.memory_space<vmem>>, vector<16xf32>,
      %parallel_loop3A_37 = arith.index_cast %parallel_loop3A_31 : i32 to index
      %parallel_loop3A_38 = arith.constant 0 : index
      %parallel_loop3A_39 = tpu.vector_load %arg19[%parallel_loop3A_37, %parallel_loop3A_38] {strides = array<i32>} : memref<512x128xf32, #tpu.memory_space<vmem>>, vector<16xf32>,
      tpu.vector_store %arg19[%parallel_loop3A_37, %parallel_loop3A_38], %parallel_loop3A_36 {strides = array<i32>} : memref<512x128xf32, #tpu.memory_space<vmem>>, vector<16xf32>,
      %parallel_loop3A_40 = arith.index_cast %parallel_loop3A_33 : i32 to index
      %parallel_loop3A_41 = arith.constant 16 : index
      %parallel_loop3A_42 = tpu.vector_load %arg15[%parallel_loop3A_40, %parallel_loop3A_41] {strides = array<i32>} : memref<24x32xf32, #tpu.memory_space<vmem>>, vector<16xf32>,
      %parallel_loop3A_43 = arith.index_cast %parallel_loop3A_31 : i32 to index
      %parallel_loop3A_44 = arith.constant 16 : index
      %parallel_loop3A_45 = tpu.vector_load %arg19[%parallel_loop3A_43, %parallel_loop3A_44] {strides = array<i32>} : memref<512x128xf32, #tpu.memory_space<vmem>>, vector<16xf32>,
      tpu.vector_store %arg19[%parallel_loop3A_43, %parallel_loop3A_44], %parallel_loop3A_42 {strides = array<i32>} : memref<512x128xf32, #tpu.memory_space<vmem>>, vector<16xf32>,
      %parallel_loop3A_46 = vector.extract_strided_slice %parallel_loop3A_25 {offsets = [0], sizes = [1], strides = [1]} : vector<16xi32> to vector<1xi32>
      %parallel_loop3A_47 = vector.extract %parallel_loop3A_46[0] : i32 from vector<1xi32>
      %parallel_loop3A_48 = arith.index_cast %parallel_loop3A_47 : i32 to index
      %parallel_loop3A_49 = arith.constant 0 : index
      %parallel_loop3A_50 = tpu.vector_load %arg16[%parallel_loop3A_48, %parallel_loop3A_49] {strides = array<i32>} : memref<7x32xf32, #tpu.memory_space<vmem>>, vector<16xf32>,
      %parallel_loop3A_51 = arith.index_cast %parallel_loop3A_31 : i32 to index
      %parallel_loop3A_52 = arith.constant 32 : index
      %parallel_loop3A_53 = tpu.vector_load %arg19[%parallel_loop3A_51, %parallel_loop3A_52] {strides = array<i32>} : memref<512x128xf32, #tpu.memory_space<vmem>>, vector<16xf32>,
      tpu.vector_store %arg19[%parallel_loop3A_51, %parallel_loop3A_52], %parallel_loop3A_50 {strides = array<i32>} : memref<512x128xf32, #tpu.memory_space<vmem>>, vector<16xf32>,
      %parallel_loop3A_54 = arith.index_cast %parallel_loop3A_47 : i32 to index
      %parallel_loop3A_55 = arith.constant 16 : index
      %parallel_loop3A_56 = tpu.vector_load %arg16[%parallel_loop3A_54, %parallel_loop3A_55] {strides = array<i32>} : memref<7x32xf32, #tpu.memory_space<vmem>>, vector<16xf32>,
      %parallel_loop3A_57 = arith.index_cast %parallel_loop3A_31 : i32 to index
      %parallel_loop3A_58 = arith.constant 48 : index
      %parallel_loop3A_59 = tpu.vector_load %arg19[%parallel_loop3A_57, %parallel_loop3A_58] {strides = array<i32>} : memref<512x128xf32, #tpu.memory_space<vmem>>, vector<16xf32>,
      tpu.vector_store %arg19[%parallel_loop3A_57, %parallel_loop3A_58], %parallel_loop3A_56 {strides = array<i32>} : memref<512x128xf32, #tpu.memory_space<vmem>>, vector<16xf32>,
      %parallel_loop3A_60 = vector.extract_strided_slice %parallel_loop3A_27 {offsets = [0], sizes = [1], strides = [1]} : vector<16xi32> to vector<1xi32>
      %parallel_loop3A_61 = vector.extract %parallel_loop3A_60[0] : i32 from vector<1xi32>
      %parallel_loop3A_62 = arith.index_cast %parallel_loop3A_61 : i32 to index
      %parallel_loop3A_63 = arith.constant 0 : index
      %parallel_loop3A_64 = tpu.vector_load %arg17[%parallel_loop3A_62, %parallel_loop3A_63] {strides = array<i32>} : memref<12x32xf32, #tpu.memory_space<vmem>>, vector<16xf32>,
      %parallel_loop3A_65 = arith.index_cast %parallel_loop3A_31 : i32 to index
      %parallel_loop3A_66 = arith.constant 64 : index
      %parallel_loop3A_67 = tpu.vector_load %arg19[%parallel_loop3A_65, %parallel_loop3A_66] {strides = array<i32>} : memref<512x128xf32, #tpu.memory_space<vmem>>, vector<16xf32>,
      tpu.vector_store %arg19[%parallel_loop3A_65, %parallel_loop3A_66], %parallel_loop3A_64 {strides = array<i32>} : memref<512x128xf32, #tpu.memory_space<vmem>>, vector<16xf32>,
      %parallel_loop3A_68 = arith.index_cast %parallel_loop3A_61 : i32 to index
      %parallel_loop3A_69 = arith.constant 16 : index
      %parallel_loop3A_70 = tpu.vector_load %arg17[%parallel_loop3A_68, %parallel_loop3A_69] {strides = array<i32>} : memref<12x32xf32, #tpu.memory_space<vmem>>, vector<16xf32>,
      %parallel_loop3A_71 = arith.index_cast %parallel_loop3A_31 : i32 to index
      %parallel_loop3A_72 = arith.constant 80 : index
      %parallel_loop3A_73 = tpu.vector_load %arg19[%parallel_loop3A_71, %parallel_loop3A_72] {strides = array<i32>} : memref<512x128xf32, #tpu.memory_space<vmem>>, vector<16xf32>,
      tpu.vector_store %arg19[%parallel_loop3A_71, %parallel_loop3A_72], %parallel_loop3A_70 {strides = array<i32>} : memref<512x128xf32, #tpu.memory_space<vmem>>, vector<16xf32>,
      %parallel_loop3A_74 = vector.extract_strided_slice %parallel_loop3A_29 {offsets = [0], sizes = [1], strides = [1]} : vector<16xi32> to vector<1xi32>
      %parallel_loop3A_75 = vector.extract %parallel_loop3A_74[0] : i32 from vector<1xi32>
      %parallel_loop3A_76 = arith.index_cast %parallel_loop3A_75 : i32 to index
      %parallel_loop3A_77 = arith.constant 0 : index
      %parallel_loop3A_78 = tpu.vector_load %arg18[%parallel_loop3A_76, %parallel_loop3A_77] {strides = array<i32>} : memref<10x32xf32, #tpu.memory_space<vmem>>, vector<16xf32>,
      %parallel_loop3A_79 = arith.index_cast %parallel_loop3A_31 : i32 to index
      %parallel_loop3A_80 = arith.constant 96 : index
      %parallel_loop3A_81 = tpu.vector_load %arg19[%parallel_loop3A_79, %parallel_loop3A_80] {strides = array<i32>} : memref<512x128xf32, #tpu.memory_space<vmem>>, vector<16xf32>,
      tpu.vector_store %arg19[%parallel_loop3A_79, %parallel_loop3A_80], %parallel_loop3A_78 {strides = array<i32>} : memref<512x128xf32, #tpu.memory_space<vmem>>, vector<16xf32>,
      %parallel_loop3A_82 = arith.index_cast %parallel_loop3A_75 : i32 to index
      %parallel_loop3A_83 = arith.constant 16 : index
      %parallel_loop3A_84 = tpu.vector_load %arg18[%parallel_loop3A_82, %parallel_loop3A_83] {strides = array<i32>} : memref<10x32xf32, #tpu.memory_space<vmem>>, vector<16xf32>,
      %parallel_loop3A_85 = arith.index_cast %parallel_loop3A_31 : i32 to index
      %parallel_loop3A_86 = arith.constant 112 : index
      %parallel_loop3A_87 = tpu.vector_load %arg19[%parallel_loop3A_85, %parallel_loop3A_86] {strides = array<i32>} : memref<512x128xf32, #tpu.memory_space<vmem>>, vector<16xf32>,
      tpu.vector_store %arg19[%parallel_loop3A_85, %parallel_loop3A_86], %parallel_loop3A_84 {strides = array<i32>} : memref<512x128xf32, #tpu.memory_space<vmem>>, vector<16xf32>,
      %parallel_loop3A_88 = arith.constant 1 : i32
      %parallel_loop3A_89 = arith.addi %parallel_loop3A_21, %parallel_loop3A_88 : i32
      %parallel_loop3A_90 = vector.extract_strided_slice %parallel_loop3A_23 {offsets = [1], sizes = [1], strides = [1]} : vector<16xi32> to vector<1xi32>
      %parallel_loop3A_91 = vector.extract %parallel_loop3A_90[0] : i32 from vector<1xi32>
      %parallel_loop3A_92 = arith.index_cast %parallel_loop3A_91 : i32 to index
      %parallel_loop3A_93 = arith.constant 0 : index
      %parallel_loop3A_94 = tpu.vector_load %arg15[%parallel_loop3A_92, %parallel_loop3A_93] {strides = array<i32>} : memref<24x32xf32, #tpu.memory_space<vmem>>, vector<16xf32>,
      %parallel_loop3A_95 = arith.index_cast %parallel_loop3A_89 : i32 to index
      %parallel_loop3A_96 = arith.constant 0 : index
      %parallel_loop3A_97 = tpu.vector_load %arg19[%parallel_loop3A_95, %parallel_loop3A_96] {strides = array<i32>} : memref<512x128xf32, #tpu.memory_space<vmem>>, vector<16xf32>,
      tpu.vector_store %arg19[%parallel_loop3A_95, %parallel_loop3A_96], %parallel_loop3A_94 {strides = array<i32>} : memref<512x128xf32, #tpu.memory_space<vmem>>, vector<16xf32>,
      %parallel_loop3A_98 = arith.index_cast %parallel_loop3A_91 : i32 to index
      %parallel_loop3A_99 = arith.constant 16 : index
      %parallel_loop3A_100 = tpu.vector_load %arg15[%parallel_loop3A_98, %parallel_loop3A_99] {strides = array<i32>} : memref<24x32xf32, #tpu.memory_space<vmem>>, vector<16xf32>,
      %parallel_loop3A_101 = arith.index_cast %parallel_loop3A_89 : i32 to index
      %parallel_loop3A_102 = arith.constant 16 : index
      %parallel_loop3A_103 = tpu.vector_load %arg19[%parallel_loop3A_101, %parallel_loop3A_102] {strides = array<i32>} : memref<512x128xf32, #tpu.memory_space<vmem>>, vector<16xf32>,
      tpu.vector_store %arg19[%parallel_loop3A_101, %parallel_loop3A_102], %parallel_loop3A_100 {strides = array<i32>} : memref<512x128xf32, #tpu.memory_space<vmem>>, vector<16xf32>,
      %parallel_loop3A_104 = vector.extract_strided_slice %parallel_loop3A_25 {offsets = [1], sizes = [1], strides = [1]} : vector<16xi32> to vector<1xi32>
      %parallel_loop3A_105 = vector.extract %parallel_loop3A_104[0] : i32 from vector<1xi32>
      %parallel_loop3A_106 = arith.index_cast %parallel_loop3A_105 : i32 to index
      %parallel_loop3A_107 = arith.constant 0 : index
      %parallel_loop3A_108 = tpu.vector_load %arg16[%parallel_loop3A_106, %parallel_loop3A_107] {strides = array<i32>} : memref<7x32xf32, #tpu.memory_space<vmem>>, vector<16xf32>,
      %parallel_loop3A_109 = arith.index_cast %parallel_loop3A_89 : i32 to index
      %parallel_loop3A_110 = arith.constant 32 : index
      %parallel_loop3A_111 = tpu.vector_load %arg19[%parallel_loop3A_109, %parallel_loop3A_110] {strides = array<i32>} : memref<512x128xf32, #tpu.memory_space<vmem>>, vector<16xf32>,
      tpu.vector_store %arg19[%parallel_loop3A_109, %parallel_loop3A_110], %parallel_loop3A_108 {strides = array<i32>} : memref<512x128xf32, #tpu.memory_space<vmem>>, vector<16xf32>,
      %parallel_loop3A_112 = arith.index_cast %parallel_loop3A_105 : i32 to index
      %parallel_loop3A_113 = arith.constant 16 : index
      %parallel_loop3A_114 = tpu.vector_load %arg16[%parallel_loop3A_112, %parallel_loop3A_113] {strides = array<i32>} : memref<7x32xf32, #tpu.memory_space<vmem>>, vector<16xf32>,
      %parallel_loop3A_115 = arith.index_cast %parallel_loop3A_89 : i32 to index
      %parallel_loop3A_116 = arith.constant 48 : index
      %parallel_loop3A_117 = tpu.vector_load %arg19[%parallel_loop3A_115, %parallel_loop3A_116] {strides = array<i32>} : memref<512x128xf32, #tpu.memory_space<vmem>>, vector<16xf32>,
      tpu.vector_store %arg19[%parallel_loop3A_115, %parallel_loop3A_116], %parallel_loop3A_114 {strides = array<i32>} : memref<512x128xf32, #tpu.memory_space<vmem>>, vector<16xf32>,
      %parallel_loop3A_118 = vector.extract_strided_slice %parallel_loop3A_27 {offsets = [1], sizes = [1], strides = [1]} : vector<16xi32> to vector<1xi32>
      %parallel_loop3A_119 = vector.extract %parallel_loop3A_118[0] : i32 from vector<1xi32>
      %parallel_loop3A_120 = arith.index_cast %parallel_loop3A_119 : i32 to index
      %parallel_loop3A_121 = arith.constant 0 : index
      %parallel_loop3A_122 = tpu.vector_load %arg17[%parallel_loop3A_120, %parallel_loop3A_121] {strides = array<i32>} : memref<12x32xf32, #tpu.memory_space<vmem>>, vector<16xf32>,
      %parallel_loop3A_123 = arith.index_cast %parallel_loop3A_89 : i32 to index
      %parallel_loop3A_124 = arith.constant 64 : index
      %parallel_loop3A_125 = tpu.vector_load %arg19[%parallel_loop3A_123, %parallel_loop3A_124] {strides = array<i32>} : memref<512x128xf32, #tpu.memory_space<vmem>>, vector<16xf32>,
      tpu.vector_store %arg19[%parallel_loop3A_123, %parallel_loop3A_124], %parallel_loop3A_122 {strides = array<i32>} : memref<512x128xf32, #tpu.memory_space<vmem>>, vector<16xf32>,
      %parallel_loop3A_126 = arith.index_cast %parallel_loop3A_119 : i32 to index
      %parallel_loop3A_127 = arith.constant 16 : index
      %parallel_loop3A_128 = tpu.vector_load %arg17[%parallel_loop3A_126, %parallel_loop3A_127] {strides = array<i32>} : memref<12x32xf32, #tpu.memory_space<vmem>>, vector<16xf32>,
      %parallel_loop3A_129 = arith.index_cast %parallel_loop3A_89 : i32 to index
      %parallel_loop3A_130 = arith.constant 80 : index
      %parallel_loop3A_131 = tpu.vector_load %arg19[%parallel_loop3A_129, %parallel_loop3A_130] {strides = array<i32>} : memref<512x128xf32, #tpu.memory_space<vmem>>, vector<16xf32>,
      tpu.vector_store %arg19[%parallel_loop3A_129, %parallel_loop3A_130], %parallel_loop3A_128 {strides = array<i32>} : memref<512x128xf32, #tpu.memory_space<vmem>>, vector<16xf32>,
      %parallel_loop3A_132 = vector.extract_strided_slice %parallel_loop3A_29 {offsets = [1], sizes = [1], strides = [1]} : vector<16xi32> to vector<1xi32>
      %parallel_loop3A_133 = vector.extract %parallel_loop3A_132[0] : i32 from vector<1xi32>
      %parallel_loop3A_134 = arith.index_cast %parallel_loop3A_133 : i32 to index
      %parallel_loop3A_135 = arith.constant 0 : index
      %parallel_loop3A_136 = tpu.vector_load %arg18[%parallel_loop3A_134, %parallel_loop3A_135] {strides = array<i32>} : memref<10x32xf32, #tpu.memory_space<vmem>>, vector<16xf32>,
      %parallel_loop3A_137 = arith.index_cast %parallel_loop3A_89 : i32 to index
      %parallel_loop3A_138 = arith.constant 96 : index
      %parallel_loop3A_139 = tpu.vector_load %arg19[%parallel_loop3A_137, %parallel_loop3A_138] {strides = array<i32>} : memref<512x128xf32, #tpu.memory_space<vmem>>, vector<16xf32>,
      tpu.vector_store %arg19[%parallel_loop3A_137, %parallel_loop3A_138], %parallel_loop3A_136 {strides = array<i32>} : memref<512x128xf32, #tpu.memory_space<vmem>>, vector<16xf32>,
      %parallel_loop3A_140 = arith.index_cast %parallel_loop3A_133 : i32 to index
      %parallel_loop3A_141 = arith.constant 16 : index
      %parallel_loop3A_142 = tpu.vector_load %arg18[%parallel_loop3A_140, %parallel_loop3A_141] {strides = array<i32>} : memref<10x32xf32, #tpu.memory_space<vmem>>, vector<16xf32>,
      %parallel_loop3A_143 = arith.index_cast %parallel_loop3A_89 : i32 to index
      %parallel_loop3A_144 = arith.constant 112 : index
      %parallel_loop3A_145 = tpu.vector_load %arg19[%parallel_loop3A_143, %parallel_loop3A_144] {strides = array<i32>} : memref<512x128xf32, #tpu.memory_space<vmem>>, vector<16xf32>,
      tpu.vector_store %arg19[%parallel_loop3A_143, %parallel_loop3A_144], %parallel_loop3A_142 {strides = array<i32>} : memref<512x128xf32, #tpu.memory_space<vmem>>, vector<16xf32>,
      %parallel_loop3A_146 = arith.constant 2 : i32
      %parallel_loop3A_147 = arith.addi %parallel_loop3A_21, %parallel_loop3A_146 : i32
      %parallel_loop3A_148 = vector.extract_strided_slice %parallel_loop3A_23 {offsets = [2], sizes = [1], strides = [1]} : vector<16xi32> to vector<1xi32>
      %parallel_loop3A_149 = vector.extract %parallel_loop3A_148[0] : i32 from vector<1xi32>
      %parallel_loop3A_150 = arith.index_cast %parallel_loop3A_149 : i32 to index
      %parallel_loop3A_151 = arith.constant 0 : index
      %parallel_loop3A_152 = tpu.vector_load %arg15[%parallel_loop3A_150, %parallel_loop3A_151] {strides = array<i32>} : memref<24x32xf32, #tpu.memory_space<vmem>>, vector<16xf32>,
      %parallel_loop3A_153 = arith.index_cast %parallel_loop3A_147 : i32 to index
      %parallel_loop3A_154 = arith.constant 0 : index
      %parallel_loop3A_155 = tpu.vector_load %arg19[%parallel_loop3A_153, %parallel_loop3A_154] {strides = array<i32>} : memref<512x128xf32, #tpu.memory_space<vmem>>, vector<16xf32>,
      tpu.vector_store %arg19[%parallel_loop3A_153, %parallel_loop3A_154], %parallel_loop3A_152 {strides = array<i32>} : memref<512x128xf32, #tpu.memory_space<vmem>>, vector<16xf32>,
      %parallel_loop3A_156 = arith.index_cast %parallel_loop3A_149 : i32 to index
      %parallel_loop3A_157 = arith.constant 16 : index
      %parallel_loop3A_158 = tpu.vector_load %arg15[%parallel_loop3A_156, %parallel_loop3A_157] {strides = array<i32>} : memref<24x32xf32, #tpu.memory_space<vmem>>, vector<16xf32>,
      %parallel_loop3A_159 = arith.index_cast %parallel_loop3A_147 : i32 to index
      %parallel_loop3A_160 = arith.constant 16 : index
      %parallel_loop3A_161 = tpu.vector_load %arg19[%parallel_loop3A_159, %parallel_loop3A_160] {strides = array<i32>} : memref<512x128xf32, #tpu.memory_space<vmem>>, vector<16xf32>,
      tpu.vector_store %arg19[%parallel_loop3A_159, %parallel_loop3A_160], %parallel_loop3A_158 {strides = array<i32>} : memref<512x128xf32, #tpu.memory_space<vmem>>, vector<16xf32>,
      %parallel_loop3A_162 = vector.extract_strided_slice %parallel_loop3A_25 {offsets = [2], sizes = [1], strides = [1]} : vector<16xi32> to vector<1xi32>
      %parallel_loop3A_163 = vector.extract %parallel_loop3A_162[0] : i32 from vector<1xi32>
      %parallel_loop3A_164 = arith.index_cast %parallel_loop3A_163 : i32 to index
      %parallel_loop3A_165 = arith.constant 0 : index
      %parallel_loop3A_166 = tpu.vector_load %arg16[%parallel_loop3A_164, %parallel_loop3A_165] {strides = array<i32>} : memref<7x32xf32, #tpu.memory_space<vmem>>, vector<16xf32>,
      %parallel_loop3A_167 = arith.index_cast %parallel_loop3A_147 : i32 to index
      %parallel_loop3A_168 = arith.constant 32 : index
      %parallel_loop3A_169 = tpu.vector_load %arg19[%parallel_loop3A_167, %parallel_loop3A_168] {strides = array<i32>} : memref<512x128xf32, #tpu.memory_space<vmem>>, vector<16xf32>,
      tpu.vector_store %arg19[%parallel_loop3A_167, %parallel_loop3A_168], %parallel_loop3A_166 {strides = array<i32>} : memref<512x128xf32, #tpu.memory_space<vmem>>, vector<16xf32>,
      %parallel_loop3A_170 = arith.index_cast %parallel_loop3A_163 : i32 to index
      %parallel_loop3A_171 = arith.constant 16 : index
      %parallel_loop3A_172 = tpu.vector_load %arg16[%parallel_loop3A_170, %parallel_loop3A_171] {strides = array<i32>} : memref<7x32xf32, #tpu.memory_space<vmem>>, vector<16xf32>,
      %parallel_loop3A_173 = arith.index_cast %parallel_loop3A_147 : i32 to index
      %parallel_loop3A_174 = arith.constant 48 : index
      %parallel_loop3A_175 = tpu.vector_load %arg19[%parallel_loop3A_173, %parallel_loop3A_174] {strides = array<i32>} : memref<512x128xf32, #tpu.memory_space<vmem>>, vector<16xf32>,
      tpu.vector_store %arg19[%parallel_loop3A_173, %parallel_loop3A_174], %parallel_loop3A_172 {strides = array<i32>} : memref<512x128xf32, #tpu.memory_space<vmem>>, vector<16xf32>,
      %parallel_loop3A_176 = vector.extract_strided_slice %parallel_loop3A_27 {offsets = [2], sizes = [1], strides = [1]} : vector<16xi32> to vector<1xi32>
      %parallel_loop3A_177 = vector.extract %parallel_loop3A_176[0] : i32 from vector<1xi32>
      %parallel_loop3A_178 = arith.index_cast %parallel_loop3A_177 : i32 to index
      %parallel_loop3A_179 = arith.constant 0 : index
      %parallel_loop3A_180 = tpu.vector_load %arg17[%parallel_loop3A_178, %parallel_loop3A_179] {strides = array<i32>} : memref<12x32xf32, #tpu.memory_space<vmem>>, vector<16xf32>,
      %parallel_loop3A_181 = arith.index_cast %parallel_loop3A_147 : i32 to index
      %parallel_loop3A_182 = arith.constant 64 : index
      %parallel_loop3A_183 = tpu.vector_load %arg19[%parallel_loop3A_181, %parallel_loop3A_182] {strides = array<i32>} : memref<512x128xf32, #tpu.memory_space<vmem>>, vector<16xf32>,
      tpu.vector_store %arg19[%parallel_loop3A_181, %parallel_loop3A_182], %parallel_loop3A_180 {strides = array<i32>} : memref<512x128xf32, #tpu.memory_space<vmem>>, vector<16xf32>,
      %parallel_loop3A_184 = arith.index_cast %parallel_loop3A_177 : i32 to index
      %parallel_loop3A_185 = arith.constant 16 : index
      %parallel_loop3A_186 = tpu.vector_load %arg17[%parallel_loop3A_184, %parallel_loop3A_185] {strides = array<i32>} : memref<12x32xf32, #tpu.memory_space<vmem>>, vector<16xf32>,
      %parallel_loop3A_187 = arith.index_cast %parallel_loop3A_147 : i32 to index
      %parallel_loop3A_188 = arith.constant 80 : index
      %parallel_loop3A_189 = tpu.vector_load %arg19[%parallel_loop3A_187, %parallel_loop3A_188] {strides = array<i32>} : memref<512x128xf32, #tpu.memory_space<vmem>>, vector<16xf32>,
      tpu.vector_store %arg19[%parallel_loop3A_187, %parallel_loop3A_188], %parallel_loop3A_186 {strides = array<i32>} : memref<512x128xf32, #tpu.memory_space<vmem>>, vector<16xf32>,
      %parallel_loop3A_190 = vector.extract_strided_slice %parallel_loop3A_29 {offsets = [2], sizes = [1], strides = [1]} : vector<16xi32> to vector<1xi32>
      %parallel_loop3A_191 = vector.extract %parallel_loop3A_190[0] : i32 from vector<1xi32>
      %parallel_loop3A_192 = arith.index_cast %parallel_loop3A_191 : i32 to index
      %parallel_loop3A_193 = arith.constant 0 : index
      %parallel_loop3A_194 = tpu.vector_load %arg18[%parallel_loop3A_192, %parallel_loop3A_193] {strides = array<i32>} : memref<10x32xf32, #tpu.memory_space<vmem>>, vector<16xf32>,
      %parallel_loop3A_195 = arith.index_cast %parallel_loop3A_147 : i32 to index
      %parallel_loop3A_196 = arith.constant 96 : index
      %parallel_loop3A_197 = tpu.vector_load %arg19[%parallel_loop3A_195, %parallel_loop3A_196] {strides = array<i32>} : memref<512x128xf32, #tpu.memory_space<vmem>>, vector<16xf32>,
      tpu.vector_store %arg19[%parallel_loop3A_195, %parallel_loop3A_196], %parallel_loop3A_194 {strides = array<i32>} : memref<512x128xf32, #tpu.memory_space<vmem>>, vector<16xf32>,
      %parallel_loop3A_198 = arith.index_cast %parallel_loop3A_191 : i32 to index
      %parallel_loop3A_199 = arith.constant 16 : index
      %parallel_loop3A_200 = tpu.vector_load %arg18[%parallel_loop3A_198, %parallel_loop3A_199] {strides = array<i32>} : memref<10x32xf32, #tpu.memory_space<vmem>>, vector<16xf32>,
      %parallel_loop3A_201 = arith.index_cast %parallel_loop3A_147 : i32 to index
      %parallel_loop3A_202 = arith.constant 112 : index
      %parallel_loop3A_203 = tpu.vector_load %arg19[%parallel_loop3A_201, %parallel_loop3A_202] {strides = array<i32>} : memref<512x128xf32, #tpu.memory_space<vmem>>, vector<16xf32>,
      tpu.vector_store %arg19[%parallel_loop3A_201, %parallel_loop3A_202], %parallel_loop3A_200 {strides = array<i32>} : memref<512x128xf32, #tpu.memory_space<vmem>>, vector<16xf32>,
      %parallel_loop3A_204 = arith.constant 3 : i32
      %parallel_loop3A_205 = arith.addi %parallel_loop3A_21, %parallel_loop3A_204 : i32
      %parallel_loop3A_206 = vector.extract_strided_slice %parallel_loop3A_23 {offsets = [3], sizes = [1], strides = [1]} : vector<16xi32> to vector<1xi32>
      %parallel_loop3A_207 = vector.extract %parallel_loop3A_206[0] : i32 from vector<1xi32>
      %parallel_loop3A_208 = arith.index_cast %parallel_loop3A_207 : i32 to index
      %parallel_loop3A_209 = arith.constant 0 : index
      %parallel_loop3A_210 = tpu.vector_load %arg15[%parallel_loop3A_208, %parallel_loop3A_209] {strides = array<i32>} : memref<24x32xf32, #tpu.memory_space<vmem>>, vector<16xf32>,
      %parallel_loop3A_211 = arith.index_cast %parallel_loop3A_205 : i32 to index
      %parallel_loop3A_212 = arith.constant 0 : index
      %parallel_loop3A_213 = tpu.vector_load %arg19[%parallel_loop3A_211, %parallel_loop3A_212] {strides = array<i32>} : memref<512x128xf32, #tpu.memory_space<vmem>>, vector<16xf32>,
      tpu.vector_store %arg19[%parallel_loop3A_211, %parallel_loop3A_212], %parallel_loop3A_210 {strides = array<i32>} : memref<512x128xf32, #tpu.memory_space<vmem>>, vector<16xf32>,
      %parallel_loop3A_214 = arith.index_cast %parallel_loop3A_207 : i32 to index
      %parallel_loop3A_215 = arith.constant 16 : index
      %parallel_loop3A_216 = tpu.vector_load %arg15[%parallel_loop3A_214, %parallel_loop3A_215] {strides = array<i32>} : memref<24x32xf32, #tpu.memory_space<vmem>>, vector<16xf32>,
      %parallel_loop3A_217 = arith.index_cast %parallel_loop3A_205 : i32 to index
      %parallel_loop3A_218 = arith.constant 16 : index
      %parallel_loop3A_219 = tpu.vector_load %arg19[%parallel_loop3A_217, %parallel_loop3A_218] {strides = array<i32>} : memref<512x128xf32, #tpu.memory_space<vmem>>, vector<16xf32>,
      tpu.vector_store %arg19[%parallel_loop3A_217, %parallel_loop3A_218], %parallel_loop3A_216 {strides = array<i32>} : memref<512x128xf32, #tpu.memory_space<vmem>>, vector<16xf32>,
      %parallel_loop3A_220 = vector.extract_strided_slice %parallel_loop3A_25 {offsets = [3], sizes = [1], strides = [1]} : vector<16xi32> to vector<1xi32>
      %parallel_loop3A_221 = vector.extract %parallel_loop3A_220[0] : i32 from vector<1xi32>
      %parallel_loop3A_222 = arith.index_cast %parallel_loop3A_221 : i32 to index
      %parallel_loop3A_223 = arith.constant 0 : index
      %parallel_loop3A_224 = tpu.vector_load %arg16[%parallel_loop3A_222, %parallel_loop3A_223] {strides = array<i32>} : memref<7x32xf32, #tpu.memory_space<vmem>>, vector<16xf32>,
      %parallel_loop3A_225 = arith.index_cast %parallel_loop3A_205 : i32 to index
      %parallel_loop3A_226 = arith.constant 32 : index
      %parallel_loop3A_227 = tpu.vector_load %arg19[%parallel_loop3A_225, %parallel_loop3A_226] {strides = array<i32>} : memref<512x128xf32, #tpu.memory_space<vmem>>, vector<16xf32>,
      tpu.vector_store %arg19[%parallel_loop3A_225, %parallel_loop3A_226], %parallel_loop3A_224 {strides = array<i32>} : memref<512x128xf32, #tpu.memory_space<vmem>>, vector<16xf32>,
      %parallel_loop3A_228 = arith.index_cast %parallel_loop3A_221 : i32 to index
      %parallel_loop3A_229 = arith.constant 16 : index
      %parallel_loop3A_230 = tpu.vector_load %arg16[%parallel_loop3A_228, %parallel_loop3A_229] {strides = array<i32>} : memref<7x32xf32, #tpu.memory_space<vmem>>, vector<16xf32>,
      %parallel_loop3A_231 = arith.index_cast %parallel_loop3A_205 : i32 to index
      %parallel_loop3A_232 = arith.constant 48 : index
      %parallel_loop3A_233 = tpu.vector_load %arg19[%parallel_loop3A_231, %parallel_loop3A_232] {strides = array<i32>} : memref<512x128xf32, #tpu.memory_space<vmem>>, vector<16xf32>,
      tpu.vector_store %arg19[%parallel_loop3A_231, %parallel_loop3A_232], %parallel_loop3A_230 {strides = array<i32>} : memref<512x128xf32, #tpu.memory_space<vmem>>, vector<16xf32>,
      %parallel_loop3A_234 = vector.extract_strided_slice %parallel_loop3A_27 {offsets = [3], sizes = [1], strides = [1]} : vector<16xi32> to vector<1xi32>
      %parallel_loop3A_235 = vector.extract %parallel_loop3A_234[0] : i32 from vector<1xi32>
      %parallel_loop3A_236 = arith.index_cast %parallel_loop3A_235 : i32 to index
      %parallel_loop3A_237 = arith.constant 0 : index
      %parallel_loop3A_238 = tpu.vector_load %arg17[%parallel_loop3A_236, %parallel_loop3A_237] {strides = array<i32>} : memref<12x32xf32, #tpu.memory_space<vmem>>, vector<16xf32>,
      %parallel_loop3A_239 = arith.index_cast %parallel_loop3A_205 : i32 to index
      %parallel_loop3A_240 = arith.constant 64 : index
      %parallel_loop3A_241 = tpu.vector_load %arg19[%parallel_loop3A_239, %parallel_loop3A_240] {strides = array<i32>} : memref<512x128xf32, #tpu.memory_space<vmem>>, vector<16xf32>,
      tpu.vector_store %arg19[%parallel_loop3A_239, %parallel_loop3A_240], %parallel_loop3A_238 {strides = array<i32>} : memref<512x128xf32, #tpu.memory_space<vmem>>, vector<16xf32>,
      %parallel_loop3A_242 = arith.index_cast %parallel_loop3A_235 : i32 to index
      %parallel_loop3A_243 = arith.constant 16 : index
      %parallel_loop3A_244 = tpu.vector_load %arg17[%parallel_loop3A_242, %parallel_loop3A_243] {strides = array<i32>} : memref<12x32xf32, #tpu.memory_space<vmem>>, vector<16xf32>,
      %parallel_loop3A_245 = arith.index_cast %parallel_loop3A_205 : i32 to index
      %parallel_loop3A_246 = arith.constant 80 : index
      %parallel_loop3A_247 = tpu.vector_load %arg19[%parallel_loop3A_245, %parallel_loop3A_246] {strides = array<i32>} : memref<512x128xf32, #tpu.memory_space<vmem>>, vector<16xf32>,
      tpu.vector_store %arg19[%parallel_loop3A_245, %parallel_loop3A_246], %parallel_loop3A_244 {strides = array<i32>} : memref<512x128xf32, #tpu.memory_space<vmem>>, vector<16xf32>,
      %parallel_loop3A_248 = vector.extract_strided_slice %parallel_loop3A_29 {offsets = [3], sizes = [1], strides = [1]} : vector<16xi32> to vector<1xi32>
      %parallel_loop3A_249 = vector.extract %parallel_loop3A_248[0] : i32 from vector<1xi32>
      %parallel_loop3A_250 = arith.index_cast %parallel_loop3A_249 : i32 to index
      %parallel_loop3A_251 = arith.constant 0 : index
      %parallel_loop3A_252 = tpu.vector_load %arg18[%parallel_loop3A_250, %parallel_loop3A_251] {strides = array<i32>} : memref<10x32xf32, #tpu.memory_space<vmem>>, vector<16xf32>,
      %parallel_loop3A_253 = arith.index_cast %parallel_loop3A_205 : i32 to index
      %parallel_loop3A_254 = arith.constant 96 : index
      %parallel_loop3A_255 = tpu.vector_load %arg19[%parallel_loop3A_253, %parallel_loop3A_254] {strides = array<i32>} : memref<512x128xf32, #tpu.memory_space<vmem>>, vector<16xf32>,
      tpu.vector_store %arg19[%parallel_loop3A_253, %parallel_loop3A_254], %parallel_loop3A_252 {strides = array<i32>} : memref<512x128xf32, #tpu.memory_space<vmem>>, vector<16xf32>,
      %parallel_loop3A_256 = arith.index_cast %parallel_loop3A_249 : i32 to index
      %parallel_loop3A_257 = arith.constant 16 : index
      %parallel_loop3A_258 = tpu.vector_load %arg18[%parallel_loop3A_256, %parallel_loop3A_257] {strides = array<i32>} : memref<10x32xf32, #tpu.memory_space<vmem>>, vector<16xf32>,
      %parallel_loop3A_259 = arith.index_cast %parallel_loop3A_205 : i32 to index
      %parallel_loop3A_260 = arith.constant 112 : index
      %parallel_loop3A_261 = tpu.vector_load %arg19[%parallel_loop3A_259, %parallel_loop3A_260] {strides = array<i32>} : memref<512x128xf32, #tpu.memory_space<vmem>>, vector<16xf32>,
      tpu.vector_store %arg19[%parallel_loop3A_259, %parallel_loop3A_260], %parallel_loop3A_258 {strides = array<i32>} : memref<512x128xf32, #tpu.memory_space<vmem>>, vector<16xf32>,
      %parallel_loop3A_262 = arith.constant 4 : i32
      %parallel_loop3A_263 = arith.addi %parallel_loop3A_21, %parallel_loop3A_262 : i32
      %parallel_loop3A_264 = vector.extract_strided_slice %parallel_loop3A_23 {offsets = [4], sizes = [1], strides = [1]} : vector<16xi32> to vector<1xi32>
      %parallel_loop3A_265 = vector.extract %parallel_loop3A_264[0] : i32 from vector<1xi32>
      %parallel_loop3A_266 = arith.index_cast %parallel_loop3A_265 : i32 to index
      %parallel_loop3A_267 = arith.constant 0 : index
      %parallel_loop3A_268 = tpu.vector_load %arg15[%parallel_loop3A_266, %parallel_loop3A_267] {strides = array<i32>} : memref<24x32xf32, #tpu.memory_space<vmem>>, vector<16xf32>,
      %parallel_loop3A_269 = arith.index_cast %parallel_loop3A_263 : i32 to index
      %parallel_loop3A_270 = arith.constant 0 : index
      %parallel_loop3A_271 = tpu.vector_load %arg19[%parallel_loop3A_269, %parallel_loop3A_270] {strides = array<i32>} : memref<512x128xf32, #tpu.memory_space<vmem>>, vector<16xf32>,
      tpu.vector_store %arg19[%parallel_loop3A_269, %parallel_loop3A_270], %parallel_loop3A_268 {strides = array<i32>} : memref<512x128xf32, #tpu.memory_space<vmem>>, vector<16xf32>,
      %parallel_loop3A_272 = arith.index_cast %parallel_loop3A_265 : i32 to index
      %parallel_loop3A_273 = arith.constant 16 : index
      %parallel_loop3A_274 = tpu.vector_load %arg15[%parallel_loop3A_272, %parallel_loop3A_273] {strides = array<i32>} : memref<24x32xf32, #tpu.memory_space<vmem>>, vector<16xf32>,
      %parallel_loop3A_275 = arith.index_cast %parallel_loop3A_263 : i32 to index
      %parallel_loop3A_276 = arith.constant 16 : index
      %parallel_loop3A_277 = tpu.vector_load %arg19[%parallel_loop3A_275, %parallel_loop3A_276] {strides = array<i32>} : memref<512x128xf32, #tpu.memory_space<vmem>>, vector<16xf32>,
      tpu.vector_store %arg19[%parallel_loop3A_275, %parallel_loop3A_276], %parallel_loop3A_274 {strides = array<i32>} : memref<512x128xf32, #tpu.memory_space<vmem>>, vector<16xf32>,
      %parallel_loop3A_278 = vector.extract_strided_slice %parallel_loop3A_25 {offsets = [4], sizes = [1], strides = [1]} : vector<16xi32> to vector<1xi32>
      %parallel_loop3A_279 = vector.extract %parallel_loop3A_278[0] : i32 from vector<1xi32>
      %parallel_loop3A_280 = arith.index_cast %parallel_loop3A_279 : i32 to index
      %parallel_loop3A_281 = arith.constant 0 : index
      %parallel_loop3A_282 = tpu.vector_load %arg16[%parallel_loop3A_280, %parallel_loop3A_281] {strides = array<i32>} : memref<7x32xf32, #tpu.memory_space<vmem>>, vector<16xf32>,
      %parallel_loop3A_283 = arith.index_cast %parallel_loop3A_263 : i32 to index
      %parallel_loop3A_284 = arith.constant 32 : index
      %parallel_loop3A_285 = tpu.vector_load %arg19[%parallel_loop3A_283, %parallel_loop3A_284] {strides = array<i32>} : memref<512x128xf32, #tpu.memory_space<vmem>>, vector<16xf32>,
      tpu.vector_store %arg19[%parallel_loop3A_283, %parallel_loop3A_284], %parallel_loop3A_282 {strides = array<i32>} : memref<512x128xf32, #tpu.memory_space<vmem>>, vector<16xf32>,
      %parallel_loop3A_286 = arith.index_cast %parallel_loop3A_279 : i32 to index
      %parallel_loop3A_287 = arith.constant 16 : index
      %parallel_loop3A_288 = tpu.vector_load %arg16[%parallel_loop3A_286, %parallel_loop3A_287] {strides = array<i32>} : memref<7x32xf32, #tpu.memory_space<vmem>>, vector<16xf32>,
      %parallel_loop3A_289 = arith.index_cast %parallel_loop3A_263 : i32 to index
      %parallel_loop3A_290 = arith.constant 48 : index
      %parallel_loop3A_291 = tpu.vector_load %arg19[%parallel_loop3A_289, %parallel_loop3A_290] {strides = array<i32>} : memref<512x128xf32, #tpu.memory_space<vmem>>, vector<16xf32>,
      tpu.vector_store %arg19[%parallel_loop3A_289, %parallel_loop3A_290], %parallel_loop3A_288 {strides = array<i32>} : memref<512x128xf32, #tpu.memory_space<vmem>>, vector<16xf32>,
      %parallel_loop3A_292 = vector.extract_strided_slice %parallel_loop3A_27 {offsets = [4], sizes = [1], strides = [1]} : vector<16xi32> to vector<1xi32>
      %parallel_loop3A_293 = vector.extract %parallel_loop3A_292[0] : i32 from vector<1xi32>
      %parallel_loop3A_294 = arith.index_cast %parallel_loop3A_293 : i32 to index
      %parallel_loop3A_295 = arith.constant 0 : index
      %parallel_loop3A_296 = tpu.vector_load %arg17[%parallel_loop3A_294, %parallel_loop3A_295] {strides = array<i32>} : memref<12x32xf32, #tpu.memory_space<vmem>>, vector<16xf32>,
      %parallel_loop3A_297 = arith.index_cast %parallel_loop3A_263 : i32 to index
      %parallel_loop3A_298 = arith.constant 64 : index
      %parallel_loop3A_299 = tpu.vector_load %arg19[%parallel_loop3A_297, %parallel_loop3A_298] {strides = array<i32>} : memref<512x128xf32, #tpu.memory_space<vmem>>, vector<16xf32>,
      tpu.vector_store %arg19[%parallel_loop3A_297, %parallel_loop3A_298], %parallel_loop3A_296 {strides = array<i32>} : memref<512x128xf32, #tpu.memory_space<vmem>>, vector<16xf32>,
      %parallel_loop3A_300 = arith.index_cast %parallel_loop3A_293 : i32 to index
      %parallel_loop3A_301 = arith.constant 16 : index
      %parallel_loop3A_302 = tpu.vector_load %arg17[%parallel_loop3A_300, %parallel_loop3A_301] {strides = array<i32>} : memref<12x32xf32, #tpu.memory_space<vmem>>, vector<16xf32>,
      %parallel_loop3A_303 = arith.index_cast %parallel_loop3A_263 : i32 to index
      %parallel_loop3A_304 = arith.constant 80 : index
      %parallel_loop3A_305 = tpu.vector_load %arg19[%parallel_loop3A_303, %parallel_loop3A_304] {strides = array<i32>} : memref<512x128xf32, #tpu.memory_space<vmem>>, vector<16xf32>,
      tpu.vector_store %arg19[%parallel_loop3A_303, %parallel_loop3A_304], %parallel_loop3A_302 {strides = array<i32>} : memref<512x128xf32, #tpu.memory_space<vmem>>, vector<16xf32>,
      %parallel_loop3A_306 = vector.extract_strided_slice %parallel_loop3A_29 {offsets = [4], sizes = [1], strides = [1]} : vector<16xi32> to vector<1xi32>
      %parallel_loop3A_307 = vector.extract %parallel_loop3A_306[0] : i32 from vector<1xi32>
      %parallel_loop3A_308 = arith.index_cast %parallel_loop3A_307 : i32 to index
      %parallel_loop3A_309 = arith.constant 0 : index
      %parallel_loop3A_310 = tpu.vector_load %arg18[%parallel_loop3A_308, %parallel_loop3A_309] {strides = array<i32>} : memref<10x32xf32, #tpu.memory_space<vmem>>, vector<16xf32>,
      %parallel_loop3A_311 = arith.index_cast %parallel_loop3A_263 : i32 to index
      %parallel_loop3A_312 = arith.constant 96 : index
      %parallel_loop3A_313 = tpu.vector_load %arg19[%parallel_loop3A_311, %parallel_loop3A_312] {strides = array<i32>} : memref<512x128xf32, #tpu.memory_space<vmem>>, vector<16xf32>,
      tpu.vector_store %arg19[%parallel_loop3A_311, %parallel_loop3A_312], %parallel_loop3A_310 {strides = array<i32>} : memref<512x128xf32, #tpu.memory_space<vmem>>, vector<16xf32>,
      %parallel_loop3A_314 = arith.index_cast %parallel_loop3A_307 : i32 to index
      %parallel_loop3A_315 = arith.constant 16 : index
      %parallel_loop3A_316 = tpu.vector_load %arg18[%parallel_loop3A_314, %parallel_loop3A_315] {strides = array<i32>} : memref<10x32xf32, #tpu.memory_space<vmem>>, vector<16xf32>,
      %parallel_loop3A_317 = arith.index_cast %parallel_loop3A_263 : i32 to index
      %parallel_loop3A_318 = arith.constant 112 : index
      %parallel_loop3A_319 = tpu.vector_load %arg19[%parallel_loop3A_317, %parallel_loop3A_318] {strides = array<i32>} : memref<512x128xf32, #tpu.memory_space<vmem>>, vector<16xf32>,
      tpu.vector_store %arg19[%parallel_loop3A_317, %parallel_loop3A_318], %parallel_loop3A_316 {strides = array<i32>} : memref<512x128xf32, #tpu.memory_space<vmem>>, vector<16xf32>,
      %parallel_loop3A_320 = arith.constant 5 : i32
      %parallel_loop3A_321 = arith.addi %parallel_loop3A_21, %parallel_loop3A_320 : i32
      %parallel_loop3A_322 = vector.extract_strided_slice %parallel_loop3A_23 {offsets = [5], sizes = [1], strides = [1]} : vector<16xi32> to vector<1xi32>
      %parallel_loop3A_323 = vector.extract %parallel_loop3A_322[0] : i32 from vector<1xi32>
      %parallel_loop3A_324 = arith.index_cast %parallel_loop3A_323 : i32 to index
      %parallel_loop3A_325 = arith.constant 0 : index
      %parallel_loop3A_326 = tpu.vector_load %arg15[%parallel_loop3A_324, %parallel_loop3A_325] {strides = array<i32>} : memref<24x32xf32, #tpu.memory_space<vmem>>, vector<16xf32>,
      %parallel_loop3A_327 = arith.index_cast %parallel_loop3A_321 : i32 to index
      %parallel_loop3A_328 = arith.constant 0 : index
      %parallel_loop3A_329 = tpu.vector_load %arg19[%parallel_loop3A_327, %parallel_loop3A_328] {strides = array<i32>} : memref<512x128xf32, #tpu.memory_space<vmem>>, vector<16xf32>,
      tpu.vector_store %arg19[%parallel_loop3A_327, %parallel_loop3A_328], %parallel_loop3A_326 {strides = array<i32>} : memref<512x128xf32, #tpu.memory_space<vmem>>, vector<16xf32>,
      %parallel_loop3A_330 = arith.index_cast %parallel_loop3A_323 : i32 to index
      %parallel_loop3A_331 = arith.constant 16 : index
      %parallel_loop3A_332 = tpu.vector_load %arg15[%parallel_loop3A_330, %parallel_loop3A_331] {strides = array<i32>} : memref<24x32xf32, #tpu.memory_space<vmem>>, vector<16xf32>,
      %parallel_loop3A_333 = arith.index_cast %parallel_loop3A_321 : i32 to index
      %parallel_loop3A_334 = arith.constant 16 : index
      %parallel_loop3A_335 = tpu.vector_load %arg19[%parallel_loop3A_333, %parallel_loop3A_334] {strides = array<i32>} : memref<512x128xf32, #tpu.memory_space<vmem>>, vector<16xf32>,
      tpu.vector_store %arg19[%parallel_loop3A_333, %parallel_loop3A_334], %parallel_loop3A_332 {strides = array<i32>} : memref<512x128xf32, #tpu.memory_space<vmem>>, vector<16xf32>,
      %parallel_loop3A_336 = vector.extract_strided_slice %parallel_loop3A_25 {offsets = [5], sizes = [1], strides = [1]} : vector<16xi32> to vector<1xi32>
      %parallel_loop3A_337 = vector.extract %parallel_loop3A_336[0] : i32 from vector<1xi32>
      %parallel_loop3A_338 = arith.index_cast %parallel_loop3A_337 : i32 to index
      %parallel_loop3A_339 = arith.constant 0 : index
      %parallel_loop3A_340 = tpu.vector_load %arg16[%parallel_loop3A_338, %parallel_loop3A_339] {strides = array<i32>} : memref<7x32xf32, #tpu.memory_space<vmem>>, vector<16xf32>,
      %parallel_loop3A_341 = arith.index_cast %parallel_loop3A_321 : i32 to index
      %parallel_loop3A_342 = arith.constant 32 : index
      %parallel_loop3A_343 = tpu.vector_load %arg19[%parallel_loop3A_341, %parallel_loop3A_342] {strides = array<i32>} : memref<512x128xf32, #tpu.memory_space<vmem>>, vector<16xf32>,
      tpu.vector_store %arg19[%parallel_loop3A_341, %parallel_loop3A_342], %parallel_loop3A_340 {strides = array<i32>} : memref<512x128xf32, #tpu.memory_space<vmem>>, vector<16xf32>,
      %parallel_loop3A_344 = arith.index_cast %parallel_loop3A_337 : i32 to index
      %parallel_loop3A_345 = arith.constant 16 : index
      %parallel_loop3A_346 = tpu.vector_load %arg16[%parallel_loop3A_344, %parallel_loop3A_345] {strides = array<i32>} : memref<7x32xf32, #tpu.memory_space<vmem>>, vector<16xf32>,
      %parallel_loop3A_347 = arith.index_cast %parallel_loop3A_321 : i32 to index
      %parallel_loop3A_348 = arith.constant 48 : index
      %parallel_loop3A_349 = tpu.vector_load %arg19[%parallel_loop3A_347, %parallel_loop3A_348] {strides = array<i32>} : memref<512x128xf32, #tpu.memory_space<vmem>>, vector<16xf32>,
      tpu.vector_store %arg19[%parallel_loop3A_347, %parallel_loop3A_348], %parallel_loop3A_346 {strides = array<i32>} : memref<512x128xf32, #tpu.memory_space<vmem>>, vector<16xf32>,
      %parallel_loop3A_350 = vector.extract_strided_slice %parallel_loop3A_27 {offsets = [5], sizes = [1], strides = [1]} : vector<16xi32> to vector<1xi32>
      %parallel_loop3A_351 = vector.extract %parallel_loop3A_350[0] : i32 from vector<1xi32>
      %parallel_loop3A_352 = arith.index_cast %parallel_loop3A_351 : i32 to index
      %parallel_loop3A_353 = arith.constant 0 : index
      %parallel_loop3A_354 = tpu.vector_load %arg17[%parallel_loop3A_352, %parallel_loop3A_353] {strides = array<i32>} : memref<12x32xf32, #tpu.memory_space<vmem>>, vector<16xf32>,
      %parallel_loop3A_355 = arith.index_cast %parallel_loop3A_321 : i32 to index
      %parallel_loop3A_356 = arith.constant 64 : index
      %parallel_loop3A_357 = tpu.vector_load %arg19[%parallel_loop3A_355, %parallel_loop3A_356] {strides = array<i32>} : memref<512x128xf32, #tpu.memory_space<vmem>>, vector<16xf32>,
      tpu.vector_store %arg19[%parallel_loop3A_355, %parallel_loop3A_356], %parallel_loop3A_354 {strides = array<i32>} : memref<512x128xf32, #tpu.memory_space<vmem>>, vector<16xf32>,
      %parallel_loop3A_358 = arith.index_cast %parallel_loop3A_351 : i32 to index
      %parallel_loop3A_359 = arith.constant 16 : index
      %parallel_loop3A_360 = tpu.vector_load %arg17[%parallel_loop3A_358, %parallel_loop3A_359] {strides = array<i32>} : memref<12x32xf32, #tpu.memory_space<vmem>>, vector<16xf32>,
      %parallel_loop3A_361 = arith.index_cast %parallel_loop3A_321 : i32 to index
      %parallel_loop3A_362 = arith.constant 80 : index
      %parallel_loop3A_363 = tpu.vector_load %arg19[%parallel_loop3A_361, %parallel_loop3A_362] {strides = array<i32>} : memref<512x128xf32, #tpu.memory_space<vmem>>, vector<16xf32>,
      tpu.vector_store %arg19[%parallel_loop3A_361, %parallel_loop3A_362], %parallel_loop3A_360 {strides = array<i32>} : memref<512x128xf32, #tpu.memory_space<vmem>>, vector<16xf32>,
      %parallel_loop3A_364 = vector.extract_strided_slice %parallel_loop3A_29 {offsets = [5], sizes = [1], strides = [1]} : vector<16xi32> to vector<1xi32>
      %parallel_loop3A_365 = vector.extract %parallel_loop3A_364[0] : i32 from vector<1xi32>
      %parallel_loop3A_366 = arith.index_cast %parallel_loop3A_365 : i32 to index
      %parallel_loop3A_367 = arith.constant 0 : index
      %parallel_loop3A_368 = tpu.vector_load %arg18[%parallel_loop3A_366, %parallel_loop3A_367] {strides = array<i32>} : memref<10x32xf32, #tpu.memory_space<vmem>>, vector<16xf32>,
      %parallel_loop3A_369 = arith.index_cast %parallel_loop3A_321 : i32 to index
      %parallel_loop3A_370 = arith.constant 96 : index
      %parallel_loop3A_371 = tpu.vector_load %arg19[%parallel_loop3A_369, %parallel_loop3A_370] {strides = array<i32>} : memref<512x128xf32, #tpu.memory_space<vmem>>, vector<16xf32>,
      tpu.vector_store %arg19[%parallel_loop3A_369, %parallel_loop3A_370], %parallel_loop3A_368 {strides = array<i32>} : memref<512x128xf32, #tpu.memory_space<vmem>>, vector<16xf32>,
      %parallel_loop3A_372 = arith.index_cast %parallel_loop3A_365 : i32 to index
      %parallel_loop3A_373 = arith.constant 16 : index
      %parallel_loop3A_374 = tpu.vector_load %arg18[%parallel_loop3A_372, %parallel_loop3A_373] {strides = array<i32>} : memref<10x32xf32, #tpu.memory_space<vmem>>, vector<16xf32>,
      %parallel_loop3A_375 = arith.index_cast %parallel_loop3A_321 : i32 to index
      %parallel_loop3A_376 = arith.constant 112 : index
      %parallel_loop3A_377 = tpu.vector_load %arg19[%parallel_loop3A_375, %parallel_loop3A_376] {strides = array<i32>} : memref<512x128xf32, #tpu.memory_space<vmem>>, vector<16xf32>,
      tpu.vector_store %arg19[%parallel_loop3A_375, %parallel_loop3A_376], %parallel_loop3A_374 {strides = array<i32>} : memref<512x128xf32, #tpu.memory_space<vmem>>, vector<16xf32>,
      %parallel_loop3A_378 = arith.constant 6 : i32
      %parallel_loop3A_379 = arith.addi %parallel_loop3A_21, %parallel_loop3A_378 : i32
      %parallel_loop3A_380 = vector.extract_strided_slice %parallel_loop3A_23 {offsets = [6], sizes = [1], strides = [1]} : vector<16xi32> to vector<1xi32>
      %parallel_loop3A_381 = vector.extract %parallel_loop3A_380[0] : i32 from vector<1xi32>
      %parallel_loop3A_382 = arith.index_cast %parallel_loop3A_381 : i32 to index
      %parallel_loop3A_383 = arith.constant 0 : index
      %parallel_loop3A_384 = tpu.vector_load %arg15[%parallel_loop3A_382, %parallel_loop3A_383] {strides = array<i32>} : memref<24x32xf32, #tpu.memory_space<vmem>>, vector<16xf32>,
      %parallel_loop3A_385 = arith.index_cast %parallel_loop3A_379 : i32 to index
      %parallel_loop3A_386 = arith.constant 0 : index
      %parallel_loop3A_387 = tpu.vector_load %arg19[%parallel_loop3A_385, %parallel_loop3A_386] {strides = array<i32>} : memref<512x128xf32, #tpu.memory_space<vmem>>, vector<16xf32>,
      tpu.vector_store %arg19[%parallel_loop3A_385, %parallel_loop3A_386], %parallel_loop3A_384 {strides = array<i32>} : memref<512x128xf32, #tpu.memory_space<vmem>>, vector<16xf32>,
      %parallel_loop3A_388 = arith.index_cast %parallel_loop3A_381 : i32 to index
      %parallel_loop3A_389 = arith.constant 16 : index
      %parallel_loop3A_390 = tpu.vector_load %arg15[%parallel_loop3A_388, %parallel_loop3A_389] {strides = array<i32>} : memref<24x32xf32, #tpu.memory_space<vmem>>, vector<16xf32>,
      %parallel_loop3A_391 = arith.index_cast %parallel_loop3A_379 : i32 to index
      %parallel_loop3A_392 = arith.constant 16 : index
      %parallel_loop3A_393 = tpu.vector_load %arg19[%parallel_loop3A_391, %parallel_loop3A_392] {strides = array<i32>} : memref<512x128xf32, #tpu.memory_space<vmem>>, vector<16xf32>,
      tpu.vector_store %arg19[%parallel_loop3A_391, %parallel_loop3A_392], %parallel_loop3A_390 {strides = array<i32>} : memref<512x128xf32, #tpu.memory_space<vmem>>, vector<16xf32>,
      %parallel_loop3A_394 = vector.extract_strided_slice %parallel_loop3A_25 {offsets = [6], sizes = [1], strides = [1]} : vector<16xi32> to vector<1xi32>
      %parallel_loop3A_395 = vector.extract %parallel_loop3A_394[0] : i32 from vector<1xi32>
      %parallel_loop3A_396 = arith.index_cast %parallel_loop3A_395 : i32 to index
      %parallel_loop3A_397 = arith.constant 0 : index
      %parallel_loop3A_398 = tpu.vector_load %arg16[%parallel_loop3A_396, %parallel_loop3A_397] {strides = array<i32>} : memref<7x32xf32, #tpu.memory_space<vmem>>, vector<16xf32>,
      %parallel_loop3A_399 = arith.index_cast %parallel_loop3A_379 : i32 to index
      %parallel_loop3A_400 = arith.constant 32 : index
      %parallel_loop3A_401 = tpu.vector_load %arg19[%parallel_loop3A_399, %parallel_loop3A_400] {strides = array<i32>} : memref<512x128xf32, #tpu.memory_space<vmem>>, vector<16xf32>,
      tpu.vector_store %arg19[%parallel_loop3A_399, %parallel_loop3A_400], %parallel_loop3A_398 {strides = array<i32>} : memref<512x128xf32, #tpu.memory_space<vmem>>, vector<16xf32>,
      %parallel_loop3A_402 = arith.index_cast %parallel_loop3A_395 : i32 to index
      %parallel_loop3A_403 = arith.constant 16 : index
      %parallel_loop3A_404 = tpu.vector_load %arg16[%parallel_loop3A_402, %parallel_loop3A_403] {strides = array<i32>} : memref<7x32xf32, #tpu.memory_space<vmem>>, vector<16xf32>,
      %parallel_loop3A_405 = arith.index_cast %parallel_loop3A_379 : i32 to index
      %parallel_loop3A_406 = arith.constant 48 : index
      %parallel_loop3A_407 = tpu.vector_load %arg19[%parallel_loop3A_405, %parallel_loop3A_406] {strides = array<i32>} : memref<512x128xf32, #tpu.memory_space<vmem>>, vector<16xf32>,
      tpu.vector_store %arg19[%parallel_loop3A_405, %parallel_loop3A_406], %parallel_loop3A_404 {strides = array<i32>} : memref<512x128xf32, #tpu.memory_space<vmem>>, vector<16xf32>,
      %parallel_loop3A_408 = vector.extract_strided_slice %parallel_loop3A_27 {offsets = [6], sizes = [1], strides = [1]} : vector<16xi32> to vector<1xi32>
      %parallel_loop3A_409 = vector.extract %parallel_loop3A_408[0] : i32 from vector<1xi32>
      %parallel_loop3A_410 = arith.index_cast %parallel_loop3A_409 : i32 to index
      %parallel_loop3A_411 = arith.constant 0 : index
      %parallel_loop3A_412 = tpu.vector_load %arg17[%parallel_loop3A_410, %parallel_loop3A_411] {strides = array<i32>} : memref<12x32xf32, #tpu.memory_space<vmem>>, vector<16xf32>,
      %parallel_loop3A_413 = arith.index_cast %parallel_loop3A_379 : i32 to index
      %parallel_loop3A_414 = arith.constant 64 : index
      %parallel_loop3A_415 = tpu.vector_load %arg19[%parallel_loop3A_413, %parallel_loop3A_414] {strides = array<i32>} : memref<512x128xf32, #tpu.memory_space<vmem>>, vector<16xf32>,
      tpu.vector_store %arg19[%parallel_loop3A_413, %parallel_loop3A_414], %parallel_loop3A_412 {strides = array<i32>} : memref<512x128xf32, #tpu.memory_space<vmem>>, vector<16xf32>,
      %parallel_loop3A_416 = arith.index_cast %parallel_loop3A_409 : i32 to index
      %parallel_loop3A_417 = arith.constant 16 : index
      %parallel_loop3A_418 = tpu.vector_load %arg17[%parallel_loop3A_416, %parallel_loop3A_417] {strides = array<i32>} : memref<12x32xf32, #tpu.memory_space<vmem>>, vector<16xf32>,
      %parallel_loop3A_419 = arith.index_cast %parallel_loop3A_379 : i32 to index
      %parallel_loop3A_420 = arith.constant 80 : index
      %parallel_loop3A_421 = tpu.vector_load %arg19[%parallel_loop3A_419, %parallel_loop3A_420] {strides = array<i32>} : memref<512x128xf32, #tpu.memory_space<vmem>>, vector<16xf32>,
      tpu.vector_store %arg19[%parallel_loop3A_419, %parallel_loop3A_420], %parallel_loop3A_418 {strides = array<i32>} : memref<512x128xf32, #tpu.memory_space<vmem>>, vector<16xf32>,
      %parallel_loop3A_422 = vector.extract_strided_slice %parallel_loop3A_29 {offsets = [6], sizes = [1], strides = [1]} : vector<16xi32> to vector<1xi32>
      %parallel_loop3A_423 = vector.extract %parallel_loop3A_422[0] : i32 from vector<1xi32>
      %parallel_loop3A_424 = arith.index_cast %parallel_loop3A_423 : i32 to index
      %parallel_loop3A_425 = arith.constant 0 : index
      %parallel_loop3A_426 = tpu.vector_load %arg18[%parallel_loop3A_424, %parallel_loop3A_425] {strides = array<i32>} : memref<10x32xf32, #tpu.memory_space<vmem>>, vector<16xf32>,
      %parallel_loop3A_427 = arith.index_cast %parallel_loop3A_379 : i32 to index
      %parallel_loop3A_428 = arith.constant 96 : index
      %parallel_loop3A_429 = tpu.vector_load %arg19[%parallel_loop3A_427, %parallel_loop3A_428] {strides = array<i32>} : memref<512x128xf32, #tpu.memory_space<vmem>>, vector<16xf32>,
      tpu.vector_store %arg19[%parallel_loop3A_427, %parallel_loop3A_428], %parallel_loop3A_426 {strides = array<i32>} : memref<512x128xf32, #tpu.memory_space<vmem>>, vector<16xf32>,
      %parallel_loop3A_430 = arith.index_cast %parallel_loop3A_423 : i32 to index
      %parallel_loop3A_431 = arith.constant 16 : index
      %parallel_loop3A_432 = tpu.vector_load %arg18[%parallel_loop3A_430, %parallel_loop3A_431] {strides = array<i32>} : memref<10x32xf32, #tpu.memory_space<vmem>>, vector<16xf32>,
      %parallel_loop3A_433 = arith.index_cast %parallel_loop3A_379 : i32 to index
      %parallel_loop3A_434 = arith.constant 112 : index
      %parallel_loop3A_435 = tpu.vector_load %arg19[%parallel_loop3A_433, %parallel_loop3A_434] {strides = array<i32>} : memref<512x128xf32, #tpu.memory_space<vmem>>, vector<16xf32>,
      tpu.vector_store %arg19[%parallel_loop3A_433, %parallel_loop3A_434], %parallel_loop3A_432 {strides = array<i32>} : memref<512x128xf32, #tpu.memory_space<vmem>>, vector<16xf32>,
      %parallel_loop3A_436 = arith.constant 7 : i32
      %parallel_loop3A_437 = arith.addi %parallel_loop3A_21, %parallel_loop3A_436 : i32
      %parallel_loop3A_438 = vector.extract_strided_slice %parallel_loop3A_23 {offsets = [7], sizes = [1], strides = [1]} : vector<16xi32> to vector<1xi32>
      %parallel_loop3A_439 = vector.extract %parallel_loop3A_438[0] : i32 from vector<1xi32>
      %parallel_loop3A_440 = arith.index_cast %parallel_loop3A_439 : i32 to index
      %parallel_loop3A_441 = arith.constant 0 : index
      %parallel_loop3A_442 = tpu.vector_load %arg15[%parallel_loop3A_440, %parallel_loop3A_441] {strides = array<i32>} : memref<24x32xf32, #tpu.memory_space<vmem>>, vector<16xf32>,
      %parallel_loop3A_443 = arith.index_cast %parallel_loop3A_437 : i32 to index
      %parallel_loop3A_444 = arith.constant 0 : index
      %parallel_loop3A_445 = tpu.vector_load %arg19[%parallel_loop3A_443, %parallel_loop3A_444] {strides = array<i32>} : memref<512x128xf32, #tpu.memory_space<vmem>>, vector<16xf32>,
      tpu.vector_store %arg19[%parallel_loop3A_443, %parallel_loop3A_444], %parallel_loop3A_442 {strides = array<i32>} : memref<512x128xf32, #tpu.memory_space<vmem>>, vector<16xf32>,
      %parallel_loop3A_446 = arith.index_cast %parallel_loop3A_439 : i32 to index
      %parallel_loop3A_447 = arith.constant 16 : index
      %parallel_loop3A_448 = tpu.vector_load %arg15[%parallel_loop3A_446, %parallel_loop3A_447] {strides = array<i32>} : memref<24x32xf32, #tpu.memory_space<vmem>>, vector<16xf32>,
      %parallel_loop3A_449 = arith.index_cast %parallel_loop3A_437 : i32 to index
      %parallel_loop3A_450 = arith.constant 16 : index
      %parallel_loop3A_451 = tpu.vector_load %arg19[%parallel_loop3A_449, %parallel_loop3A_450] {strides = array<i32>} : memref<512x128xf32, #tpu.memory_space<vmem>>, vector<16xf32>,
      tpu.vector_store %arg19[%parallel_loop3A_449, %parallel_loop3A_450], %parallel_loop3A_448 {strides = array<i32>} : memref<512x128xf32, #tpu.memory_space<vmem>>, vector<16xf32>,
      %parallel_loop3A_452 = vector.extract_strided_slice %parallel_loop3A_25 {offsets = [7], sizes = [1], strides = [1]} : vector<16xi32> to vector<1xi32>
      %parallel_loop3A_453 = vector.extract %parallel_loop3A_452[0] : i32 from vector<1xi32>
      %parallel_loop3A_454 = arith.index_cast %parallel_loop3A_453 : i32 to index
      %parallel_loop3A_455 = arith.constant 0 : index
      %parallel_loop3A_456 = tpu.vector_load %arg16[%parallel_loop3A_454, %parallel_loop3A_455] {strides = array<i32>} : memref<7x32xf32, #tpu.memory_space<vmem>>, vector<16xf32>,
      %parallel_loop3A_457 = arith.index_cast %parallel_loop3A_437 : i32 to index
      %parallel_loop3A_458 = arith.constant 32 : index
      %parallel_loop3A_459 = tpu.vector_load %arg19[%parallel_loop3A_457, %parallel_loop3A_458] {strides = array<i32>} : memref<512x128xf32, #tpu.memory_space<vmem>>, vector<16xf32>,
      tpu.vector_store %arg19[%parallel_loop3A_457, %parallel_loop3A_458], %parallel_loop3A_456 {strides = array<i32>} : memref<512x128xf32, #tpu.memory_space<vmem>>, vector<16xf32>,
      %parallel_loop3A_460 = arith.index_cast %parallel_loop3A_453 : i32 to index
      %parallel_loop3A_461 = arith.constant 16 : index
      %parallel_loop3A_462 = tpu.vector_load %arg16[%parallel_loop3A_460, %parallel_loop3A_461] {strides = array<i32>} : memref<7x32xf32, #tpu.memory_space<vmem>>, vector<16xf32>,
      %parallel_loop3A_463 = arith.index_cast %parallel_loop3A_437 : i32 to index
      %parallel_loop3A_464 = arith.constant 48 : index
      %parallel_loop3A_465 = tpu.vector_load %arg19[%parallel_loop3A_463, %parallel_loop3A_464] {strides = array<i32>} : memref<512x128xf32, #tpu.memory_space<vmem>>, vector<16xf32>,
      tpu.vector_store %arg19[%parallel_loop3A_463, %parallel_loop3A_464], %parallel_loop3A_462 {strides = array<i32>} : memref<512x128xf32, #tpu.memory_space<vmem>>, vector<16xf32>,
      %parallel_loop3A_466 = vector.extract_strided_slice %parallel_loop3A_27 {offsets = [7], sizes = [1], strides = [1]} : vector<16xi32> to vector<1xi32>
      %parallel_loop3A_467 = vector.extract %parallel_loop3A_466[0] : i32 from vector<1xi32>
      %parallel_loop3A_468 = arith.index_cast %parallel_loop3A_467 : i32 to index
      %parallel_loop3A_469 = arith.constant 0 : index
      %parallel_loop3A_470 = tpu.vector_load %arg17[%parallel_loop3A_468, %parallel_loop3A_469] {strides = array<i32>} : memref<12x32xf32, #tpu.memory_space<vmem>>, vector<16xf32>,
      %parallel_loop3A_471 = arith.index_cast %parallel_loop3A_437 : i32 to index
      %parallel_loop3A_472 = arith.constant 64 : index
      %parallel_loop3A_473 = tpu.vector_load %arg19[%parallel_loop3A_471, %parallel_loop3A_472] {strides = array<i32>} : memref<512x128xf32, #tpu.memory_space<vmem>>, vector<16xf32>,
      tpu.vector_store %arg19[%parallel_loop3A_471, %parallel_loop3A_472], %parallel_loop3A_470 {strides = array<i32>} : memref<512x128xf32, #tpu.memory_space<vmem>>, vector<16xf32>,
      %parallel_loop3A_474 = arith.index_cast %parallel_loop3A_467 : i32 to index
      %parallel_loop3A_475 = arith.constant 16 : index
      %parallel_loop3A_476 = tpu.vector_load %arg17[%parallel_loop3A_474, %parallel_loop3A_475] {strides = array<i32>} : memref<12x32xf32, #tpu.memory_space<vmem>>, vector<16xf32>,
      %parallel_loop3A_477 = arith.index_cast %parallel_loop3A_437 : i32 to index
      %parallel_loop3A_478 = arith.constant 80 : index
      %parallel_loop3A_479 = tpu.vector_load %arg19[%parallel_loop3A_477, %parallel_loop3A_478] {strides = array<i32>} : memref<512x128xf32, #tpu.memory_space<vmem>>, vector<16xf32>,
      tpu.vector_store %arg19[%parallel_loop3A_477, %parallel_loop3A_478], %parallel_loop3A_476 {strides = array<i32>} : memref<512x128xf32, #tpu.memory_space<vmem>>, vector<16xf32>,
      %parallel_loop3A_480 = vector.extract_strided_slice %parallel_loop3A_29 {offsets = [7], sizes = [1], strides = [1]} : vector<16xi32> to vector<1xi32>
      %parallel_loop3A_481 = vector.extract %parallel_loop3A_480[0] : i32 from vector<1xi32>
      %parallel_loop3A_482 = arith.index_cast %parallel_loop3A_481 : i32 to index
      %parallel_loop3A_483 = arith.constant 0 : index
      %parallel_loop3A_484 = tpu.vector_load %arg18[%parallel_loop3A_482, %parallel_loop3A_483] {strides = array<i32>} : memref<10x32xf32, #tpu.memory_space<vmem>>, vector<16xf32>,
      %parallel_loop3A_485 = arith.index_cast %parallel_loop3A_437 : i32 to index
      %parallel_loop3A_486 = arith.constant 96 : index
      %parallel_loop3A_487 = tpu.vector_load %arg19[%parallel_loop3A_485, %parallel_loop3A_486] {strides = array<i32>} : memref<512x128xf32, #tpu.memory_space<vmem>>, vector<16xf32>,
      tpu.vector_store %arg19[%parallel_loop3A_485, %parallel_loop3A_486], %parallel_loop3A_484 {strides = array<i32>} : memref<512x128xf32, #tpu.memory_space<vmem>>, vector<16xf32>,
      %parallel_loop3A_488 = arith.index_cast %parallel_loop3A_481 : i32 to index
      %parallel_loop3A_489 = arith.constant 16 : index
      %parallel_loop3A_490 = tpu.vector_load %arg18[%parallel_loop3A_488, %parallel_loop3A_489] {strides = array<i32>} : memref<10x32xf32, #tpu.memory_space<vmem>>, vector<16xf32>,
      %parallel_loop3A_491 = arith.index_cast %parallel_loop3A_437 : i32 to index
      %parallel_loop3A_492 = arith.constant 112 : index
      %parallel_loop3A_493 = tpu.vector_load %arg19[%parallel_loop3A_491, %parallel_loop3A_492] {strides = array<i32>} : memref<512x128xf32, #tpu.memory_space<vmem>>, vector<16xf32>,
      tpu.vector_store %arg19[%parallel_loop3A_491, %parallel_loop3A_492], %parallel_loop3A_490 {strides = array<i32>} : memref<512x128xf32, #tpu.memory_space<vmem>>, vector<16xf32>,
      %parallel_loop3A_494 = arith.constant 8 : i32
      %parallel_loop3A_495 = arith.addi %parallel_loop3A_21, %parallel_loop3A_494 : i32
      %parallel_loop3A_496 = vector.extract_strided_slice %parallel_loop3A_23 {offsets = [8], sizes = [1], strides = [1]} : vector<16xi32> to vector<1xi32>
      %parallel_loop3A_497 = vector.extract %parallel_loop3A_496[0] : i32 from vector<1xi32>
      %parallel_loop3A_498 = arith.index_cast %parallel_loop3A_497 : i32 to index
      %parallel_loop3A_499 = arith.constant 0 : index
      %parallel_loop3A_500 = tpu.vector_load %arg15[%parallel_loop3A_498, %parallel_loop3A_499] {strides = array<i32>} : memref<24x32xf32, #tpu.memory_space<vmem>>, vector<16xf32>,
      %parallel_loop3A_501 = arith.index_cast %parallel_loop3A_495 : i32 to index
      %parallel_loop3A_502 = arith.constant 0 : index
      %parallel_loop3A_503 = tpu.vector_load %arg19[%parallel_loop3A_501, %parallel_loop3A_502] {strides = array<i32>} : memref<512x128xf32, #tpu.memory_space<vmem>>, vector<16xf32>,
      tpu.vector_store %arg19[%parallel_loop3A_501, %parallel_loop3A_502], %parallel_loop3A_500 {strides = array<i32>} : memref<512x128xf32, #tpu.memory_space<vmem>>, vector<16xf32>,
      %parallel_loop3A_504 = arith.index_cast %parallel_loop3A_497 : i32 to index
      %parallel_loop3A_505 = arith.constant 16 : index
      %parallel_loop3A_506 = tpu.vector_load %arg15[%parallel_loop3A_504, %parallel_loop3A_505] {strides = array<i32>} : memref<24x32xf32, #tpu.memory_space<vmem>>, vector<16xf32>,
      %parallel_loop3A_507 = arith.index_cast %parallel_loop3A_495 : i32 to index
      %parallel_loop3A_508 = arith.constant 16 : index
      %parallel_loop3A_509 = tpu.vector_load %arg19[%parallel_loop3A_507, %parallel_loop3A_508] {strides = array<i32>} : memref<512x128xf32, #tpu.memory_space<vmem>>, vector<16xf32>,
      tpu.vector_store %arg19[%parallel_loop3A_507, %parallel_loop3A_508], %parallel_loop3A_506 {strides = array<i32>} : memref<512x128xf32, #tpu.memory_space<vmem>>, vector<16xf32>,
      %parallel_loop3A_510 = vector.extract_strided_slice %parallel_loop3A_25 {offsets = [8], sizes = [1], strides = [1]} : vector<16xi32> to vector<1xi32>
      %parallel_loop3A_511 = vector.extract %parallel_loop3A_510[0] : i32 from vector<1xi32>
      %parallel_loop3A_512 = arith.index_cast %parallel_loop3A_511 : i32 to index
      %parallel_loop3A_513 = arith.constant 0 : index
      %parallel_loop3A_514 = tpu.vector_load %arg16[%parallel_loop3A_512, %parallel_loop3A_513] {strides = array<i32>} : memref<7x32xf32, #tpu.memory_space<vmem>>, vector<16xf32>,
      %parallel_loop3A_515 = arith.index_cast %parallel_loop3A_495 : i32 to index
      %parallel_loop3A_516 = arith.constant 32 : index
      %parallel_loop3A_517 = tpu.vector_load %arg19[%parallel_loop3A_515, %parallel_loop3A_516] {strides = array<i32>} : memref<512x128xf32, #tpu.memory_space<vmem>>, vector<16xf32>,
      tpu.vector_store %arg19[%parallel_loop3A_515, %parallel_loop3A_516], %parallel_loop3A_514 {strides = array<i32>} : memref<512x128xf32, #tpu.memory_space<vmem>>, vector<16xf32>,
      %parallel_loop3A_518 = arith.index_cast %parallel_loop3A_511 : i32 to index
      %parallel_loop3A_519 = arith.constant 16 : index
      %parallel_loop3A_520 = tpu.vector_load %arg16[%parallel_loop3A_518, %parallel_loop3A_519] {strides = array<i32>} : memref<7x32xf32, #tpu.memory_space<vmem>>, vector<16xf32>,
      %parallel_loop3A_521 = arith.index_cast %parallel_loop3A_495 : i32 to index
      %parallel_loop3A_522 = arith.constant 48 : index
      %parallel_loop3A_523 = tpu.vector_load %arg19[%parallel_loop3A_521, %parallel_loop3A_522] {strides = array<i32>} : memref<512x128xf32, #tpu.memory_space<vmem>>, vector<16xf32>,
      tpu.vector_store %arg19[%parallel_loop3A_521, %parallel_loop3A_522], %parallel_loop3A_520 {strides = array<i32>} : memref<512x128xf32, #tpu.memory_space<vmem>>, vector<16xf32>,
      %parallel_loop3A_524 = vector.extract_strided_slice %parallel_loop3A_27 {offsets = [8], sizes = [1], strides = [1]} : vector<16xi32> to vector<1xi32>
      %parallel_loop3A_525 = vector.extract %parallel_loop3A_524[0] : i32 from vector<1xi32>
      %parallel_loop3A_526 = arith.index_cast %parallel_loop3A_525 : i32 to index
      %parallel_loop3A_527 = arith.constant 0 : index
      %parallel_loop3A_528 = tpu.vector_load %arg17[%parallel_loop3A_526, %parallel_loop3A_527] {strides = array<i32>} : memref<12x32xf32, #tpu.memory_space<vmem>>, vector<16xf32>,
      %parallel_loop3A_529 = arith.index_cast %parallel_loop3A_495 : i32 to index
      %parallel_loop3A_530 = arith.constant 64 : index
      %parallel_loop3A_531 = tpu.vector_load %arg19[%parallel_loop3A_529, %parallel_loop3A_530] {strides = array<i32>} : memref<512x128xf32, #tpu.memory_space<vmem>>, vector<16xf32>,
      tpu.vector_store %arg19[%parallel_loop3A_529, %parallel_loop3A_530], %parallel_loop3A_528 {strides = array<i32>} : memref<512x128xf32, #tpu.memory_space<vmem>>, vector<16xf32>,
      %parallel_loop3A_532 = arith.index_cast %parallel_loop3A_525 : i32 to index
      %parallel_loop3A_533 = arith.constant 16 : index
      %parallel_loop3A_534 = tpu.vector_load %arg17[%parallel_loop3A_532, %parallel_loop3A_533] {strides = array<i32>} : memref<12x32xf32, #tpu.memory_space<vmem>>, vector<16xf32>,
      %parallel_loop3A_535 = arith.index_cast %parallel_loop3A_495 : i32 to index
      %parallel_loop3A_536 = arith.constant 80 : index
      %parallel_loop3A_537 = tpu.vector_load %arg19[%parallel_loop3A_535, %parallel_loop3A_536] {strides = array<i32>} : memref<512x128xf32, #tpu.memory_space<vmem>>, vector<16xf32>,
      tpu.vector_store %arg19[%parallel_loop3A_535, %parallel_loop3A_536], %parallel_loop3A_534 {strides = array<i32>} : memref<512x128xf32, #tpu.memory_space<vmem>>, vector<16xf32>,
      %parallel_loop3A_538 = vector.extract_strided_slice %parallel_loop3A_29 {offsets = [8], sizes = [1], strides = [1]} : vector<16xi32> to vector<1xi32>
      %parallel_loop3A_539 = vector.extract %parallel_loop3A_538[0] : i32 from vector<1xi32>
      %parallel_loop3A_540 = arith.index_cast %parallel_loop3A_539 : i32 to index
      %parallel_loop3A_541 = arith.constant 0 : index
      %parallel_loop3A_542 = tpu.vector_load %arg18[%parallel_loop3A_540, %parallel_loop3A_541] {strides = array<i32>} : memref<10x32xf32, #tpu.memory_space<vmem>>, vector<16xf32>,
      %parallel_loop3A_543 = arith.index_cast %parallel_loop3A_495 : i32 to index
      %parallel_loop3A_544 = arith.constant 96 : index
      %parallel_loop3A_545 = tpu.vector_load %arg19[%parallel_loop3A_543, %parallel_loop3A_544] {strides = array<i32>} : memref<512x128xf32, #tpu.memory_space<vmem>>, vector<16xf32>,
      tpu.vector_store %arg19[%parallel_loop3A_543, %parallel_loop3A_544], %parallel_loop3A_542 {strides = array<i32>} : memref<512x128xf32, #tpu.memory_space<vmem>>, vector<16xf32>,
      %parallel_loop3A_546 = arith.index_cast %parallel_loop3A_539 : i32 to index
      %parallel_loop3A_547 = arith.constant 16 : index
      %parallel_loop3A_548 = tpu.vector_load %arg18[%parallel_loop3A_546, %parallel_loop3A_547] {strides = array<i32>} : memref<10x32xf32, #tpu.memory_space<vmem>>, vector<16xf32>,
      %parallel_loop3A_549 = arith.index_cast %parallel_loop3A_495 : i32 to index
      %parallel_loop3A_550 = arith.constant 112 : index
      %parallel_loop3A_551 = tpu.vector_load %arg19[%parallel_loop3A_549, %parallel_loop3A_550] {strides = array<i32>} : memref<512x128xf32, #tpu.memory_space<vmem>>, vector<16xf32>,
      tpu.vector_store %arg19[%parallel_loop3A_549, %parallel_loop3A_550], %parallel_loop3A_548 {strides = array<i32>} : memref<512x128xf32, #tpu.memory_space<vmem>>, vector<16xf32>,
      %parallel_loop3A_552 = arith.constant 9 : i32
      %parallel_loop3A_553 = arith.addi %parallel_loop3A_21, %parallel_loop3A_552 : i32
      %parallel_loop3A_554 = vector.extract_strided_slice %parallel_loop3A_23 {offsets = [9], sizes = [1], strides = [1]} : vector<16xi32> to vector<1xi32>
      %parallel_loop3A_555 = vector.extract %parallel_loop3A_554[0] : i32 from vector<1xi32>
      %parallel_loop3A_556 = arith.index_cast %parallel_loop3A_555 : i32 to index
      %parallel_loop3A_557 = arith.constant 0 : index
      %parallel_loop3A_558 = tpu.vector_load %arg15[%parallel_loop3A_556, %parallel_loop3A_557] {strides = array<i32>} : memref<24x32xf32, #tpu.memory_space<vmem>>, vector<16xf32>,
      %parallel_loop3A_559 = arith.index_cast %parallel_loop3A_553 : i32 to index
      %parallel_loop3A_560 = arith.constant 0 : index
      %parallel_loop3A_561 = tpu.vector_load %arg19[%parallel_loop3A_559, %parallel_loop3A_560] {strides = array<i32>} : memref<512x128xf32, #tpu.memory_space<vmem>>, vector<16xf32>,
      tpu.vector_store %arg19[%parallel_loop3A_559, %parallel_loop3A_560], %parallel_loop3A_558 {strides = array<i32>} : memref<512x128xf32, #tpu.memory_space<vmem>>, vector<16xf32>,
      %parallel_loop3A_562 = arith.index_cast %parallel_loop3A_555 : i32 to index
      %parallel_loop3A_563 = arith.constant 16 : index
      %parallel_loop3A_564 = tpu.vector_load %arg15[%parallel_loop3A_562, %parallel_loop3A_563] {strides = array<i32>} : memref<24x32xf32, #tpu.memory_space<vmem>>, vector<16xf32>,
      %parallel_loop3A_565 = arith.index_cast %parallel_loop3A_553 : i32 to index
      %parallel_loop3A_566 = arith.constant 16 : index
      %parallel_loop3A_567 = tpu.vector_load %arg19[%parallel_loop3A_565, %parallel_loop3A_566] {strides = array<i32>} : memref<512x128xf32, #tpu.memory_space<vmem>>, vector<16xf32>,
      tpu.vector_store %arg19[%parallel_loop3A_565, %parallel_loop3A_566], %parallel_loop3A_564 {strides = array<i32>} : memref<512x128xf32, #tpu.memory_space<vmem>>, vector<16xf32>,
      %parallel_loop3A_568 = vector.extract_strided_slice %parallel_loop3A_25 {offsets = [9], sizes = [1], strides = [1]} : vector<16xi32> to vector<1xi32>
      %parallel_loop3A_569 = vector.extract %parallel_loop3A_568[0] : i32 from vector<1xi32>
      %parallel_loop3A_570 = arith.index_cast %parallel_loop3A_569 : i32 to index
      %parallel_loop3A_571 = arith.constant 0 : index
      %parallel_loop3A_572 = tpu.vector_load %arg16[%parallel_loop3A_570, %parallel_loop3A_571] {strides = array<i32>} : memref<7x32xf32, #tpu.memory_space<vmem>>, vector<16xf32>,
      %parallel_loop3A_573 = arith.index_cast %parallel_loop3A_553 : i32 to index
      %parallel_loop3A_574 = arith.constant 32 : index
      %parallel_loop3A_575 = tpu.vector_load %arg19[%parallel_loop3A_573, %parallel_loop3A_574] {strides = array<i32>} : memref<512x128xf32, #tpu.memory_space<vmem>>, vector<16xf32>,
      tpu.vector_store %arg19[%parallel_loop3A_573, %parallel_loop3A_574], %parallel_loop3A_572 {strides = array<i32>} : memref<512x128xf32, #tpu.memory_space<vmem>>, vector<16xf32>,
      %parallel_loop3A_576 = arith.index_cast %parallel_loop3A_569 : i32 to index
      %parallel_loop3A_577 = arith.constant 16 : index
      %parallel_loop3A_578 = tpu.vector_load %arg16[%parallel_loop3A_576, %parallel_loop3A_577] {strides = array<i32>} : memref<7x32xf32, #tpu.memory_space<vmem>>, vector<16xf32>,
      %parallel_loop3A_579 = arith.index_cast %parallel_loop3A_553 : i32 to index
      %parallel_loop3A_580 = arith.constant 48 : index
      %parallel_loop3A_581 = tpu.vector_load %arg19[%parallel_loop3A_579, %parallel_loop3A_580] {strides = array<i32>} : memref<512x128xf32, #tpu.memory_space<vmem>>, vector<16xf32>,
      tpu.vector_store %arg19[%parallel_loop3A_579, %parallel_loop3A_580], %parallel_loop3A_578 {strides = array<i32>} : memref<512x128xf32, #tpu.memory_space<vmem>>, vector<16xf32>,
      %parallel_loop3A_582 = vector.extract_strided_slice %parallel_loop3A_27 {offsets = [9], sizes = [1], strides = [1]} : vector<16xi32> to vector<1xi32>
      %parallel_loop3A_583 = vector.extract %parallel_loop3A_582[0] : i32 from vector<1xi32>
      %parallel_loop3A_584 = arith.index_cast %parallel_loop3A_583 : i32 to index
      %parallel_loop3A_585 = arith.constant 0 : index
      %parallel_loop3A_586 = tpu.vector_load %arg17[%parallel_loop3A_584, %parallel_loop3A_585] {strides = array<i32>} : memref<12x32xf32, #tpu.memory_space<vmem>>, vector<16xf32>,
      %parallel_loop3A_587 = arith.index_cast %parallel_loop3A_553 : i32 to index
      %parallel_loop3A_588 = arith.constant 64 : index
      %parallel_loop3A_589 = tpu.vector_load %arg19[%parallel_loop3A_587, %parallel_loop3A_588] {strides = array<i32>} : memref<512x128xf32, #tpu.memory_space<vmem>>, vector<16xf32>,
      tpu.vector_store %arg19[%parallel_loop3A_587, %parallel_loop3A_588], %parallel_loop3A_586 {strides = array<i32>} : memref<512x128xf32, #tpu.memory_space<vmem>>, vector<16xf32>,
      %parallel_loop3A_590 = arith.index_cast %parallel_loop3A_583 : i32 to index
      %parallel_loop3A_591 = arith.constant 16 : index
      %parallel_loop3A_592 = tpu.vector_load %arg17[%parallel_loop3A_590, %parallel_loop3A_591] {strides = array<i32>} : memref<12x32xf32, #tpu.memory_space<vmem>>, vector<16xf32>,
      %parallel_loop3A_593 = arith.index_cast %parallel_loop3A_553 : i32 to index
      %parallel_loop3A_594 = arith.constant 80 : index
      %parallel_loop3A_595 = tpu.vector_load %arg19[%parallel_loop3A_593, %parallel_loop3A_594] {strides = array<i32>} : memref<512x128xf32, #tpu.memory_space<vmem>>, vector<16xf32>,
      tpu.vector_store %arg19[%parallel_loop3A_593, %parallel_loop3A_594], %parallel_loop3A_592 {strides = array<i32>} : memref<512x128xf32, #tpu.memory_space<vmem>>, vector<16xf32>,
      %parallel_loop3A_596 = vector.extract_strided_slice %parallel_loop3A_29 {offsets = [9], sizes = [1], strides = [1]} : vector<16xi32> to vector<1xi32>
      %parallel_loop3A_597 = vector.extract %parallel_loop3A_596[0] : i32 from vector<1xi32>
      %parallel_loop3A_598 = arith.index_cast %parallel_loop3A_597 : i32 to index
      %parallel_loop3A_599 = arith.constant 0 : index
      %parallel_loop3A_600 = tpu.vector_load %arg18[%parallel_loop3A_598, %parallel_loop3A_599] {strides = array<i32>} : memref<10x32xf32, #tpu.memory_space<vmem>>, vector<16xf32>,
      %parallel_loop3A_601 = arith.index_cast %parallel_loop3A_553 : i32 to index
      %parallel_loop3A_602 = arith.constant 96 : index
      %parallel_loop3A_603 = tpu.vector_load %arg19[%parallel_loop3A_601, %parallel_loop3A_602] {strides = array<i32>} : memref<512x128xf32, #tpu.memory_space<vmem>>, vector<16xf32>,
      tpu.vector_store %arg19[%parallel_loop3A_601, %parallel_loop3A_602], %parallel_loop3A_600 {strides = array<i32>} : memref<512x128xf32, #tpu.memory_space<vmem>>, vector<16xf32>,
      %parallel_loop3A_604 = arith.index_cast %parallel_loop3A_597 : i32 to index
      %parallel_loop3A_605 = arith.constant 16 : index
      %parallel_loop3A_606 = tpu.vector_load %arg18[%parallel_loop3A_604, %parallel_loop3A_605] {strides = array<i32>} : memref<10x32xf32, #tpu.memory_space<vmem>>, vector<16xf32>,
      %parallel_loop3A_607 = arith.index_cast %parallel_loop3A_553 : i32 to index
      %parallel_loop3A_608 = arith.constant 112 : index
      %parallel_loop3A_609 = tpu.vector_load %arg19[%parallel_loop3A_607, %parallel_loop3A_608] {strides = array<i32>} : memref<512x128xf32, #tpu.memory_space<vmem>>, vector<16xf32>,
      tpu.vector_store %arg19[%parallel_loop3A_607, %parallel_loop3A_608], %parallel_loop3A_606 {strides = array<i32>} : memref<512x128xf32, #tpu.memory_space<vmem>>, vector<16xf32>,
      %parallel_loop3A_610 = arith.constant 10 : i32
      %parallel_loop3A_611 = arith.addi %parallel_loop3A_21, %parallel_loop3A_610 : i32
      %parallel_loop3A_612 = vector.extract_strided_slice %parallel_loop3A_23 {offsets = [10], sizes = [1], strides = [1]} : vector<16xi32> to vector<1xi32>
      %parallel_loop3A_613 = vector.extract %parallel_loop3A_612[0] : i32 from vector<1xi32>
      %parallel_loop3A_614 = arith.index_cast %parallel_loop3A_613 : i32 to index
      %parallel_loop3A_615 = arith.constant 0 : index
      %parallel_loop3A_616 = tpu.vector_load %arg15[%parallel_loop3A_614, %parallel_loop3A_615] {strides = array<i32>} : memref<24x32xf32, #tpu.memory_space<vmem>>, vector<16xf32>,
      %parallel_loop3A_617 = arith.index_cast %parallel_loop3A_611 : i32 to index
      %parallel_loop3A_618 = arith.constant 0 : index
      %parallel_loop3A_619 = tpu.vector_load %arg19[%parallel_loop3A_617, %parallel_loop3A_618] {strides = array<i32>} : memref<512x128xf32, #tpu.memory_space<vmem>>, vector<16xf32>,
      tpu.vector_store %arg19[%parallel_loop3A_617, %parallel_loop3A_618], %parallel_loop3A_616 {strides = array<i32>} : memref<512x128xf32, #tpu.memory_space<vmem>>, vector<16xf32>,
      %parallel_loop3A_620 = arith.index_cast %parallel_loop3A_613 : i32 to index
      %parallel_loop3A_621 = arith.constant 16 : index
      %parallel_loop3A_622 = tpu.vector_load %arg15[%parallel_loop3A_620, %parallel_loop3A_621] {strides = array<i32>} : memref<24x32xf32, #tpu.memory_space<vmem>>, vector<16xf32>,
      %parallel_loop3A_623 = arith.index_cast %parallel_loop3A_611 : i32 to index
      %parallel_loop3A_624 = arith.constant 16 : index
      %parallel_loop3A_625 = tpu.vector_load %arg19[%parallel_loop3A_623, %parallel_loop3A_624] {strides = array<i32>} : memref<512x128xf32, #tpu.memory_space<vmem>>, vector<16xf32>,
      tpu.vector_store %arg19[%parallel_loop3A_623, %parallel_loop3A_624], %parallel_loop3A_622 {strides = array<i32>} : memref<512x128xf32, #tpu.memory_space<vmem>>, vector<16xf32>,
      %parallel_loop3A_626 = vector.extract_strided_slice %parallel_loop3A_25 {offsets = [10], sizes = [1], strides = [1]} : vector<16xi32> to vector<1xi32>
      %parallel_loop3A_627 = vector.extract %parallel_loop3A_626[0] : i32 from vector<1xi32>
      %parallel_loop3A_628 = arith.index_cast %parallel_loop3A_627 : i32 to index
      %parallel_loop3A_629 = arith.constant 0 : index
      %parallel_loop3A_630 = tpu.vector_load %arg16[%parallel_loop3A_628, %parallel_loop3A_629] {strides = array<i32>} : memref<7x32xf32, #tpu.memory_space<vmem>>, vector<16xf32>,
      %parallel_loop3A_631 = arith.index_cast %parallel_loop3A_611 : i32 to index
      %parallel_loop3A_632 = arith.constant 32 : index
      %parallel_loop3A_633 = tpu.vector_load %arg19[%parallel_loop3A_631, %parallel_loop3A_632] {strides = array<i32>} : memref<512x128xf32, #tpu.memory_space<vmem>>, vector<16xf32>,
      tpu.vector_store %arg19[%parallel_loop3A_631, %parallel_loop3A_632], %parallel_loop3A_630 {strides = array<i32>} : memref<512x128xf32, #tpu.memory_space<vmem>>, vector<16xf32>,
      %parallel_loop3A_634 = arith.index_cast %parallel_loop3A_627 : i32 to index
      %parallel_loop3A_635 = arith.constant 16 : index
      %parallel_loop3A_636 = tpu.vector_load %arg16[%parallel_loop3A_634, %parallel_loop3A_635] {strides = array<i32>} : memref<7x32xf32, #tpu.memory_space<vmem>>, vector<16xf32>,
      %parallel_loop3A_637 = arith.index_cast %parallel_loop3A_611 : i32 to index
      %parallel_loop3A_638 = arith.constant 48 : index
      %parallel_loop3A_639 = tpu.vector_load %arg19[%parallel_loop3A_637, %parallel_loop3A_638] {strides = array<i32>} : memref<512x128xf32, #tpu.memory_space<vmem>>, vector<16xf32>,
      tpu.vector_store %arg19[%parallel_loop3A_637, %parallel_loop3A_638], %parallel_loop3A_636 {strides = array<i32>} : memref<512x128xf32, #tpu.memory_space<vmem>>, vector<16xf32>,
      %parallel_loop3A_640 = vector.extract_strided_slice %parallel_loop3A_27 {offsets = [10], sizes = [1], strides = [1]} : vector<16xi32> to vector<1xi32>
      %parallel_loop3A_641 = vector.extract %parallel_loop3A_640[0] : i32 from vector<1xi32>
      %parallel_loop3A_642 = arith.index_cast %parallel_loop3A_641 : i32 to index
      %parallel_loop3A_643 = arith.constant 0 : index
      %parallel_loop3A_644 = tpu.vector_load %arg17[%parallel_loop3A_642, %parallel_loop3A_643] {strides = array<i32>} : memref<12x32xf32, #tpu.memory_space<vmem>>, vector<16xf32>,
      %parallel_loop3A_645 = arith.index_cast %parallel_loop3A_611 : i32 to index
      %parallel_loop3A_646 = arith.constant 64 : index
      %parallel_loop3A_647 = tpu.vector_load %arg19[%parallel_loop3A_645, %parallel_loop3A_646] {strides = array<i32>} : memref<512x128xf32, #tpu.memory_space<vmem>>, vector<16xf32>,
      tpu.vector_store %arg19[%parallel_loop3A_645, %parallel_loop3A_646], %parallel_loop3A_644 {strides = array<i32>} : memref<512x128xf32, #tpu.memory_space<vmem>>, vector<16xf32>,
      %parallel_loop3A_648 = arith.index_cast %parallel_loop3A_641 : i32 to index
      %parallel_loop3A_649 = arith.constant 16 : index
      %parallel_loop3A_650 = tpu.vector_load %arg17[%parallel_loop3A_648, %parallel_loop3A_649] {strides = array<i32>} : memref<12x32xf32, #tpu.memory_space<vmem>>, vector<16xf32>,
      %parallel_loop3A_651 = arith.index_cast %parallel_loop3A_611 : i32 to index
      %parallel_loop3A_652 = arith.constant 80 : index
      %parallel_loop3A_653 = tpu.vector_load %arg19[%parallel_loop3A_651, %parallel_loop3A_652] {strides = array<i32>} : memref<512x128xf32, #tpu.memory_space<vmem>>, vector<16xf32>,
      tpu.vector_store %arg19[%parallel_loop3A_651, %parallel_loop3A_652], %parallel_loop3A_650 {strides = array<i32>} : memref<512x128xf32, #tpu.memory_space<vmem>>, vector<16xf32>,
      %parallel_loop3A_654 = vector.extract_strided_slice %parallel_loop3A_29 {offsets = [10], sizes = [1], strides = [1]} : vector<16xi32> to vector<1xi32>
      %parallel_loop3A_655 = vector.extract %parallel_loop3A_654[0] : i32 from vector<1xi32>
      %parallel_loop3A_656 = arith.index_cast %parallel_loop3A_655 : i32 to index
      %parallel_loop3A_657 = arith.constant 0 : index
      %parallel_loop3A_658 = tpu.vector_load %arg18[%parallel_loop3A_656, %parallel_loop3A_657] {strides = array<i32>} : memref<10x32xf32, #tpu.memory_space<vmem>>, vector<16xf32>,
      %parallel_loop3A_659 = arith.index_cast %parallel_loop3A_611 : i32 to index
      %parallel_loop3A_660 = arith.constant 96 : index
      %parallel_loop3A_661 = tpu.vector_load %arg19[%parallel_loop3A_659, %parallel_loop3A_660] {strides = array<i32>} : memref<512x128xf32, #tpu.memory_space<vmem>>, vector<16xf32>,
      tpu.vector_store %arg19[%parallel_loop3A_659, %parallel_loop3A_660], %parallel_loop3A_658 {strides = array<i32>} : memref<512x128xf32, #tpu.memory_space<vmem>>, vector<16xf32>,
      %parallel_loop3A_662 = arith.index_cast %parallel_loop3A_655 : i32 to index
      %parallel_loop3A_663 = arith.constant 16 : index
      %parallel_loop3A_664 = tpu.vector_load %arg18[%parallel_loop3A_662, %parallel_loop3A_663] {strides = array<i32>} : memref<10x32xf32, #tpu.memory_space<vmem>>, vector<16xf32>,
      %parallel_loop3A_665 = arith.index_cast %parallel_loop3A_611 : i32 to index
      %parallel_loop3A_666 = arith.constant 112 : index
      %parallel_loop3A_667 = tpu.vector_load %arg19[%parallel_loop3A_665, %parallel_loop3A_666] {strides = array<i32>} : memref<512x128xf32, #tpu.memory_space<vmem>>, vector<16xf32>,
      tpu.vector_store %arg19[%parallel_loop3A_665, %parallel_loop3A_666], %parallel_loop3A_664 {strides = array<i32>} : memref<512x128xf32, #tpu.memory_space<vmem>>, vector<16xf32>,
      %parallel_loop3A_668 = arith.constant 11 : i32
      %parallel_loop3A_669 = arith.addi %parallel_loop3A_21, %parallel_loop3A_668 : i32
      %parallel_loop3A_670 = vector.extract_strided_slice %parallel_loop3A_23 {offsets = [11], sizes = [1], strides = [1]} : vector<16xi32> to vector<1xi32>
      %parallel_loop3A_671 = vector.extract %parallel_loop3A_670[0] : i32 from vector<1xi32>
      %parallel_loop3A_672 = arith.index_cast %parallel_loop3A_671 : i32 to index
      %parallel_loop3A_673 = arith.constant 0 : index
      %parallel_loop3A_674 = tpu.vector_load %arg15[%parallel_loop3A_672, %parallel_loop3A_673] {strides = array<i32>} : memref<24x32xf32, #tpu.memory_space<vmem>>, vector<16xf32>,
      %parallel_loop3A_675 = arith.index_cast %parallel_loop3A_669 : i32 to index
      %parallel_loop3A_676 = arith.constant 0 : index
      %parallel_loop3A_677 = tpu.vector_load %arg19[%parallel_loop3A_675, %parallel_loop3A_676] {strides = array<i32>} : memref<512x128xf32, #tpu.memory_space<vmem>>, vector<16xf32>,
      tpu.vector_store %arg19[%parallel_loop3A_675, %parallel_loop3A_676], %parallel_loop3A_674 {strides = array<i32>} : memref<512x128xf32, #tpu.memory_space<vmem>>, vector<16xf32>,
      %parallel_loop3A_678 = arith.index_cast %parallel_loop3A_671 : i32 to index
      %parallel_loop3A_679 = arith.constant 16 : index
      %parallel_loop3A_680 = tpu.vector_load %arg15[%parallel_loop3A_678, %parallel_loop3A_679] {strides = array<i32>} : memref<24x32xf32, #tpu.memory_space<vmem>>, vector<16xf32>,
      %parallel_loop3A_681 = arith.index_cast %parallel_loop3A_669 : i32 to index
      %parallel_loop3A_682 = arith.constant 16 : index
      %parallel_loop3A_683 = tpu.vector_load %arg19[%parallel_loop3A_681, %parallel_loop3A_682] {strides = array<i32>} : memref<512x128xf32, #tpu.memory_space<vmem>>, vector<16xf32>,
      tpu.vector_store %arg19[%parallel_loop3A_681, %parallel_loop3A_682], %parallel_loop3A_680 {strides = array<i32>} : memref<512x128xf32, #tpu.memory_space<vmem>>, vector<16xf32>,
      %parallel_loop3A_684 = vector.extract_strided_slice %parallel_loop3A_25 {offsets = [11], sizes = [1], strides = [1]} : vector<16xi32> to vector<1xi32>
      %parallel_loop3A_685 = vector.extract %parallel_loop3A_684[0] : i32 from vector<1xi32>
      %parallel_loop3A_686 = arith.index_cast %parallel_loop3A_685 : i32 to index
      %parallel_loop3A_687 = arith.constant 0 : index
      %parallel_loop3A_688 = tpu.vector_load %arg16[%parallel_loop3A_686, %parallel_loop3A_687] {strides = array<i32>} : memref<7x32xf32, #tpu.memory_space<vmem>>, vector<16xf32>,
      %parallel_loop3A_689 = arith.index_cast %parallel_loop3A_669 : i32 to index
      %parallel_loop3A_690 = arith.constant 32 : index
      %parallel_loop3A_691 = tpu.vector_load %arg19[%parallel_loop3A_689, %parallel_loop3A_690] {strides = array<i32>} : memref<512x128xf32, #tpu.memory_space<vmem>>, vector<16xf32>,
      tpu.vector_store %arg19[%parallel_loop3A_689, %parallel_loop3A_690], %parallel_loop3A_688 {strides = array<i32>} : memref<512x128xf32, #tpu.memory_space<vmem>>, vector<16xf32>,
      %parallel_loop3A_692 = arith.index_cast %parallel_loop3A_685 : i32 to index
      %parallel_loop3A_693 = arith.constant 16 : index
      %parallel_loop3A_694 = tpu.vector_load %arg16[%parallel_loop3A_692, %parallel_loop3A_693] {strides = array<i32>} : memref<7x32xf32, #tpu.memory_space<vmem>>, vector<16xf32>,
      %parallel_loop3A_695 = arith.index_cast %parallel_loop3A_669 : i32 to index
      %parallel_loop3A_696 = arith.constant 48 : index
      %parallel_loop3A_697 = tpu.vector_load %arg19[%parallel_loop3A_695, %parallel_loop3A_696] {strides = array<i32>} : memref<512x128xf32, #tpu.memory_space<vmem>>, vector<16xf32>,
      tpu.vector_store %arg19[%parallel_loop3A_695, %parallel_loop3A_696], %parallel_loop3A_694 {strides = array<i32>} : memref<512x128xf32, #tpu.memory_space<vmem>>, vector<16xf32>,
      %parallel_loop3A_698 = vector.extract_strided_slice %parallel_loop3A_27 {offsets = [11], sizes = [1], strides = [1]} : vector<16xi32> to vector<1xi32>
      %parallel_loop3A_699 = vector.extract %parallel_loop3A_698[0] : i32 from vector<1xi32>
      %parallel_loop3A_700 = arith.index_cast %parallel_loop3A_699 : i32 to index
      %parallel_loop3A_701 = arith.constant 0 : index
      %parallel_loop3A_702 = tpu.vector_load %arg17[%parallel_loop3A_700, %parallel_loop3A_701] {strides = array<i32>} : memref<12x32xf32, #tpu.memory_space<vmem>>, vector<16xf32>,
      %parallel_loop3A_703 = arith.index_cast %parallel_loop3A_669 : i32 to index
      %parallel_loop3A_704 = arith.constant 64 : index
      %parallel_loop3A_705 = tpu.vector_load %arg19[%parallel_loop3A_703, %parallel_loop3A_704] {strides = array<i32>} : memref<512x128xf32, #tpu.memory_space<vmem>>, vector<16xf32>,
      tpu.vector_store %arg19[%parallel_loop3A_703, %parallel_loop3A_704], %parallel_loop3A_702 {strides = array<i32>} : memref<512x128xf32, #tpu.memory_space<vmem>>, vector<16xf32>,
      %parallel_loop3A_706 = arith.index_cast %parallel_loop3A_699 : i32 to index
      %parallel_loop3A_707 = arith.constant 16 : index
      %parallel_loop3A_708 = tpu.vector_load %arg17[%parallel_loop3A_706, %parallel_loop3A_707] {strides = array<i32>} : memref<12x32xf32, #tpu.memory_space<vmem>>, vector<16xf32>,
      %parallel_loop3A_709 = arith.index_cast %parallel_loop3A_669 : i32 to index
      %parallel_loop3A_710 = arith.constant 80 : index
      %parallel_loop3A_711 = tpu.vector_load %arg19[%parallel_loop3A_709, %parallel_loop3A_710] {strides = array<i32>} : memref<512x128xf32, #tpu.memory_space<vmem>>, vector<16xf32>,
      tpu.vector_store %arg19[%parallel_loop3A_709, %parallel_loop3A_710], %parallel_loop3A_708 {strides = array<i32>} : memref<512x128xf32, #tpu.memory_space<vmem>>, vector<16xf32>,
      %parallel_loop3A_712 = vector.extract_strided_slice %parallel_loop3A_29 {offsets = [11], sizes = [1], strides = [1]} : vector<16xi32> to vector<1xi32>
      %parallel_loop3A_713 = vector.extract %parallel_loop3A_712[0] : i32 from vector<1xi32>
      %parallel_loop3A_714 = arith.index_cast %parallel_loop3A_713 : i32 to index
      %parallel_loop3A_715 = arith.constant 0 : index
      %parallel_loop3A_716 = tpu.vector_load %arg18[%parallel_loop3A_714, %parallel_loop3A_715] {strides = array<i32>} : memref<10x32xf32, #tpu.memory_space<vmem>>, vector<16xf32>,
      %parallel_loop3A_717 = arith.index_cast %parallel_loop3A_669 : i32 to index
      %parallel_loop3A_718 = arith.constant 96 : index
      %parallel_loop3A_719 = tpu.vector_load %arg19[%parallel_loop3A_717, %parallel_loop3A_718] {strides = array<i32>} : memref<512x128xf32, #tpu.memory_space<vmem>>, vector<16xf32>,
      tpu.vector_store %arg19[%parallel_loop3A_717, %parallel_loop3A_718], %parallel_loop3A_716 {strides = array<i32>} : memref<512x128xf32, #tpu.memory_space<vmem>>, vector<16xf32>,
      %parallel_loop3A_720 = arith.index_cast %parallel_loop3A_713 : i32 to index
      %parallel_loop3A_721 = arith.constant 16 : index
      %parallel_loop3A_722 = tpu.vector_load %arg18[%parallel_loop3A_720, %parallel_loop3A_721] {strides = array<i32>} : memref<10x32xf32, #tpu.memory_space<vmem>>, vector<16xf32>,
      %parallel_loop3A_723 = arith.index_cast %parallel_loop3A_669 : i32 to index
      %parallel_loop3A_724 = arith.constant 112 : index
      %parallel_loop3A_725 = tpu.vector_load %arg19[%parallel_loop3A_723, %parallel_loop3A_724] {strides = array<i32>} : memref<512x128xf32, #tpu.memory_space<vmem>>, vector<16xf32>,
      tpu.vector_store %arg19[%parallel_loop3A_723, %parallel_loop3A_724], %parallel_loop3A_722 {strides = array<i32>} : memref<512x128xf32, #tpu.memory_space<vmem>>, vector<16xf32>,
      %parallel_loop3A_726 = arith.constant 12 : i32
      %parallel_loop3A_727 = arith.addi %parallel_loop3A_21, %parallel_loop3A_726 : i32
      %parallel_loop3A_728 = vector.extract_strided_slice %parallel_loop3A_23 {offsets = [12], sizes = [1], strides = [1]} : vector<16xi32> to vector<1xi32>
      %parallel_loop3A_729 = vector.extract %parallel_loop3A_728[0] : i32 from vector<1xi32>
      %parallel_loop3A_730 = arith.index_cast %parallel_loop3A_729 : i32 to index
      %parallel_loop3A_731 = arith.constant 0 : index
      %parallel_loop3A_732 = tpu.vector_load %arg15[%parallel_loop3A_730, %parallel_loop3A_731] {strides = array<i32>} : memref<24x32xf32, #tpu.memory_space<vmem>>, vector<16xf32>,
      %parallel_loop3A_733 = arith.index_cast %parallel_loop3A_727 : i32 to index
      %parallel_loop3A_734 = arith.constant 0 : index
      %parallel_loop3A_735 = tpu.vector_load %arg19[%parallel_loop3A_733, %parallel_loop3A_734] {strides = array<i32>} : memref<512x128xf32, #tpu.memory_space<vmem>>, vector<16xf32>,
      tpu.vector_store %arg19[%parallel_loop3A_733, %parallel_loop3A_734], %parallel_loop3A_732 {strides = array<i32>} : memref<512x128xf32, #tpu.memory_space<vmem>>, vector<16xf32>,
      %parallel_loop3A_736 = arith.index_cast %parallel_loop3A_729 : i32 to index
      %parallel_loop3A_737 = arith.constant 16 : index
      %parallel_loop3A_738 = tpu.vector_load %arg15[%parallel_loop3A_736, %parallel_loop3A_737] {strides = array<i32>} : memref<24x32xf32, #tpu.memory_space<vmem>>, vector<16xf32>,
      %parallel_loop3A_739 = arith.index_cast %parallel_loop3A_727 : i32 to index
      %parallel_loop3A_740 = arith.constant 16 : index
      %parallel_loop3A_741 = tpu.vector_load %arg19[%parallel_loop3A_739, %parallel_loop3A_740] {strides = array<i32>} : memref<512x128xf32, #tpu.memory_space<vmem>>, vector<16xf32>,
      tpu.vector_store %arg19[%parallel_loop3A_739, %parallel_loop3A_740], %parallel_loop3A_738 {strides = array<i32>} : memref<512x128xf32, #tpu.memory_space<vmem>>, vector<16xf32>,
      %parallel_loop3A_742 = vector.extract_strided_slice %parallel_loop3A_25 {offsets = [12], sizes = [1], strides = [1]} : vector<16xi32> to vector<1xi32>
      %parallel_loop3A_743 = vector.extract %parallel_loop3A_742[0] : i32 from vector<1xi32>
      %parallel_loop3A_744 = arith.index_cast %parallel_loop3A_743 : i32 to index
      %parallel_loop3A_745 = arith.constant 0 : index
      %parallel_loop3A_746 = tpu.vector_load %arg16[%parallel_loop3A_744, %parallel_loop3A_745] {strides = array<i32>} : memref<7x32xf32, #tpu.memory_space<vmem>>, vector<16xf32>,
      %parallel_loop3A_747 = arith.index_cast %parallel_loop3A_727 : i32 to index
      %parallel_loop3A_748 = arith.constant 32 : index
      %parallel_loop3A_749 = tpu.vector_load %arg19[%parallel_loop3A_747, %parallel_loop3A_748] {strides = array<i32>} : memref<512x128xf32, #tpu.memory_space<vmem>>, vector<16xf32>,
      tpu.vector_store %arg19[%parallel_loop3A_747, %parallel_loop3A_748], %parallel_loop3A_746 {strides = array<i32>} : memref<512x128xf32, #tpu.memory_space<vmem>>, vector<16xf32>,
      %parallel_loop3A_750 = arith.index_cast %parallel_loop3A_743 : i32 to index
      %parallel_loop3A_751 = arith.constant 16 : index
      %parallel_loop3A_752 = tpu.vector_load %arg16[%parallel_loop3A_750, %parallel_loop3A_751] {strides = array<i32>} : memref<7x32xf32, #tpu.memory_space<vmem>>, vector<16xf32>,
      %parallel_loop3A_753 = arith.index_cast %parallel_loop3A_727 : i32 to index
      %parallel_loop3A_754 = arith.constant 48 : index
      %parallel_loop3A_755 = tpu.vector_load %arg19[%parallel_loop3A_753, %parallel_loop3A_754] {strides = array<i32>} : memref<512x128xf32, #tpu.memory_space<vmem>>, vector<16xf32>,
      tpu.vector_store %arg19[%parallel_loop3A_753, %parallel_loop3A_754], %parallel_loop3A_752 {strides = array<i32>} : memref<512x128xf32, #tpu.memory_space<vmem>>, vector<16xf32>,
      %parallel_loop3A_756 = vector.extract_strided_slice %parallel_loop3A_27 {offsets = [12], sizes = [1], strides = [1]} : vector<16xi32> to vector<1xi32>
      %parallel_loop3A_757 = vector.extract %parallel_loop3A_756[0] : i32 from vector<1xi32>
      %parallel_loop3A_758 = arith.index_cast %parallel_loop3A_757 : i32 to index
      %parallel_loop3A_759 = arith.constant 0 : index
      %parallel_loop3A_760 = tpu.vector_load %arg17[%parallel_loop3A_758, %parallel_loop3A_759] {strides = array<i32>} : memref<12x32xf32, #tpu.memory_space<vmem>>, vector<16xf32>,
      %parallel_loop3A_761 = arith.index_cast %parallel_loop3A_727 : i32 to index
      %parallel_loop3A_762 = arith.constant 64 : index
      %parallel_loop3A_763 = tpu.vector_load %arg19[%parallel_loop3A_761, %parallel_loop3A_762] {strides = array<i32>} : memref<512x128xf32, #tpu.memory_space<vmem>>, vector<16xf32>,
      tpu.vector_store %arg19[%parallel_loop3A_761, %parallel_loop3A_762], %parallel_loop3A_760 {strides = array<i32>} : memref<512x128xf32, #tpu.memory_space<vmem>>, vector<16xf32>,
      %parallel_loop3A_764 = arith.index_cast %parallel_loop3A_757 : i32 to index
      %parallel_loop3A_765 = arith.constant 16 : index
      %parallel_loop3A_766 = tpu.vector_load %arg17[%parallel_loop3A_764, %parallel_loop3A_765] {strides = array<i32>} : memref<12x32xf32, #tpu.memory_space<vmem>>, vector<16xf32>,
      %parallel_loop3A_767 = arith.index_cast %parallel_loop3A_727 : i32 to index
      %parallel_loop3A_768 = arith.constant 80 : index
      %parallel_loop3A_769 = tpu.vector_load %arg19[%parallel_loop3A_767, %parallel_loop3A_768] {strides = array<i32>} : memref<512x128xf32, #tpu.memory_space<vmem>>, vector<16xf32>,
      tpu.vector_store %arg19[%parallel_loop3A_767, %parallel_loop3A_768], %parallel_loop3A_766 {strides = array<i32>} : memref<512x128xf32, #tpu.memory_space<vmem>>, vector<16xf32>,
      %parallel_loop3A_770 = vector.extract_strided_slice %parallel_loop3A_29 {offsets = [12], sizes = [1], strides = [1]} : vector<16xi32> to vector<1xi32>
      %parallel_loop3A_771 = vector.extract %parallel_loop3A_770[0] : i32 from vector<1xi32>
      %parallel_loop3A_772 = arith.index_cast %parallel_loop3A_771 : i32 to index
      %parallel_loop3A_773 = arith.constant 0 : index
      %parallel_loop3A_774 = tpu.vector_load %arg18[%parallel_loop3A_772, %parallel_loop3A_773] {strides = array<i32>} : memref<10x32xf32, #tpu.memory_space<vmem>>, vector<16xf32>,
      %parallel_loop3A_775 = arith.index_cast %parallel_loop3A_727 : i32 to index
      %parallel_loop3A_776 = arith.constant 96 : index
      %parallel_loop3A_777 = tpu.vector_load %arg19[%parallel_loop3A_775, %parallel_loop3A_776] {strides = array<i32>} : memref<512x128xf32, #tpu.memory_space<vmem>>, vector<16xf32>,
      tpu.vector_store %arg19[%parallel_loop3A_775, %parallel_loop3A_776], %parallel_loop3A_774 {strides = array<i32>} : memref<512x128xf32, #tpu.memory_space<vmem>>, vector<16xf32>,
      %parallel_loop3A_778 = arith.index_cast %parallel_loop3A_771 : i32 to index
      %parallel_loop3A_779 = arith.constant 16 : index
      %parallel_loop3A_780 = tpu.vector_load %arg18[%parallel_loop3A_778, %parallel_loop3A_779] {strides = array<i32>} : memref<10x32xf32, #tpu.memory_space<vmem>>, vector<16xf32>,
      %parallel_loop3A_781 = arith.index_cast %parallel_loop3A_727 : i32 to index
      %parallel_loop3A_782 = arith.constant 112 : index
      %parallel_loop3A_783 = tpu.vector_load %arg19[%parallel_loop3A_781, %parallel_loop3A_782] {strides = array<i32>} : memref<512x128xf32, #tpu.memory_space<vmem>>, vector<16xf32>,
      tpu.vector_store %arg19[%parallel_loop3A_781, %parallel_loop3A_782], %parallel_loop3A_780 {strides = array<i32>} : memref<512x128xf32, #tpu.memory_space<vmem>>, vector<16xf32>,
      %parallel_loop3A_784 = arith.constant 13 : i32
      %parallel_loop3A_785 = arith.addi %parallel_loop3A_21, %parallel_loop3A_784 : i32
      %parallel_loop3A_786 = vector.extract_strided_slice %parallel_loop3A_23 {offsets = [13], sizes = [1], strides = [1]} : vector<16xi32> to vector<1xi32>
      %parallel_loop3A_787 = vector.extract %parallel_loop3A_786[0] : i32 from vector<1xi32>
      %parallel_loop3A_788 = arith.index_cast %parallel_loop3A_787 : i32 to index
      %parallel_loop3A_789 = arith.constant 0 : index
      %parallel_loop3A_790 = tpu.vector_load %arg15[%parallel_loop3A_788, %parallel_loop3A_789] {strides = array<i32>} : memref<24x32xf32, #tpu.memory_space<vmem>>, vector<16xf32>,
      %parallel_loop3A_791 = arith.index_cast %parallel_loop3A_785 : i32 to index
      %parallel_loop3A_792 = arith.constant 0 : index
      %parallel_loop3A_793 = tpu.vector_load %arg19[%parallel_loop3A_791, %parallel_loop3A_792] {strides = array<i32>} : memref<512x128xf32, #tpu.memory_space<vmem>>, vector<16xf32>,
      tpu.vector_store %arg19[%parallel_loop3A_791, %parallel_loop3A_792], %parallel_loop3A_790 {strides = array<i32>} : memref<512x128xf32, #tpu.memory_space<vmem>>, vector<16xf32>,
      %parallel_loop3A_794 = arith.index_cast %parallel_loop3A_787 : i32 to index
      %parallel_loop3A_795 = arith.constant 16 : index
      %parallel_loop3A_796 = tpu.vector_load %arg15[%parallel_loop3A_794, %parallel_loop3A_795] {strides = array<i32>} : memref<24x32xf32, #tpu.memory_space<vmem>>, vector<16xf32>,
      %parallel_loop3A_797 = arith.index_cast %parallel_loop3A_785 : i32 to index
      %parallel_loop3A_798 = arith.constant 16 : index
      %parallel_loop3A_799 = tpu.vector_load %arg19[%parallel_loop3A_797, %parallel_loop3A_798] {strides = array<i32>} : memref<512x128xf32, #tpu.memory_space<vmem>>, vector<16xf32>,
      tpu.vector_store %arg19[%parallel_loop3A_797, %parallel_loop3A_798], %parallel_loop3A_796 {strides = array<i32>} : memref<512x128xf32, #tpu.memory_space<vmem>>, vector<16xf32>,
      %parallel_loop3A_800 = vector.extract_strided_slice %parallel_loop3A_25 {offsets = [13], sizes = [1], strides = [1]} : vector<16xi32> to vector<1xi32>
      %parallel_loop3A_801 = vector.extract %parallel_loop3A_800[0] : i32 from vector<1xi32>
      %parallel_loop3A_802 = arith.index_cast %parallel_loop3A_801 : i32 to index
      %parallel_loop3A_803 = arith.constant 0 : index
      %parallel_loop3A_804 = tpu.vector_load %arg16[%parallel_loop3A_802, %parallel_loop3A_803] {strides = array<i32>} : memref<7x32xf32, #tpu.memory_space<vmem>>, vector<16xf32>,
      %parallel_loop3A_805 = arith.index_cast %parallel_loop3A_785 : i32 to index
      %parallel_loop3A_806 = arith.constant 32 : index
      %parallel_loop3A_807 = tpu.vector_load %arg19[%parallel_loop3A_805, %parallel_loop3A_806] {strides = array<i32>} : memref<512x128xf32, #tpu.memory_space<vmem>>, vector<16xf32>,
      tpu.vector_store %arg19[%parallel_loop3A_805, %parallel_loop3A_806], %parallel_loop3A_804 {strides = array<i32>} : memref<512x128xf32, #tpu.memory_space<vmem>>, vector<16xf32>,
      %parallel_loop3A_808 = arith.index_cast %parallel_loop3A_801 : i32 to index
      %parallel_loop3A_809 = arith.constant 16 : index
      %parallel_loop3A_810 = tpu.vector_load %arg16[%parallel_loop3A_808, %parallel_loop3A_809] {strides = array<i32>} : memref<7x32xf32, #tpu.memory_space<vmem>>, vector<16xf32>,
      %parallel_loop3A_811 = arith.index_cast %parallel_loop3A_785 : i32 to index
      %parallel_loop3A_812 = arith.constant 48 : index
      %parallel_loop3A_813 = tpu.vector_load %arg19[%parallel_loop3A_811, %parallel_loop3A_812] {strides = array<i32>} : memref<512x128xf32, #tpu.memory_space<vmem>>, vector<16xf32>,
      tpu.vector_store %arg19[%parallel_loop3A_811, %parallel_loop3A_812], %parallel_loop3A_810 {strides = array<i32>} : memref<512x128xf32, #tpu.memory_space<vmem>>, vector<16xf32>,
      %parallel_loop3A_814 = vector.extract_strided_slice %parallel_loop3A_27 {offsets = [13], sizes = [1], strides = [1]} : vector<16xi32> to vector<1xi32>
      %parallel_loop3A_815 = vector.extract %parallel_loop3A_814[0] : i32 from vector<1xi32>
      %parallel_loop3A_816 = arith.index_cast %parallel_loop3A_815 : i32 to index
      %parallel_loop3A_817 = arith.constant 0 : index
      %parallel_loop3A_818 = tpu.vector_load %arg17[%parallel_loop3A_816, %parallel_loop3A_817] {strides = array<i32>} : memref<12x32xf32, #tpu.memory_space<vmem>>, vector<16xf32>,
      %parallel_loop3A_819 = arith.index_cast %parallel_loop3A_785 : i32 to index
      %parallel_loop3A_820 = arith.constant 64 : index
      %parallel_loop3A_821 = tpu.vector_load %arg19[%parallel_loop3A_819, %parallel_loop3A_820] {strides = array<i32>} : memref<512x128xf32, #tpu.memory_space<vmem>>, vector<16xf32>,
      tpu.vector_store %arg19[%parallel_loop3A_819, %parallel_loop3A_820], %parallel_loop3A_818 {strides = array<i32>} : memref<512x128xf32, #tpu.memory_space<vmem>>, vector<16xf32>,
      %parallel_loop3A_822 = arith.index_cast %parallel_loop3A_815 : i32 to index
      %parallel_loop3A_823 = arith.constant 16 : index
      %parallel_loop3A_824 = tpu.vector_load %arg17[%parallel_loop3A_822, %parallel_loop3A_823] {strides = array<i32>} : memref<12x32xf32, #tpu.memory_space<vmem>>, vector<16xf32>,
      %parallel_loop3A_825 = arith.index_cast %parallel_loop3A_785 : i32 to index
      %parallel_loop3A_826 = arith.constant 80 : index
      %parallel_loop3A_827 = tpu.vector_load %arg19[%parallel_loop3A_825, %parallel_loop3A_826] {strides = array<i32>} : memref<512x128xf32, #tpu.memory_space<vmem>>, vector<16xf32>,
      tpu.vector_store %arg19[%parallel_loop3A_825, %parallel_loop3A_826], %parallel_loop3A_824 {strides = array<i32>} : memref<512x128xf32, #tpu.memory_space<vmem>>, vector<16xf32>,
      %parallel_loop3A_828 = vector.extract_strided_slice %parallel_loop3A_29 {offsets = [13], sizes = [1], strides = [1]} : vector<16xi32> to vector<1xi32>
      %parallel_loop3A_829 = vector.extract %parallel_loop3A_828[0] : i32 from vector<1xi32>
      %parallel_loop3A_830 = arith.index_cast %parallel_loop3A_829 : i32 to index
      %parallel_loop3A_831 = arith.constant 0 : index
      %parallel_loop3A_832 = tpu.vector_load %arg18[%parallel_loop3A_830, %parallel_loop3A_831] {strides = array<i32>} : memref<10x32xf32, #tpu.memory_space<vmem>>, vector<16xf32>,
      %parallel_loop3A_833 = arith.index_cast %parallel_loop3A_785 : i32 to index
      %parallel_loop3A_834 = arith.constant 96 : index
      %parallel_loop3A_835 = tpu.vector_load %arg19[%parallel_loop3A_833, %parallel_loop3A_834] {strides = array<i32>} : memref<512x128xf32, #tpu.memory_space<vmem>>, vector<16xf32>,
      tpu.vector_store %arg19[%parallel_loop3A_833, %parallel_loop3A_834], %parallel_loop3A_832 {strides = array<i32>} : memref<512x128xf32, #tpu.memory_space<vmem>>, vector<16xf32>,
      %parallel_loop3A_836 = arith.index_cast %parallel_loop3A_829 : i32 to index
      %parallel_loop3A_837 = arith.constant 16 : index
      %parallel_loop3A_838 = tpu.vector_load %arg18[%parallel_loop3A_836, %parallel_loop3A_837] {strides = array<i32>} : memref<10x32xf32, #tpu.memory_space<vmem>>, vector<16xf32>,
      %parallel_loop3A_839 = arith.index_cast %parallel_loop3A_785 : i32 to index
      %parallel_loop3A_840 = arith.constant 112 : index
      %parallel_loop3A_841 = tpu.vector_load %arg19[%parallel_loop3A_839, %parallel_loop3A_840] {strides = array<i32>} : memref<512x128xf32, #tpu.memory_space<vmem>>, vector<16xf32>,
      tpu.vector_store %arg19[%parallel_loop3A_839, %parallel_loop3A_840], %parallel_loop3A_838 {strides = array<i32>} : memref<512x128xf32, #tpu.memory_space<vmem>>, vector<16xf32>,
      %parallel_loop3A_842 = arith.constant 14 : i32
      %parallel_loop3A_843 = arith.addi %parallel_loop3A_21, %parallel_loop3A_842 : i32
      %parallel_loop3A_844 = vector.extract_strided_slice %parallel_loop3A_23 {offsets = [14], sizes = [1], strides = [1]} : vector<16xi32> to vector<1xi32>
      %parallel_loop3A_845 = vector.extract %parallel_loop3A_844[0] : i32 from vector<1xi32>
      %parallel_loop3A_846 = arith.index_cast %parallel_loop3A_845 : i32 to index
      %parallel_loop3A_847 = arith.constant 0 : index
      %parallel_loop3A_848 = tpu.vector_load %arg15[%parallel_loop3A_846, %parallel_loop3A_847] {strides = array<i32>} : memref<24x32xf32, #tpu.memory_space<vmem>>, vector<16xf32>,
      %parallel_loop3A_849 = arith.index_cast %parallel_loop3A_843 : i32 to index
      %parallel_loop3A_850 = arith.constant 0 : index
      %parallel_loop3A_851 = tpu.vector_load %arg19[%parallel_loop3A_849, %parallel_loop3A_850] {strides = array<i32>} : memref<512x128xf32, #tpu.memory_space<vmem>>, vector<16xf32>,
      tpu.vector_store %arg19[%parallel_loop3A_849, %parallel_loop3A_850], %parallel_loop3A_848 {strides = array<i32>} : memref<512x128xf32, #tpu.memory_space<vmem>>, vector<16xf32>,
      %parallel_loop3A_852 = arith.index_cast %parallel_loop3A_845 : i32 to index
      %parallel_loop3A_853 = arith.constant 16 : index
      %parallel_loop3A_854 = tpu.vector_load %arg15[%parallel_loop3A_852, %parallel_loop3A_853] {strides = array<i32>} : memref<24x32xf32, #tpu.memory_space<vmem>>, vector<16xf32>,
      %parallel_loop3A_855 = arith.index_cast %parallel_loop3A_843 : i32 to index
      %parallel_loop3A_856 = arith.constant 16 : index
      %parallel_loop3A_857 = tpu.vector_load %arg19[%parallel_loop3A_855, %parallel_loop3A_856] {strides = array<i32>} : memref<512x128xf32, #tpu.memory_space<vmem>>, vector<16xf32>,
      tpu.vector_store %arg19[%parallel_loop3A_855, %parallel_loop3A_856], %parallel_loop3A_854 {strides = array<i32>} : memref<512x128xf32, #tpu.memory_space<vmem>>, vector<16xf32>,
      %parallel_loop3A_858 = vector.extract_strided_slice %parallel_loop3A_25 {offsets = [14], sizes = [1], strides = [1]} : vector<16xi32> to vector<1xi32>
      %parallel_loop3A_859 = vector.extract %parallel_loop3A_858[0] : i32 from vector<1xi32>
      %parallel_loop3A_860 = arith.index_cast %parallel_loop3A_859 : i32 to index
      %parallel_loop3A_861 = arith.constant 0 : index
      %parallel_loop3A_862 = tpu.vector_load %arg16[%parallel_loop3A_860, %parallel_loop3A_861] {strides = array<i32>} : memref<7x32xf32, #tpu.memory_space<vmem>>, vector<16xf32>,
      %parallel_loop3A_863 = arith.index_cast %parallel_loop3A_843 : i32 to index
      %parallel_loop3A_864 = arith.constant 32 : index
      %parallel_loop3A_865 = tpu.vector_load %arg19[%parallel_loop3A_863, %parallel_loop3A_864] {strides = array<i32>} : memref<512x128xf32, #tpu.memory_space<vmem>>, vector<16xf32>,
      tpu.vector_store %arg19[%parallel_loop3A_863, %parallel_loop3A_864], %parallel_loop3A_862 {strides = array<i32>} : memref<512x128xf32, #tpu.memory_space<vmem>>, vector<16xf32>,
      %parallel_loop3A_866 = arith.index_cast %parallel_loop3A_859 : i32 to index
      %parallel_loop3A_867 = arith.constant 16 : index
      %parallel_loop3A_868 = tpu.vector_load %arg16[%parallel_loop3A_866, %parallel_loop3A_867] {strides = array<i32>} : memref<7x32xf32, #tpu.memory_space<vmem>>, vector<16xf32>,
      %parallel_loop3A_869 = arith.index_cast %parallel_loop3A_843 : i32 to index
      %parallel_loop3A_870 = arith.constant 48 : index
      %parallel_loop3A_871 = tpu.vector_load %arg19[%parallel_loop3A_869, %parallel_loop3A_870] {strides = array<i32>} : memref<512x128xf32, #tpu.memory_space<vmem>>, vector<16xf32>,
      tpu.vector_store %arg19[%parallel_loop3A_869, %parallel_loop3A_870], %parallel_loop3A_868 {strides = array<i32>} : memref<512x128xf32, #tpu.memory_space<vmem>>, vector<16xf32>,
      %parallel_loop3A_872 = vector.extract_strided_slice %parallel_loop3A_27 {offsets = [14], sizes = [1], strides = [1]} : vector<16xi32> to vector<1xi32>
      %parallel_loop3A_873 = vector.extract %parallel_loop3A_872[0] : i32 from vector<1xi32>
      %parallel_loop3A_874 = arith.index_cast %parallel_loop3A_873 : i32 to index
      %parallel_loop3A_875 = arith.constant 0 : index
      %parallel_loop3A_876 = tpu.vector_load %arg17[%parallel_loop3A_874, %parallel_loop3A_875] {strides = array<i32>} : memref<12x32xf32, #tpu.memory_space<vmem>>, vector<16xf32>,
      %parallel_loop3A_877 = arith.index_cast %parallel_loop3A_843 : i32 to index
      %parallel_loop3A_878 = arith.constant 64 : index
      %parallel_loop3A_879 = tpu.vector_load %arg19[%parallel_loop3A_877, %parallel_loop3A_878] {strides = array<i32>} : memref<512x128xf32, #tpu.memory_space<vmem>>, vector<16xf32>,
      tpu.vector_store %arg19[%parallel_loop3A_877, %parallel_loop3A_878], %parallel_loop3A_876 {strides = array<i32>} : memref<512x128xf32, #tpu.memory_space<vmem>>, vector<16xf32>,
      %parallel_loop3A_880 = arith.index_cast %parallel_loop3A_873 : i32 to index
      %parallel_loop3A_881 = arith.constant 16 : index
      %parallel_loop3A_882 = tpu.vector_load %arg17[%parallel_loop3A_880, %parallel_loop3A_881] {strides = array<i32>} : memref<12x32xf32, #tpu.memory_space<vmem>>, vector<16xf32>,
      %parallel_loop3A_883 = arith.index_cast %parallel_loop3A_843 : i32 to index
      %parallel_loop3A_884 = arith.constant 80 : index
      %parallel_loop3A_885 = tpu.vector_load %arg19[%parallel_loop3A_883, %parallel_loop3A_884] {strides = array<i32>} : memref<512x128xf32, #tpu.memory_space<vmem>>, vector<16xf32>,
      tpu.vector_store %arg19[%parallel_loop3A_883, %parallel_loop3A_884], %parallel_loop3A_882 {strides = array<i32>} : memref<512x128xf32, #tpu.memory_space<vmem>>, vector<16xf32>,
      %parallel_loop3A_886 = vector.extract_strided_slice %parallel_loop3A_29 {offsets = [14], sizes = [1], strides = [1]} : vector<16xi32> to vector<1xi32>
      %parallel_loop3A_887 = vector.extract %parallel_loop3A_886[0] : i32 from vector<1xi32>
      %parallel_loop3A_888 = arith.index_cast %parallel_loop3A_887 : i32 to index
      %parallel_loop3A_889 = arith.constant 0 : index
      %parallel_loop3A_890 = tpu.vector_load %arg18[%parallel_loop3A_888, %parallel_loop3A_889] {strides = array<i32>} : memref<10x32xf32, #tpu.memory_space<vmem>>, vector<16xf32>,
      %parallel_loop3A_891 = arith.index_cast %parallel_loop3A_843 : i32 to index
      %parallel_loop3A_892 = arith.constant 96 : index
      %parallel_loop3A_893 = tpu.vector_load %arg19[%parallel_loop3A_891, %parallel_loop3A_892] {strides = array<i32>} : memref<512x128xf32, #tpu.memory_space<vmem>>, vector<16xf32>,
      tpu.vector_store %arg19[%parallel_loop3A_891, %parallel_loop3A_892], %parallel_loop3A_890 {strides = array<i32>} : memref<512x128xf32, #tpu.memory_space<vmem>>, vector<16xf32>,
      %parallel_loop3A_894 = arith.index_cast %parallel_loop3A_887 : i32 to index
      %parallel_loop3A_895 = arith.constant 16 : index
      %parallel_loop3A_896 = tpu.vector_load %arg18[%parallel_loop3A_894, %parallel_loop3A_895] {strides = array<i32>} : memref<10x32xf32, #tpu.memory_space<vmem>>, vector<16xf32>,
      %parallel_loop3A_897 = arith.index_cast %parallel_loop3A_843 : i32 to index
      %parallel_loop3A_898 = arith.constant 112 : index
      %parallel_loop3A_899 = tpu.vector_load %arg19[%parallel_loop3A_897, %parallel_loop3A_898] {strides = array<i32>} : memref<512x128xf32, #tpu.memory_space<vmem>>, vector<16xf32>,
      tpu.vector_store %arg19[%parallel_loop3A_897, %parallel_loop3A_898], %parallel_loop3A_896 {strides = array<i32>} : memref<512x128xf32, #tpu.memory_space<vmem>>, vector<16xf32>,
      %parallel_loop3A_900 = arith.constant 15 : i32
      %parallel_loop3A_901 = arith.addi %parallel_loop3A_21, %parallel_loop3A_900 : i32
      %parallel_loop3A_902 = vector.extract_strided_slice %parallel_loop3A_23 {offsets = [15], sizes = [1], strides = [1]} : vector<16xi32> to vector<1xi32>
      %parallel_loop3A_903 = vector.extract %parallel_loop3A_902[0] : i32 from vector<1xi32>
      %parallel_loop3A_904 = arith.index_cast %parallel_loop3A_903 : i32 to index
      %parallel_loop3A_905 = arith.constant 0 : index
      %parallel_loop3A_906 = tpu.vector_load %arg15[%parallel_loop3A_904, %parallel_loop3A_905] {strides = array<i32>} : memref<24x32xf32, #tpu.memory_space<vmem>>, vector<16xf32>,
      %parallel_loop3A_907 = arith.index_cast %parallel_loop3A_901 : i32 to index
      %parallel_loop3A_908 = arith.constant 0 : index
      %parallel_loop3A_909 = tpu.vector_load %arg19[%parallel_loop3A_907, %parallel_loop3A_908] {strides = array<i32>} : memref<512x128xf32, #tpu.memory_space<vmem>>, vector<16xf32>,
      tpu.vector_store %arg19[%parallel_loop3A_907, %parallel_loop3A_908], %parallel_loop3A_906 {strides = array<i32>} : memref<512x128xf32, #tpu.memory_space<vmem>>, vector<16xf32>,
      %parallel_loop3A_910 = arith.index_cast %parallel_loop3A_903 : i32 to index
      %parallel_loop3A_911 = arith.constant 16 : index
      %parallel_loop3A_912 = tpu.vector_load %arg15[%parallel_loop3A_910, %parallel_loop3A_911] {strides = array<i32>} : memref<24x32xf32, #tpu.memory_space<vmem>>, vector<16xf32>,
      %parallel_loop3A_913 = arith.index_cast %parallel_loop3A_901 : i32 to index
      %parallel_loop3A_914 = arith.constant 16 : index
      %parallel_loop3A_915 = tpu.vector_load %arg19[%parallel_loop3A_913, %parallel_loop3A_914] {strides = array<i32>} : memref<512x128xf32, #tpu.memory_space<vmem>>, vector<16xf32>,
      tpu.vector_store %arg19[%parallel_loop3A_913, %parallel_loop3A_914], %parallel_loop3A_912 {strides = array<i32>} : memref<512x128xf32, #tpu.memory_space<vmem>>, vector<16xf32>,
      %parallel_loop3A_916 = vector.extract_strided_slice %parallel_loop3A_25 {offsets = [15], sizes = [1], strides = [1]} : vector<16xi32> to vector<1xi32>
      %parallel_loop3A_917 = vector.extract %parallel_loop3A_916[0] : i32 from vector<1xi32>
      %parallel_loop3A_918 = arith.index_cast %parallel_loop3A_917 : i32 to index
      %parallel_loop3A_919 = arith.constant 0 : index
      %parallel_loop3A_920 = tpu.vector_load %arg16[%parallel_loop3A_918, %parallel_loop3A_919] {strides = array<i32>} : memref<7x32xf32, #tpu.memory_space<vmem>>, vector<16xf32>,
      %parallel_loop3A_921 = arith.index_cast %parallel_loop3A_901 : i32 to index
      %parallel_loop3A_922 = arith.constant 32 : index
      %parallel_loop3A_923 = tpu.vector_load %arg19[%parallel_loop3A_921, %parallel_loop3A_922] {strides = array<i32>} : memref<512x128xf32, #tpu.memory_space<vmem>>, vector<16xf32>,
      tpu.vector_store %arg19[%parallel_loop3A_921, %parallel_loop3A_922], %parallel_loop3A_920 {strides = array<i32>} : memref<512x128xf32, #tpu.memory_space<vmem>>, vector<16xf32>,
      %parallel_loop3A_924 = arith.index_cast %parallel_loop3A_917 : i32 to index
      %parallel_loop3A_925 = arith.constant 16 : index
      %parallel_loop3A_926 = tpu.vector_load %arg16[%parallel_loop3A_924, %parallel_loop3A_925] {strides = array<i32>} : memref<7x32xf32, #tpu.memory_space<vmem>>, vector<16xf32>,
      %parallel_loop3A_927 = arith.index_cast %parallel_loop3A_901 : i32 to index
      %parallel_loop3A_928 = arith.constant 48 : index
      %parallel_loop3A_929 = tpu.vector_load %arg19[%parallel_loop3A_927, %parallel_loop3A_928] {strides = array<i32>} : memref<512x128xf32, #tpu.memory_space<vmem>>, vector<16xf32>,
      tpu.vector_store %arg19[%parallel_loop3A_927, %parallel_loop3A_928], %parallel_loop3A_926 {strides = array<i32>} : memref<512x128xf32, #tpu.memory_space<vmem>>, vector<16xf32>,
      %parallel_loop3A_930 = vector.extract_strided_slice %parallel_loop3A_27 {offsets = [15], sizes = [1], strides = [1]} : vector<16xi32> to vector<1xi32>
      %parallel_loop3A_931 = vector.extract %parallel_loop3A_930[0] : i32 from vector<1xi32>
      %parallel_loop3A_932 = arith.index_cast %parallel_loop3A_931 : i32 to index
      %parallel_loop3A_933 = arith.constant 0 : index
      %parallel_loop3A_934 = tpu.vector_load %arg17[%parallel_loop3A_932, %parallel_loop3A_933] {strides = array<i32>} : memref<12x32xf32, #tpu.memory_space<vmem>>, vector<16xf32>,
      %parallel_loop3A_935 = arith.index_cast %parallel_loop3A_901 : i32 to index
      %parallel_loop3A_936 = arith.constant 64 : index
      %parallel_loop3A_937 = tpu.vector_load %arg19[%parallel_loop3A_935, %parallel_loop3A_936] {strides = array<i32>} : memref<512x128xf32, #tpu.memory_space<vmem>>, vector<16xf32>,
      tpu.vector_store %arg19[%parallel_loop3A_935, %parallel_loop3A_936], %parallel_loop3A_934 {strides = array<i32>} : memref<512x128xf32, #tpu.memory_space<vmem>>, vector<16xf32>,
      %parallel_loop3A_938 = arith.index_cast %parallel_loop3A_931 : i32 to index
      %parallel_loop3A_939 = arith.constant 16 : index
      %parallel_loop3A_940 = tpu.vector_load %arg17[%parallel_loop3A_938, %parallel_loop3A_939] {strides = array<i32>} : memref<12x32xf32, #tpu.memory_space<vmem>>, vector<16xf32>,
      %parallel_loop3A_941 = arith.index_cast %parallel_loop3A_901 : i32 to index
      %parallel_loop3A_942 = arith.constant 80 : index
      %parallel_loop3A_943 = tpu.vector_load %arg19[%parallel_loop3A_941, %parallel_loop3A_942] {strides = array<i32>} : memref<512x128xf32, #tpu.memory_space<vmem>>, vector<16xf32>,
      tpu.vector_store %arg19[%parallel_loop3A_941, %parallel_loop3A_942], %parallel_loop3A_940 {strides = array<i32>} : memref<512x128xf32, #tpu.memory_space<vmem>>, vector<16xf32>,
      %parallel_loop3A_944 = vector.extract_strided_slice %parallel_loop3A_29 {offsets = [15], sizes = [1], strides = [1]} : vector<16xi32> to vector<1xi32>
      %parallel_loop3A_945 = vector.extract %parallel_loop3A_944[0] : i32 from vector<1xi32>
      %parallel_loop3A_946 = arith.index_cast %parallel_loop3A_945 : i32 to index
      %parallel_loop3A_947 = arith.constant 0 : index
      %parallel_loop3A_948 = tpu.vector_load %arg18[%parallel_loop3A_946, %parallel_loop3A_947] {strides = array<i32>} : memref<10x32xf32, #tpu.memory_space<vmem>>, vector<16xf32>,
      %parallel_loop3A_949 = arith.index_cast %parallel_loop3A_901 : i32 to index
      %parallel_loop3A_950 = arith.constant 96 : index
      %parallel_loop3A_951 = tpu.vector_load %arg19[%parallel_loop3A_949, %parallel_loop3A_950] {strides = array<i32>} : memref<512x128xf32, #tpu.memory_space<vmem>>, vector<16xf32>,
      tpu.vector_store %arg19[%parallel_loop3A_949, %parallel_loop3A_950], %parallel_loop3A_948 {strides = array<i32>} : memref<512x128xf32, #tpu.memory_space<vmem>>, vector<16xf32>,
      %parallel_loop3A_952 = arith.index_cast %parallel_loop3A_945 : i32 to index
      %parallel_loop3A_953 = arith.constant 16 : index
      %parallel_loop3A_954 = tpu.vector_load %arg18[%parallel_loop3A_952, %parallel_loop3A_953] {strides = array<i32>} : memref<10x32xf32, #tpu.memory_space<vmem>>, vector<16xf32>,
      %parallel_loop3A_955 = arith.index_cast %parallel_loop3A_901 : i32 to index
      %parallel_loop3A_956 = arith.constant 112 : index
      %parallel_loop3A_957 = tpu.vector_load %arg19[%parallel_loop3A_955, %parallel_loop3A_956] {strides = array<i32>} : memref<512x128xf32, #tpu.memory_space<vmem>>, vector<16xf32>,
      tpu.vector_store %arg19[%parallel_loop3A_955, %parallel_loop3A_956], %parallel_loop3A_954 {strides = array<i32>} : memref<512x128xf32, #tpu.memory_space<vmem>>, vector<16xf32>,
    } {sc.loop_unroll_factor = 1 : i64, sc.parallel_access}
    "tpu.region"() ({
      %run_scoped3A = tpu.sem_alloc : memref<!tpu.dma_semaphore, #tpu.memory_space<semaphore_mem>>
      %dma_start3A_19 = arith.constant 0 : i32
      %dma_start3A_20 = tpu.memref_slice %arg10[%mul3A_2, %dma_start3A_19] : memref<16384x128xf32, #tpu.memory_space<hbm>> -> memref<512x128xf32, #tpu.memory_space<hbm>>
      %dma_start3A_21 = arith.constant 0 : i32
      %dma_start3A_22 = tpu.memref_slice %arg10[%mul3A_2, %dma_start3A_21] : memref<16384x128xf32, #tpu.memory_space<hbm>> -> memref<512x128xf32, #tpu.memory_space<hbm>>
      tpu.enqueue_dma source(%arg19 : memref<512x128xf32, #tpu.memory_space<vmem>>) target(%dma_start3A_22 : memref<512x128xf32, #tpu.memory_space<hbm>>) target_semaphore(%run_scoped3A : memref<!tpu.dma_semaphore, #tpu.memory_space<semaphore_mem>>)
      %dma_wait3A_23 = arith.constant 0 : i32
      %dma_wait3A_24 = tpu.memref_slice %arg10[%mul3A_2, %dma_wait3A_23] : memref<16384x128xf32, #tpu.memory_space<hbm>> -> memref<512x128xf32, #tpu.memory_space<hbm>>
      %dma_wait3A_25 = arith.constant 0 : i32
      %dma_wait3A_26 = tpu.memref_slice %arg10[%mul3A_2, %dma_wait3A_25] : memref<16384x128xf32, #tpu.memory_space<hbm>> -> memref<512x128xf32, #tpu.memory_space<hbm>>
      tpu.wait_dma2 semaphore(%run_scoped3A : memref<!tpu.dma_semaphore, #tpu.memory_space<semaphore_mem>>) src(%arg19 : memref<512x128xf32, #tpu.memory_space<vmem>>) dst(%dma_wait3A_26 : memref<512x128xf32, #tpu.memory_space<hbm>>)
      tpu.yield
    }) : () -> ()
    return
  }
}

</mosaic_0001>

<sc_bundles>
// kernel: kernel.3.cloned.1.call-start
scs
__scs_entry_jumppad:
0x0: {  	(pc) =	sbr.rel $0x88, $3  }
0x1: {  	(tag) =	ssettag $0x0;
	lr =	simm.s32 $0x1  }
0x2: {  	[smem:$0x3F99] =	sst lr;
	_ =	strace $0xD0000000  }
0x3: {  	_ = 	snop  }
0x4: {  	_ = 	snop  }
0x5: {  	_ = 	snop  }
0x6: {  	_ = 	snop  }
0x7: {  	_ = 	snop  }
__scs_overlays_trampoline_lowered:
0x8: {  	[smem:$0x3FA8] =	sst s0  }
0x9: {  	[smem:$0x3FA9] =	sst s1  }
0xa: {  	[smem:$0x3FAA] =	sst s2  }
0xb: {  	[smem:$0x3FAB] =	sst s3  }
0xc: {  	[smem:$0x3FAC] =	sst s4  }
0xd: {  	[smem:$0x3FAD] =	sst s5  }
0xe: {  	[smem:$0x3FAE] =	sst s6  }
0xf: {  	[smem:$0x3FAF] =	sst s7  }
0x10: {  	[smem:$0x3FB0] =	sst s8  }
0x11: {  	[smem:$0x3FB1] =	sst s9;
	s0 =	simm.s32 @!p0 $0x0  }
0x12: {  	s1 =	sld [smem:$0x3F97];
	s0 =	simm.s32 @p0 $0x1  }
0x13: {  	[smem:$0x3FB2] =	sst s0;
	s0 =	simm.s32 @!p1 $0x0  }
0x14: {  	s2 =	sld [smem:$0x3F96];
	s0 =	simm.s32 @p1 $0x1  }
0x15: {  	[smem:$0x3FB3] =	sst s0;
	s0 =	simm.s32 @!p2 $0x0  }
0x16: {  	s3 =	sld [smem:$0x3FDB];
	s0 =	simm.s32 @p2 $0x1  }
0x17: {  	s4 =	simm.s32 $0x1BF5;
	[smem:$0x3FB5] =	sst s0  }
0x18: {  	s0 =	sld [smem:$0x3F98];
	_ =	swait.ge [sflag:s4], $0x0  }
0x19: {  	s7 =	sld [smem:$0x3F99]  }
0x1a: {  	s8 =	sadd.s32 $0xFFFFE003, lr  }
0x1b: {  	s9 =	sadd.s32 $0xFFFFFEF7, lr;
	s5 =	simm.s32 $0xFFFFFFFF;
	p2 =	slt.u32 s8, $0xFFFFF086  }
0x1c: {  	p1 =	slt.u32 s9, $0xF7A;
	s5 =	simm.s32 @!p2 $0x0  }
0x1d: {  	s5 =	simm.s32 @p1 $0x1;
	p0 =	seq.s32 s7, s2  }
0x1e: {  	s7 =	smul.u32 @!p0 $0xF7A, s2;
	p2 =	seq.s32 @!p0 s5, $0x0  }
0x1f: {  	s9 =	smul.u32 $0xF7A, s1;
	s8 =	simm.s32 @!p0 $0x1BF5;
	p2 =	por !p2, p0  }
0x20: {  	[sflag:s8] =	ssyncset.s32 @!p0 $0xFFFFF086;
	s6 =	sadd.s32 @!p0 s3, s7;
	s7 =	simm.s32 @!p0 $0x108  }
0x21: {  	s3 =	sadd.s32 s3, s9;
	s6 =	sadd.s32 @!p0 $0x88, s6;
	s7 =	simm.s32 @p2 $0x1082  }
0x22: {  	[simem:s7], [sflag:s8] =	dma.local @!p0 [hbm:s6], $0xF7A  }
0x23: {  	s9 =	sor.u32 $0xD0000000, s2;
	s6 =	simm.s32 $0x108;
	_ =	swait.ge @!p0 [sflag:s8], $0x0  }
0x24: {  	s3 =	sadd.s32 $0x88, s3;
	s6 =	simm.s32 @!p1 $0x1082;
	[sflag:s4] =	ssyncset.s32 $0xFFFFF086  }
0x25: {  	[simem:s6], [sflag:s4] =	dma.local [hbm:s3], $0xF7A  }
0x26: {  	[smem:$0x3F99] =	sst s1;
	(tag) =	ssettag s2;
	_ =	strace s9  }
0x27: {  	s1 =	sld [smem:$0x3FA9]  }
0x28: {  	s2 =	sld [smem:$0x3FAA]  }
0x29: {  	s4 =	sld [smem:$0x3FAC]  }
0x2a: {  	p0 =	seq.s32 s5, $0x0;
	s5 =	sld [smem:$0x3FAD]  }
0x2b: {  	s6 =	sld [smem:$0x3FAE]  }
0x2c: {  	s7 =	sld [smem:$0x3FAF]  }
0x2d: {  	s3 =	simm.s32 $0x108;
	s8 =	sld [smem:$0x3FB0]  }
0x2e: {  	s3 =	simm.s32 @!p0 $0x1082;
	s9 =	sld [smem:$0x3FB1]  }
0x2f: {  	lr =	sadd.s32 s0, s3;
	s0 =	sld [smem:$0x3FA8]  }
0x30: {  	s3 =	sld [smem:$0x3FAB]  }
0x31: {  	[smem:$0x3FB4] =	sst s10  }
0x32: {  	s10 =	sld [smem:$0x3FB2];
	_ =	sdelay $0x3  }
0x33: {  	p0 =	seq.s32 s10, $0x1;
	s10 =	sld [smem:$0x3FB4];
	_ =	sdelay $0x3  }
0x34: {  	[smem:$0x3FB4] =	sst s10  }
0x35: {  	s10 =	sld [smem:$0x3FB3];
	_ =	sdelay $0x3  }
0x36: {  	p1 =	seq.s32 s10, $0x1;
	s10 =	sld [smem:$0x3FB4];
	_ =	sdelay $0x3  }
0x37: {  	[smem:$0x3FB4] =	sst s10  }
0x38: {  	s10 =	sld [smem:$0x3FB5]  }
0x39: {  	_ = 	snop;
	(pc) =	sbr.ind lr, $3  }
0x3a: {  	_ = 	snop  }
0x3b: {  	_ = 	snop  }
0x3c: {  	p2 =	seq.s32 s10, $0x1;
	s10 =	sld [smem:$0x3FB4]  }
0x3d: {  	_ =	shalt  }
0x3e: {  	_ =	shalt  }
0x3f: {  	_ =	shalt  }
0x40: {  	_ =	shalt  }
0x41: {  	_ =	shalt  }
0x42: {  	_ =	shalt  }
0x43: {  	_ =	shalt  }
0x44: {  	_ =	shalt  }
0x45: {  	_ =	shalt  }
0x46: {  	_ =	shalt  }
0x47: {  	_ =	shalt  }
0x48: {  	_ =	shalt  }
0x49: {  	_ =	shalt  }
0x4a: {  	_ =	shalt  }
0x4b: {  	_ =	shalt  }
0x4c: {  	_ =	shalt  }
0x4d: {  	_ =	shalt  }
0x4e: {  	_ =	shalt  }
0x4f: {  	_ =	shalt  }
0x50: {  	_ =	shalt  }
0x51: {  	_ =	shalt  }
0x52: {  	_ =	shalt  }
0x53: {  	_ =	shalt  }
0x54: {  	_ =	shalt  }
0x55: {  	_ =	shalt  }
0x56: {  	_ =	shalt  }
0x57: {  	_ =	shalt  }
0x58: {  	_ =	shalt  }
0x59: {  	_ =	shalt  }
0x5a: {  	_ =	shalt  }
0x5b: {  	_ =	shalt  }
0x5c: {  	_ =	shalt  }
0x5d: {  	_ =	shalt  }
0x5e: {  	_ =	shalt  }
0x5f: {  	_ =	shalt  }
0x60: {  	_ =	shalt  }
0x61: {  	_ =	shalt  }
0x62: {  	_ =	shalt  }
0x63: {  	_ =	shalt  }
0x64: {  	_ =	shalt  }
0x65: {  	_ =	shalt  }
0x66: {  	_ =	shalt  }
0x67: {  	_ =	shalt  }
0x68: {  	_ =	shalt  }
0x69: {  	_ =	shalt  }
0x6a: {  	_ =	shalt  }
0x6b: {  	_ =	shalt  }
0x6c: {  	_ =	shalt  }
0x6d: {  	_ =	shalt  }
0x6e: {  	_ =	shalt  }
0x6f: {  	_ =	shalt  }
0x70: {  	_ =	shalt  }
0x71: {  	_ =	shalt  }
0x72: {  	_ =	shalt  }
0x73: {  	_ =	shalt  }
0x74: {  	_ =	shalt  }
0x75: {  	_ =	shalt  }
0x76: {  	_ =	shalt  }
0x77: {  	_ =	shalt  }
0x78: {  	_ =	shalt  }
0x79: {  	_ =	shalt  }
0x7a: {  	_ =	shalt  }
0x7b: {  	_ =	shalt  }
0x7c: {  	_ =	shalt  }
0x7d: {  	_ =	shalt  }
0x7e: {  	_ =	shalt  }
0x7f: {  	_ =	shalt  }
0x80: {  	_ =	shalt  }
0x81: {  	_ =	shalt  }
0x82: {  	_ =	shalt  }
0x83: {  	_ =	shalt  }
0x84: {  	_ =	shalt  }
0x85: {  	_ =	shalt  }
0x86: {  	_ =	shalt  }
0x87: {  	_ =	shalt  }
.Lfunc_end0:
.L_simem_size_0:
called_computation_lowered:
.L_overlay_start_0:
0x88: {  	s2 =	sld [smem:$0x3FD9]  }
0x89: {  	s3 =	sld [smem:$0x3FFE];
	_ =	sdelay $0x1  }
0x8a: {  	s1 =	srdreg.scid  }
0x8b: {  	s0 =	sand.u32 $0x1, s1  }
0x8c: {  	s18 =	sshll.u32 s0, $0xA;
	s2 =	sadd.s32 s3, s2  }
0x8d: {  	s2 =	sadd.s32 s2, s18  }
0x8e: {  	[smem:$0x3FC0] =	sst s2  }
0x8f: {  	_ = 	snop  }
0x90: {  	s2 =	sld [smem:$0x3FC9]  }
0x91: {  	s19 =	sld [smem:$0x3FC8]  }
0x92: {  	s4 =	sld [smem:$0x3FC7]  }
0x93: {  	s5 =	sld [smem:$0x3FC6]  }
0x94: {  	s6 =	sld [smem:$0x3FC5]  }
0x95: {  	s7 =	sld [smem:$0x3FC4]  }
0x96: {  	s8 =	sld [smem:$0x3FC3]  }
0x97: {  	s9 =	sld [smem:$0x3FC2]  }
0x98: {  	s10 =	sld [smem:$0x3FD0];
	(tm) =	ssettm $0x1  }
0x99: {  	s11 =	sld [smem:$0x3FFB];
	_ =	sdelay $0x3  }
0x9a: {  	_ =	strace s11  }
0x9b: {  	s11 =	sld [smem:$0x3FFC];
	_ =	sdelay $0x3  }
0x9c: {  	_ =	strace s11  }
0x9d: {  	s11 =	sld [smem:$0x3FFD];
	_ =	sdelay $0x3  }
0x9e: {  	_ =	strace s11  }
0x9f: {  	_ =	strace $0x8FFFFFFF  }
0xa0: {  	s20 =	sld [smem:$0x3FDB];
	_ =	sdelay $0x1  }
0xa1: {  	s12 =	simm.s32 $_scs_section_size  }
0xa2: {  	s13 =	simm.s32 $_size__tile_overlayer_lowered;
	s14 =	simm.s32 $_tile_overlayer_lowered  }
0xa3: {  	s23 =	simm.s32 $0x1BFF;
	s22 =	sshll.u32 s14, $0x1;
	s11 =	sadd.s32 s12, s20  }
0xa4: {  	s15 =	simm.s32 $0x0;
	s21 =	sshll.u32 s13, $0x1;
	s13 =	sadd.s32 s22, s11  }
0xa5: {  	[timem:s15], [sflag:s23] =	dma.local [hbm:s13], s21  }
0xa6: {  	_ =	swait.ge [sflag:s23], s21  }
0xa7: {  	s12 =	ssub.s32 $0x0, s21;
	[sflag:s23] =	ssyncset.done $0x0  }
0xa8: {  	[sflag:s23] =	ssyncadd.s32 s12;
	_ =	sdelay $0x1  }
0xa9: {  	s24 =	simm.s32 $0x1B8B  }
0xaa: {  	_ =	swait.ge [sflag:s24], $0x1  }
0xab: {  	[sflag:s24] =	ssyncset.done $0x0  }
0xac: {  	s25 =	simm.s32 $0x1B8E;
	[sflag:s24] =	ssyncadd.s32 $0xFFFFFFFF  }
0xad: {  	s26 =	simm.s32 $execute0_lowered;
	[smem:$0x3FD2] =	sst s25  }
0xae: {  	s12 =	sshll.u32 s26, $0x1;
	_ =	strace $0x80000046;
	[dreg:$0x1] =	wrdreg $0xFFFFFFFF  }
0xaf: {  	s28 =	simm.s32 $_size_execute0_lowered;
	s11 =	sadd.s32 s11, s12;
	[dreg:$0x0] =	wrdreg $0x0  }
0xb0: {  	s12 =	sshll.u32 s28, $0x1;
	[dreg:$0x2] =	wrdreg s11  }
0xb1: {  	[dreg:$0x3] =	wrdreg s12  }
0xb2: {  	[dreg:$0x4] =	wrdreg $0xC0  }
0xb3: {  	_ =	task [dreg:s15], $0x5FFFF  }
0xb4: {  	[dreg:$0x1] =	wrdreg $0xFFFFFFFF  }
0xb5: {  	[dreg:$0x0] =	wrdreg $0x60  }
0xb6: {  	[dreg:$0x2] =	wrdreg s2  }
0xb7: {  	[dreg:$0x3] =	wrdreg s19  }
0xb8: {  	[dreg:$0x4] =	wrdreg s4  }
0xb9: {  	[dreg:$0x5] =	wrdreg s5  }
0xba: {  	[dreg:$0x6] =	wrdreg s6  }
0xbb: {  	[dreg:$0x7] =	wrdreg s7  }
0xbc: {  	[dreg:$0x8] =	wrdreg s8  }
0xbd: {  	[dreg:$0x9] =	wrdreg s9  }
0xbe: {  	[dreg:$0xa] =	wrdreg s10  }
0xbf: {  	[dreg:$0xb] =	wrdreg $0x9  }
0xc0: {  	_ =	task.clear_ibuf [dreg:s15], $0xCFFFF;
	_ =	strace $0x90000046  }
0xc1: {  	s29 =	simm.s32 $0x9;
	_ =	strace $0x80000048  }
0xc2: {  	_ =	swait.ge [sflag:s29], $0x1  }
0xc3: {  	[sflag:s29] =	ssyncadd.s32 $0xFFFFFFFF  }
0xc4: {  	_ =	strace $0x90000048  }
0xc5: {  	_ =	sfence  }
0xc6: {  	s30 =	sld [smem:$0x0];
	_ =	sdelay $0x2  }
0xc7: {  	s31 =	sshll.u32 s1, $0xD;
	s1 =	sshrl.u32 s1, $0x2  }
0xc8: {  	s3 =	sand.u32 $0x4000, s31;
	s1 =	sadd.s32 s1, s30  }
0xc9: {  	s0 =	sor.u32 s3, s0;
	s1 =	sshll.u32 s1, $0x11  }
0xca: {  	s0 =	sor.u32 s1, s0  }
0xcb: {  	s0 =	sadd.s32 $0x8F2B, s0  }
0xcc: {  	[sflag:s0] =	ssyncadd.remote.s32 $0x1  }
0xcd: {  	_ =	sfence.sel $0xFFFF  }
0xce: {  	[dreg:$0x0] =	wrdreg $0xFFFFFFFF;
	(pc) =	sbr.abs _section_cstart, $3  }
0xcf: {  	[dreg:$0x1] =	wrdreg $0xFFFFFFFF  }
0xd0: {  	_ =	task.clear_ibuf [dreg:s15], $0x2FFFF;
	_ =	strace $0x9FFFFFFF  }
0xd1: {  	(tm) =	ssettm $0x7FFFFFFF  }
tec
execute0_lowered:
.L_overlay_start_1:
0x0: {  	(tag) =	ssettag $0x1  }
0x1: {  	s0 =	rddreg [dreg:$0x0]  }
0x2: {  	s1 =	rddreg [dreg:$0x1];
	s5 =	srdreg.scid  }
0x3: {  	s2 =	rddreg [dreg:$0x2];
	s7 =	stileid.u32;
	s5 =	sand.u32 $0x1, s5  }
0x4: {  	s7 =	sshll.u32 s7, $0xA;
	s6 =	ssub.s32 $0x2, s5;
	s5 =	sshll.u32 s5, $0x9  }
0x5: {  	s3 =	rddreg [dreg:$0x3];
	s5 =	sor.u32 s5, s7  }
0x6: {  	s4 =	rddreg [dreg:$0x8];
	s9 =	simm.s32 $0x0;
	s7 =	sshrl.u32 s5, $0x3  }
0x7: {  	[smem:$0x7FF] =	sst s9;
	s0 =	sadd.s32 s0, s7  }
0x8: {  	_ =	strace $0x80000047;
	s26 =	sadd.s32 s1, s7;
	[dreg:$0xa] =	wrdreg s0  }
0x9: {  	s8 =	sshrl.u32 s6, $0x1;
	s29 =	sadd.s32 s2, s7;
	[dreg:$0xb] =	wrdreg s26  }
0xa: {  	s6 =	ssub.s32 s6, s8;
	s30 =	sadd.s32 s3, s7;
	[dreg:$0xc] =	wrdreg s29  }
0xb: {  	s28 =	sshll.u32 s5, $0x4;
	s31 =	smax.u32 s6, $0x1;
	[dreg:$0xd] =	wrdreg s30  }
0xc: {  	s0 =	sadd.s32 s4, s28;
	[dreg:$0xf] =	wrdreg s31  }
0xd: {  	s2 =	simm.s32 $0x0;
	[dreg:$0xe] =	wrdreg s0  }
.LBB2_1:
0xe: {  	[dreg:$0x10] =	wrdreg s2  }
0xf: {  	s0 =	rddreg [dreg:$0x4];
	s1 =	simm.s32 $0x800  }
0x10: {  	[tilespmem:s1], [sflag:$0x1] =	stream.linear.gather [hbm4b:s0+s9], $0xC00, $0x38;
	[tilespmem:$0x12800] =	vst v63  }
0x11: {  	s16 =	rddreg [dreg:$0x5];
	s17 =	simm.s32 $0x1400  }
0x12: {  	[tilespmem:s17], [sflag:$0x1] =	stream.linear.gather [hbm4b:s16+s9], $0x380, $0x38;
	[tilespmem:$0x12800] =	vst v63  }
0x13: {  	s18 =	simm.s32 $0x1800;
	s0 =	rddreg [dreg:$0x6]  }
0x14: {  	[tilespmem:s18], [sflag:$0x1] =	stream.linear.gather [hbm4b:s0+s9], $0x600, $0x38;
	[tilespmem:$0x12800] =	vst v63  }
0x15: {  	s20 =	simm.s32 $0x2000;
	s19 =	rddreg [dreg:$0x7]  }
0x16: {  	[tilespmem:s20], [sflag:$0x1] =	stream.linear.gather [hbm4b:s19+s9], $0x500, $0x38;
	[tilespmem:$0x12800] =	vst v63  }
0x17: {  	s21 =	rddreg [dreg:$0xa]  }
0x18: {  	[tilespmem:s9], [sflag:$0x1] =	stream.linear.gather [hbm4b:s21+s9], $0x200, $0x38;
	[tilespmem:$0x12800] =	vst v63  }
0x19: {  	s23 =	simm.s32 $0x200;
	s22 =	rddreg [dreg:$0xb]  }
0x1a: {  	[tilespmem:s23], [sflag:$0x1] =	stream.linear.gather [hbm4b:s22+s9], $0x200, $0x38;
	[tilespmem:$0x12800] =	vst v63  }
0x1b: {  	s25 =	simm.s32 $0x400;
	s24 =	rddreg [dreg:$0xc]  }
0x1c: {  	[tilespmem:s25], [sflag:$0x1] =	stream.linear.gather [hbm4b:s24+s9], $0x200, $0x38;
	[tilespmem:$0x12800] =	vst v63  }
0x1d: {  	s31 =	simm.s32 $0x600;
	s1 =	simm.s32 $0x1;
	s26 =	rddreg [dreg:$0xd]  }
0x1e: {  	[tilespmem:s31], [sflag:$0x1] =	stream.linear.gather [hbm4b:s26+s9], $0x200, $0x38;
	[tilespmem:$0x12800] =	vst v63  }
0x1f: {  	_ =	swait.ge [sflag:s1], $0xC00  }
0x20: {  	[sflag:s1] =	ssyncset.done $0x0  }
0x21: {  	[sflag:s1] =	ssyncadd.s32 $0xFFFFF400  }
0x22: {  	_ =	swait.ge [sflag:s1], $0x380  }
0x23: {  	[sflag:s1] =	ssyncset.done $0x0  }
0x24: {  	[sflag:s1] =	ssyncadd.s32 $0xFFFFFC80  }
0x25: {  	_ =	swait.ge [sflag:s1], $0x600  }
0x26: {  	[sflag:s1] =	ssyncset.done $0x0  }
0x27: {  	[sflag:s1] =	ssyncadd.s32 $0xFFFFFA00  }
0x28: {  	_ =	swait.ge [sflag:s1], $0x500  }
0x29: {  	[sflag:s1] =	ssyncset.done $0x0  }
0x2a: {  	[sflag:s1] =	ssyncadd.s32 $0xFFFFFB00  }
0x2b: {  	_ =	swait.ge [sflag:s1], $0x200  }
0x2c: {  	[sflag:s1] =	ssyncset.done $0x0  }
0x2d: {  	[sflag:s1] =	ssyncadd.s32 $0xFFFFFE00  }
0x2e: {  	_ =	swait.ge [sflag:s1], $0x200  }
0x2f: {  	[sflag:s1] =	ssyncset.done $0x0  }
0x30: {  	[sflag:s1] =	ssyncadd.s32 $0xFFFFFE00  }
0x31: {  	_ =	swait.ge [sflag:s1], $0x200  }
0x32: {  	[sflag:s1] =	ssyncset.done $0x0  }
0x33: {  	[sflag:s1] =	ssyncadd.s32 $0xFFFFFE00  }
0x34: {  	_ =	swait.ge [sflag:s1], $0x200  }
0x35: {  	[sflag:s1] =	ssyncset.done $0x0  }
0x36: {  	s2 =	simm.s32 $0x0;
	[sflag:s1] =	ssyncadd.s32 $0xFFFFFE00  }
0x37: {  	v0 =	vld [tilespmem:s2+$0x0];
	_ =	sdelay $0x4  }
0x38: {  	v0 =	vshll.u32 v0, $0x9  }
0x39: {  	v19 =	vshra.s32 v0, $0x2  }
0x3a: {  	(v2sf) =	vpush v19, $0x0;
	_ =	sdelay $0x4  }
0x3b: {  	v0 =	vld [tilespmem:s2+$0x200];
	_ =	sdelay $0x4  }
0x3c: {  	v0 =	vshll.u32 v0, $0x9  }
0x3d: {  	v18 =	vshra.s32 v0, $0x2  }
0x3e: {  	(v2sf) =	vpush v18, $0x0;
	_ =	sdelay $0x2  }
0x3f: {  	s3 =	spop (v2sf)  }
0x40: {  	v0 =	vld [tilespmem:s3+$0x800]  }
0x41: {  	v1 =	vld [tilespmem:s2+$0x400];
	_ =	sdelay $0x2  }
0x42: {  	s26 =	simm.s32 $0x2C00  }
0x43: {  	v2 =	vld [tilespmem:s2+$0x600];
	[tilespmem:s26+$0xFFFFFC00] =	vst v0  }
0x44: {  	v1 =	vshll.u32 v1, $0x9;
	v0 =	vld [tilespmem:s3+$0x810]  }
0x45: {  	v17 =	vshra.s32 v1, $0x2  }
0x46: {  	(v2sf) =	vpush v17, $0x0;
	_ =	sdelay $0x2  }
0x47: {  	s4 =	spop (v2sf);
	[tilespmem:s26+$0xFFFFFC10] =	vst v0  }
0x48: {  	v0 =	vld [tilespmem:s4+$0x1400];
	_ =	sdelay $0x4  }
0x49: {  	[tilespmem:s26+$0xFFFFFC20] =	vst v0  }
0x4a: {  	v1 =	vshll.u32 v2, $0x9;
	v0 =	vld [tilespmem:s4+$0x1410]  }
0x4b: {  	v16 =	vshra.s32 v1, $0x2  }
0x4c: {  	(v2sf) =	vpush v16, $0x0;
	_ =	sdelay $0x2  }
0x4d: {  	s5 =	spop (v2sf);
	[tilespmem:s26+$0xFFFFFC30] =	vst v0  }
0x4e: {  	v0 =	vld [tilespmem:s5+$0x1800];
	_ =	sdelay $0x4  }
0x4f: {  	[tilespmem:s26+$0xFFFFFC40] =	vst v0  }
0x50: {  	v0 =	vld [tilespmem:s5+$0x1810];
	_ =	sdelay $0x1  }
0x51: {  	(v2sf) =	vpush v19, $0x1;
	_ =	sdelay $0x2  }
0x52: {  	s6 =	spop (v2sf);
	[tilespmem:s26+$0xFFFFFC50] =	vst v0  }
0x53: {  	v0 =	vld [tilespmem:s6+$0x2000];
	_ =	sdelay $0x4  }
0x54: {  	[tilespmem:s26+$0xFFFFFC60] =	vst v0  }
0x55: {  	v0 =	vld [tilespmem:s6+$0x2010];
	_ =	sdelay $0x1  }
0x56: {  	(v2sf) =	vpush v18, $0x1;
	_ =	sdelay $0x2  }
0x57: {  	s7 =	spop (v2sf);
	[tilespmem:s26+$0xFFFFFC70] =	vst v0  }
0x58: {  	v0 =	vld [tilespmem:s7+$0x800];
	_ =	sdelay $0x4  }
0x59: {  	[tilespmem:s26+$0xFFFFFC80] =	vst v0  }
0x5a: {  	v0 =	vld [tilespmem:s7+$0x810];
	_ =	sdelay $0x1  }
0x5b: {  	(v2sf) =	vpush v17, $0x1;
	_ =	sdelay $0x2  }
0x5c: {  	s8 =	spop (v2sf);
	[tilespmem:s26+$0xFFFFFC90] =	vst v0  }
0x5d: {  	v0 =	vld [tilespmem:s8+$0x1400];
	_ =	sdelay $0x4  }
0x5e: {  	[tilespmem:s26+$0xFFFFFCA0] =	vst v0  }
0x5f: {  	v0 =	vld [tilespmem:s8+$0x1410];
	_ =	sdelay $0x1  }
0x60: {  	(v2sf) =	vpush v16, $0x1;
	_ =	sdelay $0x2  }
0x61: {  	s9 =	spop (v2sf);
	[tilespmem:s26+$0xFFFFFCB0] =	vst v0  }
0x62: {  	v0 =	vld [tilespmem:s9+$0x1800];
	_ =	sdelay $0x4  }
0x63: {  	[tilespmem:s26+$0xFFFFFCC0] =	vst v0  }
0x64: {  	v0 =	vld [tilespmem:s9+$0x1810];
	_ =	sdelay $0x1  }
0x65: {  	(v2sf) =	vpush v19, $0x2;
	_ =	sdelay $0x2  }
0x66: {  	s10 =	spop (v2sf);
	[tilespmem:s26+$0xFFFFFCD0] =	vst v0  }
0x67: {  	v0 =	vld [tilespmem:s10+$0x2000];
	_ =	sdelay $0x4  }
0x68: {  	[tilespmem:s26+$0xFFFFFCE0] =	vst v0  }
0x69: {  	v0 =	vld [tilespmem:s10+$0x2010];
	_ =	sdelay $0x1  }
0x6a: {  	(v2sf) =	vpush v18, $0x2;
	_ =	sdelay $0x2  }
0x6b: {  	s11 =	spop (v2sf);
	[tilespmem:s26+$0xFFFFFCF0] =	vst v0  }
0x6c: {  	v0 =	vld [tilespmem:s11+$0x800];
	_ =	sdelay $0x4  }
0x6d: {  	[tilespmem:s26+$0xFFFFFD00] =	vst v0  }
0x6e: {  	v0 =	vld [tilespmem:s11+$0x810];
	_ =	sdelay $0x1  }
0x6f: {  	(v2sf) =	vpush v17, $0x2;
	_ =	sdelay $0x1  }
0x70: {  	s12 =	simm.s32 $0x10  }
0x71: {  	s13 =	spop (v2sf);
	[tilespmem:s26+$0xFFFFFD10] =	vst v0;
	v0 =	vld [tilespmem:s12+$0x0]  }
0x72: {  	v1 =	vld [tilespmem:s13+$0x1400];
	_ =	sdelay $0x3  }
0x73: {  	v0 =	vshll.u32 v0, $0x9  }
0x74: {  	[tilespmem:s26+$0xFFFFFD20] =	vst v1;
	v11 =	vshra.s32 v0, $0x2  }
0x75: {  	v0 =	vld [tilespmem:s13+$0x1410];
	(v2sf) =	vpush v11, $0x0;
	_ =	sdelay $0x1  }
0x76: {  	(v2sf) =	vpush v16, $0x2;
	_ =	sdelay $0x2  }
0x77: {  	s14 =	spop (v2sf);
	v1 =	vld [tilespmem:s12+$0x200];
	[tilespmem:s26+$0xFFFFFD30] =	vst v0  }
0x78: {  	v0 =	vld [tilespmem:s14+$0x1800];
	_ =	sdelay $0x3  }
0x79: {  	v1 =	vshll.u32 v1, $0x9  }
0x7a: {  	v10 =	vshra.s32 v1, $0x2;
	[tilespmem:s26+$0xFFFFFD40] =	vst v0  }
0x7b: {  	(v2sf) =	vpush v10, $0x0;
	v0 =	vld [tilespmem:s14+$0x1810];
	_ =	sdelay $0x1  }
0x7c: {  	(v2sf) =	vpush v19, $0x3  }
0x7d: {  	s15 =	spop (v2sf)  }
0x7e: {  	v1 =	vld [tilespmem:s15+$0x800]  }
0x7f: {  	v2 =	vld [tilespmem:s12+$0x400];
	s16 =	spop (v2sf);
	[tilespmem:s26+$0xFFFFFD50] =	vst v0  }
0x80: {  	v0 =	vld [tilespmem:s16+$0x2000];
	_ =	sdelay $0x1  }
0x81: {  	s28 =	simm.s32 $0x3400  }
0x82: {  	v3 =	vld [tilespmem:s12+$0x600];
	[tilespmem:s28+$0xFFFFFC00] =	vst v1  }
0x83: {  	v2 =	vshll.u32 v2, $0x9;
	v1 =	vld [tilespmem:s15+$0x810]  }
0x84: {  	v9 =	vshra.s32 v2, $0x2;
	[tilespmem:s26+$0xFFFFFD60] =	vst v0  }
0x85: {  	(v2sf) =	vpush v9, $0x0;
	v0 =	vld [tilespmem:s16+$0x2010];
	_ =	sdelay $0x1  }
0x86: {  	(v2sf) =	vpush v18, $0x3  }
0x87: {  	s17 =	spop (v2sf);
	[tilespmem:s28+$0xFFFFFC10] =	vst v1  }
0x88: {  	v1 =	vld [tilespmem:s17+$0x1400]  }
0x89: {  	s18 =	spop (v2sf);
	[tilespmem:s26+$0xFFFFFD70] =	vst v0  }
0x8a: {  	v0 =	vld [tilespmem:s18+$0x800];
	_ =	sdelay $0x2  }
0x8b: {  	[tilespmem:s28+$0xFFFFFC20] =	vst v1  }
0x8c: {  	v2 =	vshll.u32 v3, $0x9;
	v1 =	vld [tilespmem:s17+$0x1410]  }
0x8d: {  	v8 =	vshra.s32 v2, $0x2;
	[tilespmem:s26+$0xFFFFFD80] =	vst v0  }
0x8e: {  	(v2sf) =	vpush v8, $0x0;
	v0 =	vld [tilespmem:s18+$0x810];
	_ =	sdelay $0x1  }
0x8f: {  	(v2sf) =	vpush v17, $0x3  }
0x90: {  	s19 =	spop (v2sf);
	[tilespmem:s28+$0xFFFFFC30] =	vst v1  }
0x91: {  	v1 =	vld [tilespmem:s19+$0x1800]  }
0x92: {  	s20 =	spop (v2sf);
	[tilespmem:s26+$0xFFFFFD90] =	vst v0  }
0x93: {  	v0 =	vld [tilespmem:s20+$0x1400];
	_ =	sdelay $0x2  }
0x94: {  	[tilespmem:s28+$0xFFFFFC40] =	vst v1  }
0x95: {  	v1 =	vld [tilespmem:s19+$0x1810]  }
0x96: {  	[tilespmem:s26+$0xFFFFFDA0] =	vst v0  }
0x97: {  	(v2sf) =	vpush v11, $0x1;
	v0 =	vld [tilespmem:s20+$0x1410];
	_ =	sdelay $0x1  }
0x98: {  	(v2sf) =	vpush v16, $0x3  }
0x99: {  	s21 =	spop (v2sf);
	[tilespmem:s28+$0xFFFFFC50] =	vst v1  }
0x9a: {  	v1 =	vld [tilespmem:s21+$0x2000]  }
0x9b: {  	s22 =	spop (v2sf);
	[tilespmem:s26+$0xFFFFFDB0] =	vst v0  }
0x9c: {  	v0 =	vld [tilespmem:s22+$0x1800];
	_ =	sdelay $0x2  }
0x9d: {  	[tilespmem:s28+$0xFFFFFC60] =	vst v1  }
0x9e: {  	v1 =	vld [tilespmem:s21+$0x2010]  }
0x9f: {  	[tilespmem:s26+$0xFFFFFDC0] =	vst v0  }
0xa0: {  	(v2sf) =	vpush v10, $0x1;
	v0 =	vld [tilespmem:s22+$0x1810];
	_ =	sdelay $0x1  }
0xa1: {  	(v2sf) =	vpush v19, $0x4  }
0xa2: {  	s23 =	spop (v2sf);
	[tilespmem:s28+$0xFFFFFC70] =	vst v1  }
0xa3: {  	v1 =	vld [tilespmem:s23+$0x800]  }
0xa4: {  	s24 =	spop (v2sf);
	[tilespmem:s26+$0xFFFFFDD0] =	vst v0  }
0xa5: {  	v0 =	vld [tilespmem:s24+$0x2000];
	_ =	sdelay $0x2  }
0xa6: {  	[tilespmem:s28+$0xFFFFFC80] =	vst v1  }
0xa7: {  	v1 =	vld [tilespmem:s23+$0x810]  }
0xa8: {  	[tilespmem:s26+$0xFFFFFDE0] =	vst v0  }
0xa9: {  	(v2sf) =	vpush v9, $0x1;
	v0 =	vld [tilespmem:s24+$0x2010];
	_ =	sdelay $0x1  }
0xaa: {  	(v2sf) =	vpush v18, $0x4  }
0xab: {  	s25 =	spop (v2sf);
	[tilespmem:s28+$0xFFFFFC90] =	vst v1  }
0xac: {  	v1 =	vld [tilespmem:s25+$0x1400]  }
0xad: {  	s31 =	spop (v2sf);
	[tilespmem:s26+$0xFFFFFDF0] =	vst v0  }
0xae: {  	v0 =	vld [tilespmem:s31+$0x800];
	_ =	sdelay $0x2  }
0xaf: {  	[tilespmem:s28+$0xFFFFFCA0] =	vst v1  }
0xb0: {  	v1 =	vld [tilespmem:s25+$0x1410]  }
0xb1: {  	[tilespmem:s26+$0xFFFFFE00] =	vst v0  }
0xb2: {  	(v2sf) =	vpush v8, $0x1;
	v0 =	vld [tilespmem:s31+$0x810];
	_ =	sdelay $0x1  }
0xb3: {  	(v2sf) =	vpush v17, $0x4  }
0xb4: {  	s1 =	spop (v2sf);
	[tilespmem:s28+$0xFFFFFCB0] =	vst v1  }
0xb5: {  	v1 =	vld [tilespmem:s1+$0x1800]  }
0xb6: {  	s2 =	spop (v2sf);
	[tilespmem:s26+$0xFFFFFE10] =	vst v0  }
0xb7: {  	v0 =	vld [tilespmem:s2+$0x1400];
	_ =	sdelay $0x2  }
0xb8: {  	[tilespmem:s28+$0xFFFFFCC0] =	vst v1  }
0xb9: {  	v1 =	vld [tilespmem:s1+$0x1810]  }
0xba: {  	[tilespmem:s26+$0xFFFFFE20] =	vst v0  }
0xbb: {  	(v2sf) =	vpush v11, $0x2;
	v0 =	vld [tilespmem:s2+$0x1410];
	_ =	sdelay $0x1  }
0xbc: {  	(v2sf) =	vpush v16, $0x4  }
0xbd: {  	s3 =	spop (v2sf);
	[tilespmem:s28+$0xFFFFFCD0] =	vst v1  }
0xbe: {  	v1 =	vld [tilespmem:s3+$0x2000]  }
0xbf: {  	s4 =	spop (v2sf);
	[tilespmem:s26+$0xFFFFFE30] =	vst v0  }
0xc0: {  	v0 =	vld [tilespmem:s4+$0x1800];
	_ =	sdelay $0x2  }
0xc1: {  	[tilespmem:s28+$0xFFFFFCE0] =	vst v1  }
0xc2: {  	v1 =	vld [tilespmem:s3+$0x2010]  }
0xc3: {  	[tilespmem:s26+$0xFFFFFE40] =	vst v0  }
0xc4: {  	(v2sf) =	vpush v10, $0x2;
	v0 =	vld [tilespmem:s4+$0x1810];
	_ =	sdelay $0x1  }
0xc5: {  	(v2sf) =	vpush v19, $0x5  }
0xc6: {  	s5 =	spop (v2sf);
	[tilespmem:s28+$0xFFFFFCF0] =	vst v1  }
0xc7: {  	v1 =	vld [tilespmem:s5+$0x800]  }
0xc8: {  	s6 =	spop (v2sf);
	[tilespmem:s26+$0xFFFFFE50] =	vst v0  }
0xc9: {  	v0 =	vld [tilespmem:s6+$0x2000];
	_ =	sdelay $0x2  }
0xca: {  	[tilespmem:s28+$0xFFFFFD00] =	vst v1  }
0xcb: {  	v1 =	vld [tilespmem:s5+$0x810]  }
0xcc: {  	[tilespmem:s26+$0xFFFFFE60] =	vst v0  }
0xcd: {  	(v2sf) =	vpush v9, $0x2;
	v0 =	vld [tilespmem:s6+$0x2010];
	_ =	sdelay $0x1  }
0xce: {  	s7 =	simm.s32 $0x20;
	(v2sf) =	vpush v18, $0x5  }
0xcf: {  	s8 =	spop (v2sf);
	[tilespmem:s28+$0xFFFFFD10] =	vst v1;
	v1 =	vld [tilespmem:s7+$0x0]  }
0xd0: {  	v2 =	vld [tilespmem:s8+$0x1400]  }
0xd1: {  	s9 =	spop (v2sf);
	[tilespmem:s26+$0xFFFFFE70] =	vst v0  }
0xd2: {  	v3 =	vld [tilespmem:s9+$0x800];
	_ =	sdelay $0x2  }
0xd3: {  	v0 =	vshll.u32 v1, $0x9;
	[tilespmem:s28+$0xFFFFFD20] =	vst v2  }
0xd4: {  	v0 =	vshra.s32 v0, $0x2;
	v1 =	vld [tilespmem:s8+$0x1410]  }
0xd5: {  	(v2sf) =	vpush v0, $0x0;
	[tilespmem:s26+$0xFFFFFE80] =	vst v3  }
0xd6: {  	(v2sf) =	vpush v8, $0x2;
	v2 =	vld [tilespmem:s9+$0x810];
	_ =	sdelay $0x1  }
0xd7: {  	(v2sf) =	vpush v17, $0x5  }
0xd8: {  	s10 =	spop (v2sf);
	v3 =	vld [tilespmem:s7+$0x200];
	[tilespmem:s28+$0xFFFFFD30] =	vst v1  }
0xd9: {  	v1 =	vld [tilespmem:s10+$0x1800]  }
0xda: {  	s11 =	spop (v2sf);
	[tilespmem:s26+$0xFFFFFE90] =	vst v2  }
0xdb: {  	v2 =	vld [tilespmem:s11+$0x1400];
	_ =	sdelay $0x2  }
0xdc: {  	v3 =	vshll.u32 v3, $0x9;
	[tilespmem:s28+$0xFFFFFD40] =	vst v1  }
0xdd: {  	v1 =	vshra.s32 v3, $0x2;
	v3 =	vld [tilespmem:s10+$0x1810]  }
0xde: {  	(v2sf) =	vpush v1, $0x0;
	[tilespmem:s26+$0xFFFFFEA0] =	vst v2  }
0xdf: {  	(v2sf) =	vpush v11, $0x3;
	v2 =	vld [tilespmem:s11+$0x1410];
	_ =	sdelay $0x1  }
0xe0: {  	v4 =	vld [tilespmem:s7+$0x400];
	(v2sf) =	vpush v16, $0x5;
	s12 =	spop (v2sf)  }
0xe1: {  	v5 =	vld [tilespmem:s12+$0x800];
	s13 =	spop (v2sf);
	[tilespmem:s28+$0xFFFFFD50] =	vst v3  }
0xe2: {  	v3 =	vld [tilespmem:s13+$0x2000]  }
0xe3: {  	s3 =	spop (v2sf);
	[tilespmem:s26+$0xFFFFFEB0] =	vst v2  }
0xe4: {  	v6 =	vld [tilespmem:s3+$0x1800]  }
0xe5: {  	s24 =	simm.s32 $0x3C00  }
0xe6: {  	v7 =	vld [tilespmem:s7+$0x600];
	[tilespmem:s24+$0xFFFFFC00] =	vst v5  }
0xe7: {  	v2 =	vshll.u32 v4, $0x9;
	v5 =	vld [tilespmem:s12+$0x810];
	[tilespmem:s28+$0xFFFFFD60] =	vst v3  }
0xe8: {  	v2 =	vshra.s32 v2, $0x2;
	v3 =	vld [tilespmem:s13+$0x2010]  }
0xe9: {  	(v2sf) =	vpush v2, $0x0;
	[tilespmem:s26+$0xFFFFFEC0] =	vst v6  }
0xea: {  	(v2sf) =	vpush v10, $0x3;
	v4 =	vld [tilespmem:s3+$0x1810];
	_ =	sdelay $0x1  }
0xeb: {  	(v2sf) =	vpush v19, $0x6;
	[tilespmem:s24+$0xFFFFFC10] =	vst v5;
	s14 =	spop (v2sf)  }
0xec: {  	v5 =	vld [tilespmem:s14+$0x1400];
	s15 =	spop (v2sf);
	[tilespmem:s28+$0xFFFFFD70] =	vst v3  }
0xed: {  	v3 =	vld [tilespmem:s15+$0x800]  }
0xee: {  	s16 =	spop (v2sf);
	[tilespmem:s26+$0xFFFFFED0] =	vst v4  }
0xef: {  	v4 =	vld [tilespmem:s16+$0x2000];
	_ =	sdelay $0x1  }
0xf0: {  	[tilespmem:s24+$0xFFFFFC20] =	vst v5  }
0xf1: {  	v6 =	vshll.u32 v7, $0x9;
	v5 =	vld [tilespmem:s14+$0x1410];
	[tilespmem:s28+$0xFFFFFD80] =	vst v3  }
0xf2: {  	v3 =	vshra.s32 v6, $0x2;
	v6 =	vld [tilespmem:s15+$0x810]  }
0xf3: {  	(v2sf) =	vpush v3, $0x0;
	[tilespmem:s26+$0xFFFFFEE0] =	vst v4  }
0xf4: {  	(v2sf) =	vpush v9, $0x3;
	v4 =	vld [tilespmem:s16+$0x2010];
	_ =	sdelay $0x1  }
0xf5: {  	s17 =	spop (v2sf);
	(v2sf) =	vpush v18, $0x6;
	[tilespmem:s24+$0xFFFFFC30] =	vst v5  }
0xf6: {  	s18 =	spop (v2sf);
	v5 =	vld [tilespmem:s17+$0x1800];
	[tilespmem:s28+$0xFFFFFD90] =	vst v6  }
0xf7: {  	v6 =	vld [tilespmem:s18+$0x1400]  }
0xf8: {  	s19 =	spop (v2sf);
	[tilespmem:s26+$0xFFFFFEF0] =	vst v4  }
0xf9: {  	v4 =	vld [tilespmem:s19+$0x800];
	_ =	sdelay $0x1  }
0xfa: {  	[tilespmem:s24+$0xFFFFFC40] =	vst v5  }
0xfb: {  	v5 =	vld [tilespmem:s17+$0x1810];
	[tilespmem:s28+$0xFFFFFDA0] =	vst v6  }
0xfc: {  	v6 =	vld [tilespmem:s18+$0x1410]  }
0xfd: {  	(v2sf) =	vpush v0, $0x1;
	[tilespmem:s26+$0xFFFFFF00] =	vst v4  }
0xfe: {  	(v2sf) =	vpush v8, $0x3;
	v4 =	vld [tilespmem:s19+$0x810];
	_ =	sdelay $0x1  }
0xff: {  	(v2sf) =	vpush v17, $0x6;
	[tilespmem:s24+$0xFFFFFC50] =	vst v5;
	s20 =	spop (v2sf)  }
0x100: {  	v5 =	vld [tilespmem:s20+$0x2000];
	s21 =	spop (v2sf);
	[tilespmem:s28+$0xFFFFFDB0] =	vst v6  }
0x101: {  	v6 =	vld [tilespmem:s21+$0x1800]  }
0x102: {  	s22 =	spop (v2sf);
	[tilespmem:s26+$0xFFFFFF10] =	vst v4  }
0x103: {  	v4 =	vld [tilespmem:s22+$0x1400];
	_ =	sdelay $0x1  }
0x104: {  	[tilespmem:s24+$0xFFFFFC60] =	vst v5  }
0x105: {  	v5 =	vld [tilespmem:s20+$0x2010];
	[tilespmem:s28+$0xFFFFFDC0] =	vst v6  }
0x106: {  	v6 =	vld [tilespmem:s21+$0x1810]  }
0x107: {  	(v2sf) =	vpush v1, $0x1;
	[tilespmem:s26+$0xFFFFFF20] =	vst v4  }
0x108: {  	(v2sf) =	vpush v11, $0x4;
	v4 =	vld [tilespmem:s22+$0x1410];
	_ =	sdelay $0x1  }
0x109: {  	(v2sf) =	vpush v16, $0x6;
	s23 =	spop (v2sf);
	[tilespmem:s24+$0xFFFFFC70] =	vst v5  }
0x10a: {  	s25 =	spop (v2sf);
	v5 =	vld [tilespmem:s23+$0x800];
	[tilespmem:s28+$0xFFFFFDD0] =	vst v6  }
0x10b: {  	v6 =	vld [tilespmem:s25+$0x2000]  }
0x10c: {  	s31 =	spop (v2sf);
	[tilespmem:s26+$0xFFFFFF30] =	vst v4  }
0x10d: {  	v4 =	vld [tilespmem:s31+$0x1800];
	_ =	sdelay $0x1  }
0x10e: {  	[tilespmem:s24+$0xFFFFFC80] =	vst v5  }
0x10f: {  	v5 =	vld [tilespmem:s23+$0x810];
	[tilespmem:s28+$0xFFFFFDE0] =	vst v6  }
0x110: {  	v6 =	vld [tilespmem:s25+$0x2010]  }
0x111: {  	(v2sf) =	vpush v2, $0x1;
	[tilespmem:s26+$0xFFFFFF40] =	vst v4  }
0x112: {  	(v2sf) =	vpush v10, $0x4;
	v4 =	vld [tilespmem:s31+$0x1810];
	_ =	sdelay $0x1  }
0x113: {  	(v2sf) =	vpush v19, $0x7;
	s2 =	spop (v2sf);
	[tilespmem:s24+$0xFFFFFC90] =	vst v5  }
0x114: {  	s3 =	spop (v2sf);
	v5 =	vld [tilespmem:s2+$0x1400];
	[tilespmem:s28+$0xFFFFFDF0] =	vst v6  }
0x115: {  	v6 =	vld [tilespmem:s3+$0x800]  }
0x116: {  	s4 =	spop (v2sf);
	[tilespmem:s26+$0xFFFFFF50] =	vst v4  }
0x117: {  	v4 =	vld [tilespmem:s4+$0x2000];
	_ =	sdelay $0x1  }
0x118: {  	[tilespmem:s24+$0xFFFFFCA0] =	vst v5  }
0x119: {  	v5 =	vld [tilespmem:s2+$0x1410];
	[tilespmem:s28+$0xFFFFFE00] =	vst v6  }
0x11a: {  	v6 =	vld [tilespmem:s3+$0x810]  }
0x11b: {  	(v2sf) =	vpush v3, $0x1;
	[tilespmem:s26+$0xFFFFFF60] =	vst v4  }
0x11c: {  	(v2sf) =	vpush v9, $0x4;
	v4 =	vld [tilespmem:s4+$0x2010];
	_ =	sdelay $0x1  }
0x11d: {  	(v2sf) =	vpush v18, $0x7;
	s5 =	spop (v2sf);
	[tilespmem:s24+$0xFFFFFCB0] =	vst v5  }
0x11e: {  	s6 =	spop (v2sf);
	v5 =	vld [tilespmem:s5+$0x1800];
	[tilespmem:s28+$0xFFFFFE10] =	vst v6  }
0x11f: {  	v6 =	vld [tilespmem:s6+$0x1400]  }
0x120: {  	s7 =	spop (v2sf);
	[tilespmem:s26+$0xFFFFFF70] =	vst v4  }
0x121: {  	v4 =	vld [tilespmem:s7+$0x800];
	_ =	sdelay $0x1  }
0x122: {  	[tilespmem:s24+$0xFFFFFCC0] =	vst v5  }
0x123: {  	v5 =	vld [tilespmem:s5+$0x1810];
	[tilespmem:s28+$0xFFFFFE20] =	vst v6  }
0x124: {  	v6 =	vld [tilespmem:s6+$0x1410]  }
0x125: {  	(v2sf) =	vpush v0, $0x2;
	[tilespmem:s26+$0xFFFFFF80] =	vst v4  }
0x126: {  	(v2sf) =	vpush v8, $0x4;
	v4 =	vld [tilespmem:s7+$0x810];
	_ =	sdelay $0x1  }
0x127: {  	(v2sf) =	vpush v17, $0x7;
	s8 =	spop (v2sf);
	[tilespmem:s24+$0xFFFFFCD0] =	vst v5  }
0x128: {  	s9 =	spop (v2sf);
	v5 =	vld [tilespmem:s8+$0x2000];
	[tilespmem:s28+$0xFFFFFE30] =	vst v6  }
0x129: {  	v6 =	vld [tilespmem:s9+$0x1800]  }
0x12a: {  	s10 =	spop (v2sf);
	[tilespmem:s26+$0xFFFFFF90] =	vst v4  }
0x12b: {  	v4 =	vld [tilespmem:s10+$0x1400];
	_ =	sdelay $0x1  }
0x12c: {  	[tilespmem:s24+$0xFFFFFCE0] =	vst v5  }
0x12d: {  	v5 =	vld [tilespmem:s8+$0x2010];
	[tilespmem:s28+$0xFFFFFE40] =	vst v6  }
0x12e: {  	v6 =	vld [tilespmem:s9+$0x1810]  }
0x12f: {  	(v2sf) =	vpush v1, $0x2;
	[tilespmem:s26+$0xFFFFFFA0] =	vst v4  }
0x130: {  	(v2sf) =	vpush v11, $0x5;
	v4 =	vld [tilespmem:s10+$0x1410];
	_ =	sdelay $0x1  }
0x131: {  	(v2sf) =	vpush v16, $0x7;
	s11 =	spop (v2sf);
	[tilespmem:s24+$0xFFFFFCF0] =	vst v5  }
0x132: {  	s12 =	spop (v2sf);
	v5 =	vld [tilespmem:s11+$0x800];
	[tilespmem:s28+$0xFFFFFE50] =	vst v6  }
0x133: {  	v6 =	vld [tilespmem:s12+$0x2000]  }
0x134: {  	s13 =	spop (v2sf);
	[tilespmem:s26+$0xFFFFFFB0] =	vst v4  }
0x135: {  	v4 =	vld [tilespmem:s13+$0x1800];
	_ =	sdelay $0x1  }
0x136: {  	[tilespmem:s24+$0xFFFFFD00] =	vst v5  }
0x137: {  	v5 =	vld [tilespmem:s11+$0x810];
	[tilespmem:s28+$0xFFFFFE60] =	vst v6  }
0x138: {  	v6 =	vld [tilespmem:s12+$0x2010]  }
0x139: {  	(v2sf) =	vpush v2, $0x2;
	[tilespmem:s26+$0xFFFFFFC0] =	vst v4  }
0x13a: {  	(v2sf) =	vpush v10, $0x5;
	v4 =	vld [tilespmem:s13+$0x1810]  }
0x13b: {  	s14 =	simm.s32 $0x30  }
0x13c: {  	(v2sf) =	vpush v19, $0x8;
	s15 =	spop (v2sf);
	[tilespmem:s24+$0xFFFFFD10] =	vst v5;
	v5 =	vld [tilespmem:s14+$0x0]  }
0x13d: {  	s16 =	spop (v2sf);
	[tilespmem:s28+$0xFFFFFE70] =	vst v6;
	v6 =	vld [tilespmem:s15+$0x1400]  }
0x13e: {  	v7 =	vld [tilespmem:s16+$0x800]  }
0x13f: {  	s17 =	spop (v2sf);
	[tilespmem:s26+$0xFFFFFFD0] =	vst v4  }
0x140: {  	v12 =	vld [tilespmem:s17+$0x2000];
	_ =	sdelay $0x1  }
0x141: {  	v4 =	vshll.u32 v5, $0x9;
	[tilespmem:s24+$0xFFFFFD20] =	vst v6  }
0x142: {  	v4 =	vshra.s32 v4, $0x2;
	v5 =	vld [tilespmem:s15+$0x1410];
	[tilespmem:s28+$0xFFFFFE80] =	vst v7  }
0x143: {  	(v2sf) =	vpush v4, $0x0;
	v6 =	vld [tilespmem:s16+$0x810]  }
0x144: {  	(v2sf) =	vpush v3, $0x2;
	[tilespmem:s26+$0xFFFFFFE0] =	vst v12  }
0x145: {  	(v2sf) =	vpush v9, $0x5;
	v7 =	vld [tilespmem:s17+$0x2010];
	_ =	sdelay $0x1  }
0x146: {  	s18 =	spop (v2sf);
	(v2sf) =	vpush v18, $0x8;
	v12 =	vld [tilespmem:s14+$0x200];
	[tilespmem:s24+$0xFFFFFD30] =	vst v5  }
0x147: {  	s19 =	spop (v2sf);
	v5 =	vld [tilespmem:s18+$0x1800];
	[tilespmem:s28+$0xFFFFFE90] =	vst v6  }
0x148: {  	v6 =	vld [tilespmem:s19+$0x1400]  }
0x149: {  	s20 =	spop (v2sf);
	[tilespmem:s26+$0xFFFFFFF0] =	vst v7  }
0x14a: {  	v7 =	vld [tilespmem:s20+$0x800];
	_ =	sdelay $0x1  }
0x14b: {  	v12 =	vshll.u32 v12, $0x9;
	[tilespmem:s24+$0xFFFFFD40] =	vst v5  }
0x14c: {  	v5 =	vshra.s32 v12, $0x2;
	v12 =	vld [tilespmem:s18+$0x1810];
	[tilespmem:s28+$0xFFFFFEA0] =	vst v6  }
0x14d: {  	(v2sf) =	vpush v5, $0x0;
	v6 =	vld [tilespmem:s19+$0x1410]  }
0x14e: {  	(v2sf) =	vpush v0, $0x3;
	[tilespmem:s26+$0x0] =	vst v7  }
0x14f: {  	(v2sf) =	vpush v8, $0x5;
	v7 =	vld [tilespmem:s20+$0x810]  }
0x150: {  	v13 =	vld [tilespmem:s14+$0x400];
	s21 =	spop (v2sf)  }
0x151: {  	(v2sf) =	vpush v17, $0x8;
	v14 =	vld [tilespmem:s21+$0x800];
	s22 =	spop (v2sf);
	[tilespmem:s24+$0xFFFFFD50] =	vst v12  }
0x152: {  	s23 =	spop (v2sf);
	v12 =	vld [tilespmem:s22+$0x2000];
	[tilespmem:s28+$0xFFFFFEB0] =	vst v6  }
0x153: {  	v15 =	vld [tilespmem:s23+$0x1800]  }
0x154: {  	s31 =	spop (v2sf);
	[tilespmem:s26+$0x10] =	vst v7  }
0x155: {  	s25 =	simm.s32 $0x4400;
	v7 =	vld [tilespmem:s31+$0x1400]  }
0x156: {  	v20 =	vld [tilespmem:s14+$0x600];
	[tilespmem:s25+$0xFFFFFC00] =	vst v14  }
0x157: {  	v14 =	vld [tilespmem:s21+$0x810];
	[tilespmem:s24+$0xFFFFFD60] =	vst v12  }
0x158: {  	v6 =	vshll.u32 v13, $0x9;
	v12 =	vld [tilespmem:s22+$0x2010];
	[tilespmem:s28+$0xFFFFFEC0] =	vst v15  }
0x159: {  	v6 =	vshra.s32 v6, $0x2;
	v13 =	vld [tilespmem:s23+$0x1810]  }
0x15a: {  	(v2sf) =	vpush v6, $0x0;
	[tilespmem:s26+$0x20] =	vst v7  }
0x15b: {  	(v2sf) =	vpush v1, $0x3;
	v7 =	vld [tilespmem:s31+$0x1410]  }
0x15c: {  	(v2sf) =	vpush v11, $0x6;
	[tilespmem:s25+$0xFFFFFC10] =	vst v14;
	s2 =	spop (v2sf)  }
0x15d: {  	(v2sf) =	vpush v16, $0x8;
	v14 =	vld [tilespmem:s2+$0x1400];
	s3 =	spop (v2sf);
	[tilespmem:s24+$0xFFFFFD70] =	vst v12  }
0x15e: {  	s4 =	spop (v2sf);
	v12 =	vld [tilespmem:s3+$0x800];
	[tilespmem:s28+$0xFFFFFED0] =	vst v13  }
0x15f: {  	v13 =	vld [tilespmem:s4+$0x2000]  }
0x160: {  	s5 =	spop (v2sf);
	[tilespmem:s26+$0x30] =	vst v7  }
0x161: {  	v15 =	vld [tilespmem:s5+$0x1800]  }
0x162: {  	[tilespmem:s25+$0xFFFFFC20] =	vst v14  }
0x163: {  	v14 =	vld [tilespmem:s2+$0x1410];
	[tilespmem:s24+$0xFFFFFD80] =	vst v12  }
0x164: {  	v7 =	vshll.u32 v20, $0x9;
	v12 =	vld [tilespmem:s3+$0x810];
	[tilespmem:s28+$0xFFFFFEE0] =	vst v13  }
0x165: {  	v7 =	vshra.s32 v7, $0x2;
	v13 =	vld [tilespmem:s4+$0x2010]  }
0x166: {  	(v2sf) =	vpush v7, $0x0;
	[tilespmem:s26+$0x40] =	vst v15  }
0x167: {  	(v2sf) =	vpush v2, $0x3;
	v15 =	vld [tilespmem:s5+$0x1810]  }
0x168: {  	(v2sf) =	vpush v10, $0x6;
	[tilespmem:s25+$0xFFFFFC30] =	vst v14  }
0x169: {  	s6 =	spop (v2sf);
	(v2sf) =	vpush v19, $0x9;
	[tilespmem:s24+$0xFFFFFD90] =	vst v12  }
0x16a: {  	s7 =	spop (v2sf);
	v14 =	vld [tilespmem:s6+$0x1800];
	[tilespmem:s28+$0xFFFFFEF0] =	vst v13  }
0x16b: {  	v12 =	vld [tilespmem:s7+$0x1400];
	s2 =	spop (v2sf)  }
0x16c: {  	v13 =	vld [tilespmem:s2+$0x800];
	[tilespmem:s26+$0x50] =	vst v15;
	s8 =	spop (v2sf)  }
0x16d: {  	v15 =	vld [tilespmem:s8+$0x2000];
	_ =	sdelay $0x1  }
0x16e: {  	[tilespmem:s25+$0xFFFFFC40] =	vst v14  }
0x16f: {  	v14 =	vld [tilespmem:s6+$0x1810];
	[tilespmem:s24+$0xFFFFFDA0] =	vst v12  }
0x170: {  	v12 =	vld [tilespmem:s7+$0x1410];
	[tilespmem:s28+$0xFFFFFF00] =	vst v13  }
0x171: {  	(v2sf) =	vpush v4, $0x1;
	v13 =	vld [tilespmem:s2+$0x810];
	[tilespmem:s26+$0x60] =	vst v15  }
0x172: {  	(v2sf) =	vpush v3, $0x3;
	v15 =	vld [tilespmem:s8+$0x2010]  }
0x173: {  	(v2sf) =	vpush v9, $0x6  }
0x174: {  	s9 =	spop (v2sf);
	(v2sf) =	vpush v18, $0x9;
	[tilespmem:s25+$0xFFFFFC50] =	vst v14  }
0x175: {  	s10 =	spop (v2sf);
	v14 =	vld [tilespmem:s9+$0x2000];
	[tilespmem:s24+$0xFFFFFDB0] =	vst v12  }
0x176: {  	s11 =	spop (v2sf);
	v12 =	vld [tilespmem:s10+$0x1800];
	[tilespmem:s28+$0xFFFFFF10] =	vst v13  }
0x177: {  	s12 =	spop (v2sf);
	v13 =	vld [tilespmem:s11+$0x1400];
	[tilespmem:s26+$0x70] =	vst v15  }
0x178: {  	v15 =	vld [tilespmem:s12+$0x800];
	_ =	sdelay $0x1  }
0x179: {  	[tilespmem:s25+$0xFFFFFC60] =	vst v14  }
0x17a: {  	v14 =	vld [tilespmem:s9+$0x2010];
	[tilespmem:s24+$0xFFFFFDC0] =	vst v12  }
0x17b: {  	v12 =	vld [tilespmem:s10+$0x1810];
	[tilespmem:s28+$0xFFFFFF20] =	vst v13  }
0x17c: {  	(v2sf) =	vpush v5, $0x1;
	v13 =	vld [tilespmem:s11+$0x1410];
	[tilespmem:s26+$0x80] =	vst v15  }
0x17d: {  	(v2sf) =	vpush v0, $0x4;
	v15 =	vld [tilespmem:s12+$0x810]  }
0x17e: {  	(v2sf) =	vpush v8, $0x6  }
0x17f: {  	s13 =	spop (v2sf);
	(v2sf) =	vpush v17, $0x9;
	[tilespmem:s25+$0xFFFFFC70] =	vst v14  }
0x180: {  	s14 =	spop (v2sf);
	v14 =	vld [tilespmem:s13+$0x800];
	[tilespmem:s24+$0xFFFFFDD0] =	vst v12  }
0x181: {  	s15 =	spop (v2sf);
	v12 =	vld [tilespmem:s14+$0x2000];
	[tilespmem:s28+$0xFFFFFF30] =	vst v13  }
0x182: {  	s16 =	spop (v2sf);
	v13 =	vld [tilespmem:s15+$0x1800];
	[tilespmem:s26+$0x90] =	vst v15  }
0x183: {  	v15 =	vld [tilespmem:s16+$0x1400];
	_ =	sdelay $0x1  }
0x184: {  	[tilespmem:s25+$0xFFFFFC80] =	vst v14  }
0x185: {  	v14 =	vld [tilespmem:s13+$0x810];
	[tilespmem:s24+$0xFFFFFDE0] =	vst v12  }
0x186: {  	v12 =	vld [tilespmem:s14+$0x2010];
	[tilespmem:s28+$0xFFFFFF40] =	vst v13  }
0x187: {  	(v2sf) =	vpush v6, $0x1;
	v13 =	vld [tilespmem:s15+$0x1810];
	[tilespmem:s26+$0xA0] =	vst v15  }
0x188: {  	(v2sf) =	vpush v1, $0x4;
	v15 =	vld [tilespmem:s16+$0x1410]  }
0x189: {  	(v2sf) =	vpush v11, $0x7  }
0x18a: {  	s17 =	spop (v2sf);
	(v2sf) =	vpush v16, $0x9;
	[tilespmem:s25+$0xFFFFFC90] =	vst v14  }
0x18b: {  	s18 =	spop (v2sf);
	v14 =	vld [tilespmem:s17+$0x1400];
	[tilespmem:s24+$0xFFFFFDF0] =	vst v12  }
0x18c: {  	s19 =	spop (v2sf);
	v12 =	vld [tilespmem:s18+$0x800];
	[tilespmem:s28+$0xFFFFFF50] =	vst v13  }
0x18d: {  	s20 =	spop (v2sf);
	v13 =	vld [tilespmem:s19+$0x2000];
	[tilespmem:s26+$0xB0] =	vst v15  }
0x18e: {  	v15 =	vld [tilespmem:s20+$0x1800];
	_ =	sdelay $0x1  }
0x18f: {  	[tilespmem:s25+$0xFFFFFCA0] =	vst v14  }
0x190: {  	v14 =	vld [tilespmem:s17+$0x1410];
	[tilespmem:s24+$0xFFFFFE00] =	vst v12  }
0x191: {  	v12 =	vld [tilespmem:s18+$0x810];
	[tilespmem:s28+$0xFFFFFF60] =	vst v13  }
0x192: {  	(v2sf) =	vpush v7, $0x1;
	v13 =	vld [tilespmem:s19+$0x2010];
	[tilespmem:s26+$0xC0] =	vst v15  }
0x193: {  	(v2sf) =	vpush v2, $0x4;
	v15 =	vld [tilespmem:s20+$0x1810]  }
0x194: {  	(v2sf) =	vpush v10, $0x7  }
0x195: {  	s21 =	spop (v2sf);
	(v2sf) =	vpush v19, $0xA;
	[tilespmem:s25+$0xFFFFFCB0] =	vst v14  }
0x196: {  	s22 =	spop (v2sf);
	v14 =	vld [tilespmem:s21+$0x1800];
	[tilespmem:s24+$0xFFFFFE10] =	vst v12  }
0x197: {  	s23 =	spop (v2sf);
	v12 =	vld [tilespmem:s22+$0x1400];
	[tilespmem:s28+$0xFFFFFF70] =	vst v13  }
0x198: {  	s31 =	spop (v2sf);
	v13 =	vld [tilespmem:s23+$0x800];
	[tilespmem:s26+$0xD0] =	vst v15  }
0x199: {  	v15 =	vld [tilespmem:s31+$0x2000];
	_ =	sdelay $0x1  }
0x19a: {  	[tilespmem:s25+$0xFFFFFCC0] =	vst v14  }
0x19b: {  	v14 =	vld [tilespmem:s21+$0x1810];
	[tilespmem:s24+$0xFFFFFE20] =	vst v12  }
0x19c: {  	v12 =	vld [tilespmem:s22+$0x1410];
	[tilespmem:s28+$0xFFFFFF80] =	vst v13  }
0x19d: {  	(v2sf) =	vpush v4, $0x2;
	v13 =	vld [tilespmem:s23+$0x810];
	[tilespmem:s26+$0xE0] =	vst v15  }
0x19e: {  	(v2sf) =	vpush v3, $0x4;
	v15 =	vld [tilespmem:s31+$0x2010]  }
0x19f: {  	(v2sf) =	vpush v9, $0x7  }
0x1a0: {  	s4 =	spop (v2sf);
	(v2sf) =	vpush v18, $0xA;
	[tilespmem:s25+$0xFFFFFCD0] =	vst v14  }
0x1a1: {  	s5 =	spop (v2sf);
	v14 =	vld [tilespmem:s4+$0x2000];
	[tilespmem:s24+$0xFFFFFE30] =	vst v12  }
0x1a2: {  	s6 =	spop (v2sf);
	v12 =	vld [tilespmem:s5+$0x1800];
	[tilespmem:s28+$0xFFFFFF90] =	vst v13  }
0x1a3: {  	s7 =	spop (v2sf);
	v13 =	vld [tilespmem:s6+$0x1400];
	[tilespmem:s26+$0xF0] =	vst v15  }
0x1a4: {  	v15 =	vld [tilespmem:s7+$0x800];
	_ =	sdelay $0x1  }
0x1a5: {  	[tilespmem:s25+$0xFFFFFCE0] =	vst v14  }
0x1a6: {  	v14 =	vld [tilespmem:s4+$0x2010];
	[tilespmem:s24+$0xFFFFFE40] =	vst v12  }
0x1a7: {  	v12 =	vld [tilespmem:s5+$0x1810];
	[tilespmem:s28+$0xFFFFFFA0] =	vst v13  }
0x1a8: {  	(v2sf) =	vpush v5, $0x2;
	v13 =	vld [tilespmem:s6+$0x1410];
	[tilespmem:s26+$0x100] =	vst v15  }
0x1a9: {  	(v2sf) =	vpush v0, $0x5;
	v15 =	vld [tilespmem:s7+$0x810]  }
0x1aa: {  	(v2sf) =	vpush v8, $0x7  }
0x1ab: {  	s8 =	spop (v2sf);
	(v2sf) =	vpush v17, $0xA;
	[tilespmem:s25+$0xFFFFFCF0] =	vst v14  }
0x1ac: {  	s9 =	spop (v2sf);
	v14 =	vld [tilespmem:s8+$0x800];
	[tilespmem:s24+$0xFFFFFE50] =	vst v12  }
0x1ad: {  	s10 =	spop (v2sf);
	v12 =	vld [tilespmem:s9+$0x2000];
	[tilespmem:s28+$0xFFFFFFB0] =	vst v13  }
0x1ae: {  	s11 =	spop (v2sf);
	v13 =	vld [tilespmem:s10+$0x1800];
	[tilespmem:s26+$0x110] =	vst v15  }
0x1af: {  	v15 =	vld [tilespmem:s11+$0x1400];
	_ =	sdelay $0x1  }
0x1b0: {  	[tilespmem:s25+$0xFFFFFD00] =	vst v14  }
0x1b1: {  	v14 =	vld [tilespmem:s8+$0x810];
	[tilespmem:s24+$0xFFFFFE60] =	vst v12  }
0x1b2: {  	v12 =	vld [tilespmem:s9+$0x2010];
	[tilespmem:s28+$0xFFFFFFC0] =	vst v13  }
0x1b3: {  	(v2sf) =	vpush v6, $0x2;
	v13 =	vld [tilespmem:s10+$0x1810];
	[tilespmem:s26+$0x120] =	vst v15  }
0x1b4: {  	(v2sf) =	vpush v1, $0x5;
	v15 =	vld [tilespmem:s11+$0x1410]  }
0x1b5: {  	s12 =	simm.s32 $0x40;
	(v2sf) =	vpush v11, $0x8  }
0x1b6: {  	s13 =	spop (v2sf);
	(v2sf) =	vpush v16, $0xA;
	[tilespmem:s25+$0xFFFFFD10] =	vst v14;
	v14 =	vld [tilespmem:s12+$0x0]  }
0x1b7: {  	s14 =	spop (v2sf);
	[tilespmem:s24+$0xFFFFFE70] =	vst v12;
	v12 =	vld [tilespmem:s13+$0x1400]  }
0x1b8: {  	s15 =	spop (v2sf);
	[tilespmem:s28+$0xFFFFFFD0] =	vst v13;
	v13 =	vld [tilespmem:s14+$0x800]  }
0x1b9: {  	s4 =	spop (v2sf);
	[tilespmem:s26+$0x130] =	vst v15;
	v15 =	vld [tilespmem:s15+$0x2000]  }
0x1ba: {  	v20 =	vld [tilespmem:s4+$0x1800];
	_ =	sdelay $0x1  }
0x1bb: {  	v14 =	vshll.u32 v14, $0x9;
	[tilespmem:s25+$0xFFFFFD20] =	vst v12  }
0x1bc: {  	v12 =	vshra.s32 v14, $0x2;
	v14 =	vld [tilespmem:s13+$0x1410];
	[tilespmem:s24+$0xFFFFFE80] =	vst v13  }
0x1bd: {  	(v2sf) =	vpush v12, $0x0;
	v13 =	vld [tilespmem:s14+$0x810];
	[tilespmem:s28+$0xFFFFFFE0] =	vst v15  }
0x1be: {  	(v2sf) =	vpush v7, $0x2;
	v15 =	vld [tilespmem:s15+$0x2010];
	[tilespmem:s26+$0x140] =	vst v20  }
0x1bf: {  	(v2sf) =	vpush v2, $0x5;
	v20 =	vld [tilespmem:s4+$0x1810]  }
0x1c0: {  	(v2sf) =	vpush v10, $0x8  }
0x1c1: {  	v21 =	vld [tilespmem:s12+$0x200];
	s16 =	spop (v2sf);
	(v2sf) =	vpush v19, $0xB;
	[tilespmem:s25+$0xFFFFFD30] =	vst v14  }
0x1c2: {  	s17 =	spop (v2sf);
	v14 =	vld [tilespmem:s16+$0x1800];
	[tilespmem:s24+$0xFFFFFE90] =	vst v13  }
0x1c3: {  	s18 =	spop (v2sf);
	v22 =	vld [tilespmem:s17+$0x1400];
	[tilespmem:s28+$0xFFFFFFF0] =	vst v15  }
0x1c4: {  	s19 =	spop (v2sf);
	v15 =	vld [tilespmem:s18+$0x800];
	[tilespmem:s26+$0x150] =	vst v20  }
0x1c5: {  	v20 =	vld [tilespmem:s19+$0x2000];
	_ =	sdelay $0x1  }
0x1c6: {  	v13 =	vshll.u32 v21, $0x9;
	[tilespmem:s25+$0xFFFFFD40] =	vst v14  }
0x1c7: {  	v13 =	vshra.s32 v13, $0x2;
	v14 =	vld [tilespmem:s16+$0x1810];
	[tilespmem:s24+$0xFFFFFEA0] =	vst v22  }
0x1c8: {  	(v2sf) =	vpush v13, $0x0;
	v21 =	vld [tilespmem:s17+$0x1410];
	[tilespmem:s28+$0x0] =	vst v15  }
0x1c9: {  	(v2sf) =	vpush v4, $0x3;
	v15 =	vld [tilespmem:s18+$0x810];
	[tilespmem:s26+$0x160] =	vst v20  }
0x1ca: {  	(v2sf) =	vpush v3, $0x5;
	v20 =	vld [tilespmem:s19+$0x2010]  }
0x1cb: {  	v22 =	vld [tilespmem:s12+$0x400];
	s20 =	spop (v2sf);
	(v2sf) =	vpush v9, $0x8  }
0x1cc: {  	v24 =	vld [tilespmem:s20+$0x800];
	s21 =	spop (v2sf);
	(v2sf) =	vpush v18, $0xB;
	[tilespmem:s25+$0xFFFFFD50] =	vst v14  }
0x1cd: {  	s22 =	spop (v2sf);
	v14 =	vld [tilespmem:s21+$0x2000];
	[tilespmem:s24+$0xFFFFFEB0] =	vst v21  }
0x1ce: {  	s23 =	spop (v2sf);
	v21 =	vld [tilespmem:s22+$0x1800];
	[tilespmem:s28+$0x10] =	vst v15  }
0x1cf: {  	s31 =	spop (v2sf);
	v15 =	vld [tilespmem:s23+$0x1400];
	[tilespmem:s26+$0x170] =	vst v20  }
0x1d0: {  	s29 =	simm.s32 $0x4C00;
	v20 =	vld [tilespmem:s31+$0x800]  }
0x1d1: {  	v23 =	vld [tilespmem:s12+$0x600];
	[tilespmem:s29+$0xFFFFFC00] =	vst v24  }
0x1d2: {  	v22 =	vshll.u32 v22, $0x9;
	v24 =	vld [tilespmem:s20+$0x810];
	[tilespmem:s25+$0xFFFFFD60] =	vst v14  }
0x1d3: {  	v14 =	vshra.s32 v22, $0x2;
	v22 =	vld [tilespmem:s21+$0x2010];
	[tilespmem:s24+$0xFFFFFEC0] =	vst v21  }
0x1d4: {  	(v2sf) =	vpush v14, $0x0;
	v21 =	vld [tilespmem:s22+$0x1810];
	[tilespmem:s28+$0x20] =	vst v15  }
0x1d5: {  	(v2sf) =	vpush v5, $0x3;
	v15 =	vld [tilespmem:s23+$0x1410];
	[tilespmem:s26+$0x180] =	vst v20  }
0x1d6: {  	(v2sf) =	vpush v0, $0x6;
	v20 =	vld [tilespmem:s31+$0x810]  }
0x1d7: {  	s5 =	spop (v2sf);
	[tilespmem:s29+$0xFFFFFC10] =	vst v24;
	(v2sf) =	vpush v8, $0x8  }
0x1d8: {  	s6 =	spop (v2sf);
	v24 =	vld [tilespmem:s5+$0x1400];
	(v2sf) =	vpush v17, $0xB;
	[tilespmem:s25+$0xFFFFFD70] =	vst v22  }
0x1d9: {  	s7 =	spop (v2sf);
	v22 =	vld [tilespmem:s6+$0x800];
	[tilespmem:s24+$0xFFFFFED0] =	vst v21  }
0x1da: {  	s8 =	spop (v2sf);
	v21 =	vld [tilespmem:s7+$0x2000];
	[tilespmem:s28+$0x30] =	vst v15  }
0x1db: {  	s9 =	spop (v2sf);
	v25 =	vld [tilespmem:s8+$0x1800];
	[tilespmem:s26+$0x190] =	vst v20  }
0x1dc: {  	v20 =	vld [tilespmem:s9+$0x1400]  }
0x1dd: {  	[tilespmem:s29+$0xFFFFFC20] =	vst v24  }
0x1de: {  	v15 =	vshll.u32 v23, $0x9;
	v24 =	vld [tilespmem:s5+$0x1410];
	[tilespmem:s25+$0xFFFFFD80] =	vst v22  }
0x1df: {  	v15 =	vshra.s32 v15, $0x2;
	v22 =	vld [tilespmem:s6+$0x810];
	[tilespmem:s24+$0xFFFFFEE0] =	vst v21  }
0x1e0: {  	(v2sf) =	vpush v15, $0x0;
	v21 =	vld [tilespmem:s7+$0x2010];
	[tilespmem:s28+$0x40] =	vst v25  }
0x1e1: {  	(v2sf) =	vpush v6, $0x3;
	v23 =	vld [tilespmem:s8+$0x1810];
	[tilespmem:s26+$0x1A0] =	vst v20  }
0x1e2: {  	(v2sf) =	vpush v1, $0x6;
	v20 =	vld [tilespmem:s9+$0x1410]  }
0x1e3: {  	(v2sf) =	vpush v11, $0x9;
	[tilespmem:s29+$0xFFFFFC30] =	vst v24;
	s10 =	spop (v2sf)  }
0x1e4: {  	v24 =	vld [tilespmem:s10+$0x1800];
	s11 =	spop (v2sf);
	(v2sf) =	vpush v16, $0xB;
	[tilespmem:s25+$0xFFFFFD90] =	vst v22  }
0x1e5: {  	s12 =	spop (v2sf);
	v22 =	vld [tilespmem:s11+$0x1400];
	[tilespmem:s24+$0xFFFFFEF0] =	vst v21  }
0x1e6: {  	s13 =	spop (v2sf);
	v21 =	vld [tilespmem:s12+$0x800];
	[tilespmem:s28+$0x50] =	vst v23  }
0x1e7: {  	s14 =	spop (v2sf);
	v23 =	vld [tilespmem:s13+$0x2000];
	[tilespmem:s26+$0x1B0] =	vst v20  }
0x1e8: {  	v20 =	vld [tilespmem:s14+$0x1800]  }
0x1e9: {  	[tilespmem:s29+$0xFFFFFC40] =	vst v24  }
0x1ea: {  	v24 =	vld [tilespmem:s10+$0x1810];
	[tilespmem:s25+$0xFFFFFDA0] =	vst v22  }
0x1eb: {  	v22 =	vld [tilespmem:s11+$0x1410];
	[tilespmem:s24+$0xFFFFFF00] =	vst v21  }
0x1ec: {  	(v2sf) =	vpush v12, $0x1;
	v21 =	vld [tilespmem:s12+$0x810];
	[tilespmem:s28+$0x60] =	vst v23  }
0x1ed: {  	(v2sf) =	vpush v7, $0x3;
	v23 =	vld [tilespmem:s13+$0x2010];
	[tilespmem:s26+$0x1C0] =	vst v20  }
0x1ee: {  	(v2sf) =	vpush v2, $0x6;
	v20 =	vld [tilespmem:s14+$0x1810]  }
0x1ef: {  	s15 =	spop (v2sf);
	(v2sf) =	vpush v10, $0x9;
	[tilespmem:s29+$0xFFFFFC50] =	vst v24  }
0x1f0: {  	s16 =	spop (v2sf);
	(v2sf) =	vpush v19, $0xC;
	v24 =	vld [tilespmem:s15+$0x2000];
	[tilespmem:s25+$0xFFFFFDB0] =	vst v22  }
0x1f1: {  	s17 =	spop (v2sf);
	v22 =	vld [tilespmem:s16+$0x1800];
	[tilespmem:s24+$0xFFFFFF10] =	vst v21  }
0x1f2: {  	s18 =	spop (v2sf);
	v21 =	vld [tilespmem:s17+$0x1400];
	[tilespmem:s28+$0x70] =	vst v23  }
0x1f3: {  	s19 =	spop (v2sf);
	v23 =	vld [tilespmem:s18+$0x800];
	[tilespmem:s26+$0x1D0] =	vst v20  }
0x1f4: {  	v20 =	vld [tilespmem:s19+$0x2000]  }
0x1f5: {  	[tilespmem:s29+$0xFFFFFC60] =	vst v24  }
0x1f6: {  	v24 =	vld [tilespmem:s15+$0x2010];
	[tilespmem:s25+$0xFFFFFDC0] =	vst v22  }
0x1f7: {  	v22 =	vld [tilespmem:s16+$0x1810];
	[tilespmem:s24+$0xFFFFFF20] =	vst v21  }
0x1f8: {  	(v2sf) =	vpush v13, $0x1;
	v21 =	vld [tilespmem:s17+$0x1410];
	[tilespmem:s28+$0x80] =	vst v23  }
0x1f9: {  	(v2sf) =	vpush v4, $0x4;
	v23 =	vld [tilespmem:s18+$0x810];
	[tilespmem:s26+$0x1E0] =	vst v20  }
0x1fa: {  	(v2sf) =	vpush v3, $0x6;
	v20 =	vld [tilespmem:s19+$0x2010]  }
0x1fb: {  	s20 =	spop (v2sf);
	(v2sf) =	vpush v9, $0x9;
	[tilespmem:s29+$0xFFFFFC70] =	vst v24  }
0x1fc: {  	s21 =	spop (v2sf);
	(v2sf) =	vpush v18, $0xC;
	v24 =	vld [tilespmem:s20+$0x800];
	[tilespmem:s25+$0xFFFFFDD0] =	vst v22  }
0x1fd: {  	s22 =	spop (v2sf);
	v22 =	vld [tilespmem:s21+$0x2000];
	[tilespmem:s24+$0xFFFFFF30] =	vst v21  }
0x1fe: {  	s23 =	spop (v2sf);
	v21 =	vld [tilespmem:s22+$0x1800];
	[tilespmem:s28+$0x90] =	vst v23  }
0x1ff: {  	s31 =	spop (v2sf);
	v23 =	vld [tilespmem:s23+$0x1400];
	[tilespmem:s26+$0x1F0] =	vst v20  }
0x200: {  	v20 =	vld [tilespmem:s31+$0x800]  }
0x201: {  	[tilespmem:s29+$0xFFFFFC80] =	vst v24  }
0x202: {  	v24 =	vld [tilespmem:s20+$0x810];
	[tilespmem:s25+$0xFFFFFDE0] =	vst v22  }
0x203: {  	v22 =	vld [tilespmem:s21+$0x2010];
	[tilespmem:s24+$0xFFFFFF40] =	vst v21  }
0x204: {  	(v2sf) =	vpush v14, $0x1;
	v21 =	vld [tilespmem:s22+$0x1810];
	[tilespmem:s28+$0xA0] =	vst v23  }
0x205: {  	(v2sf) =	vpush v5, $0x4;
	v23 =	vld [tilespmem:s23+$0x1410];
	[tilespmem:s26+$0x200] =	vst v20  }
0x206: {  	(v2sf) =	vpush v0, $0x7;
	v20 =	vld [tilespmem:s31+$0x810]  }
0x207: {  	s5 =	spop (v2sf);
	(v2sf) =	vpush v8, $0x9;
	[tilespmem:s29+$0xFFFFFC90] =	vst v24  }
0x208: {  	s6 =	spop (v2sf);
	(v2sf) =	vpush v17, $0xC;
	v24 =	vld [tilespmem:s5+$0x1400];
	[tilespmem:s25+$0xFFFFFDF0] =	vst v22  }
0x209: {  	s7 =	spop (v2sf);
	v22 =	vld [tilespmem:s6+$0x800];
	[tilespmem:s24+$0xFFFFFF50] =	vst v21  }
0x20a: {  	s8 =	spop (v2sf);
	v21 =	vld [tilespmem:s7+$0x2000];
	[tilespmem:s28+$0xB0] =	vst v23  }
0x20b: {  	s9 =	spop (v2sf);
	v23 =	vld [tilespmem:s8+$0x1800];
	[tilespmem:s26+$0x210] =	vst v20  }
0x20c: {  	v20 =	vld [tilespmem:s9+$0x1400]  }
0x20d: {  	[tilespmem:s29+$0xFFFFFCA0] =	vst v24  }
0x20e: {  	v24 =	vld [tilespmem:s5+$0x1410];
	[tilespmem:s25+$0xFFFFFE00] =	vst v22  }
0x20f: {  	v22 =	vld [tilespmem:s6+$0x810];
	[tilespmem:s24+$0xFFFFFF60] =	vst v21  }
0x210: {  	(v2sf) =	vpush v15, $0x1;
	v21 =	vld [tilespmem:s7+$0x2010];
	[tilespmem:s28+$0xC0] =	vst v23  }
0x211: {  	(v2sf) =	vpush v6, $0x4;
	v23 =	vld [tilespmem:s8+$0x1810];
	[tilespmem:s26+$0x220] =	vst v20  }
0x212: {  	(v2sf) =	vpush v1, $0x7;
	v20 =	vld [tilespmem:s9+$0x1410]  }
0x213: {  	s10 =	spop (v2sf);
	(v2sf) =	vpush v11, $0xA;
	[tilespmem:s29+$0xFFFFFCB0] =	vst v24  }
0x214: {  	s11 =	spop (v2sf);
	(v2sf) =	vpush v16, $0xC;
	v24 =	vld [tilespmem:s10+$0x1800];
	[tilespmem:s25+$0xFFFFFE10] =	vst v22  }
0x215: {  	s12 =	spop (v2sf);
	v22 =	vld [tilespmem:s11+$0x1400];
	[tilespmem:s24+$0xFFFFFF70] =	vst v21  }
0x216: {  	s13 =	spop (v2sf);
	v21 =	vld [tilespmem:s12+$0x800];
	[tilespmem:s28+$0xD0] =	vst v23  }
0x217: {  	s14 =	spop (v2sf);
	v23 =	vld [tilespmem:s13+$0x2000];
	[tilespmem:s26+$0x230] =	vst v20  }
0x218: {  	v20 =	vld [tilespmem:s14+$0x1800]  }
0x219: {  	[tilespmem:s29+$0xFFFFFCC0] =	vst v24  }
0x21a: {  	v24 =	vld [tilespmem:s10+$0x1810];
	[tilespmem:s25+$0xFFFFFE20] =	vst v22  }
0x21b: {  	v22 =	vld [tilespmem:s11+$0x1410];
	[tilespmem:s24+$0xFFFFFF80] =	vst v21  }
0x21c: {  	(v2sf) =	vpush v12, $0x2;
	v21 =	vld [tilespmem:s12+$0x810];
	[tilespmem:s28+$0xE0] =	vst v23  }
0x21d: {  	(v2sf) =	vpush v7, $0x4;
	v23 =	vld [tilespmem:s13+$0x2010];
	[tilespmem:s26+$0x240] =	vst v20  }
0x21e: {  	(v2sf) =	vpush v2, $0x7;
	v20 =	vld [tilespmem:s14+$0x1810]  }
0x21f: {  	s15 =	spop (v2sf);
	(v2sf) =	vpush v10, $0xA;
	[tilespmem:s29+$0xFFFFFCD0] =	vst v24  }
0x220: {  	s16 =	spop (v2sf);
	(v2sf) =	vpush v19, $0xD;
	v24 =	vld [tilespmem:s15+$0x2000];
	[tilespmem:s25+$0xFFFFFE30] =	vst v22  }
0x221: {  	s17 =	spop (v2sf);
	v22 =	vld [tilespmem:s16+$0x1800];
	[tilespmem:s24+$0xFFFFFF90] =	vst v21  }
0x222: {  	s18 =	spop (v2sf);
	v21 =	vld [tilespmem:s17+$0x1400];
	[tilespmem:s28+$0xF0] =	vst v23  }
0x223: {  	s19 =	spop (v2sf);
	v23 =	vld [tilespmem:s18+$0x800];
	[tilespmem:s26+$0x250] =	vst v20  }
0x224: {  	v20 =	vld [tilespmem:s19+$0x2000]  }
0x225: {  	(v2sf) =	vpush v13, $0x2;
	[tilespmem:s29+$0xFFFFFCE0] =	vst v24  }
0x226: {  	v24 =	vld [tilespmem:s15+$0x2010];
	[tilespmem:s25+$0xFFFFFE40] =	vst v22  }
0x227: {  	v22 =	vld [tilespmem:s16+$0x1810];
	[tilespmem:s24+$0xFFFFFFA0] =	vst v21  }
0x228: {  	v21 =	vld [tilespmem:s17+$0x1410];
	[tilespmem:s28+$0x100] =	vst v23  }
0x229: {  	(v2sf) =	vpush v4, $0x5;
	v23 =	vld [tilespmem:s18+$0x810];
	[tilespmem:s26+$0x260] =	vst v20  }
0x22a: {  	(v2sf) =	vpush v3, $0x7;
	v20 =	vld [tilespmem:s19+$0x2010]  }
0x22b: {  	s20 =	spop (v2sf);
	(v2sf) =	vpush v9, $0xA;
	[tilespmem:s29+$0xFFFFFCF0] =	vst v24  }
0x22c: {  	s21 =	spop (v2sf);
	(v2sf) =	vpush v18, $0xD;
	v24 =	vld [tilespmem:s20+$0x800];
	[tilespmem:s25+$0xFFFFFE50] =	vst v22  }
0x22d: {  	s22 =	spop (v2sf);
	v22 =	vld [tilespmem:s21+$0x2000];
	[tilespmem:s24+$0xFFFFFFB0] =	vst v21  }
0x22e: {  	s23 =	spop (v2sf);
	v21 =	vld [tilespmem:s22+$0x1800];
	[tilespmem:s28+$0x110] =	vst v23  }
0x22f: {  	s31 =	spop (v2sf);
	v23 =	vld [tilespmem:s23+$0x1400];
	[tilespmem:s26+$0x270] =	vst v20  }
0x230: {  	v20 =	vld [tilespmem:s31+$0x800]  }
0x231: {  	[tilespmem:s29+$0xFFFFFD00] =	vst v24  }
0x232: {  	v24 =	vld [tilespmem:s20+$0x810];
	[tilespmem:s25+$0xFFFFFE60] =	vst v22  }
0x233: {  	v22 =	vld [tilespmem:s21+$0x2010];
	[tilespmem:s24+$0xFFFFFFC0] =	vst v21  }
0x234: {  	s1 =	spop (v2sf);
	(v2sf) =	vpush v14, $0x2;
	v25 =	vld [tilespmem:s22+$0x1810];
	[tilespmem:s28+$0x120] =	vst v23  }
0x235: {  	(v2sf) =	vpush v5, $0x5;
	v23 =	vld [tilespmem:s23+$0x1410];
	[tilespmem:s26+$0x280] =	vst v20  }
0x236: {  	s0 =	simm.s32 $0x50;
	(v2sf) =	vpush v0, $0x8;
	v20 =	vld [tilespmem:s31+$0x810]  }
0x237: {  	(v2sf) =	vpush v8, $0xA;
	v21 =	vld [tilespmem:s0+$0x0];
	[tilespmem:s29+$0xFFFFFD10] =	vst v24  }
0x238: {  	s2 =	spop (v2sf);
	(v2sf) =	vpush v17, $0xD;
	[tilespmem:s25+$0xFFFFFE70] =	vst v22;
	v22 =	vld [tilespmem:s1+$0x1400]  }
0x239: {  	s3 =	spop (v2sf);
	v24 =	vld [tilespmem:s2+$0x800];
	[tilespmem:s24+$0xFFFFFFD0] =	vst v25  }
0x23a: {  	s4 =	spop (v2sf);
	[tilespmem:s28+$0x130] =	vst v23;
	v25 =	vld [tilespmem:s3+$0x2000]  }
0x23b: {  	s5 =	spop (v2sf);
	[tilespmem:s26+$0x290] =	vst v20;
	v26 =	vld [tilespmem:s4+$0x1800]  }
0x23c: {  	s30 =	simm.s32 $0x180;
	v27 =	vld [tilespmem:s5+$0x1400]  }
.LBB2_2:
0x23d: {  	p0 =	sne.s32 s30, $0x7C0;
	v20 =	vld [tilespmem:s0+$0x600];
	v21 =	vshll.u32 v21, $0x9;
	[tilespmem:s29+$0xFFFFFD20] =	vst v22;
	s31 =	smov.u32 s29  }
0x23e: {  	v23 =	vshra.s32 v21, $0x2;
	v21 =	vld [tilespmem:s1+$0x1410];
	[tilespmem:s25+$0xFFFFFE80] =	vst v24  }
0x23f: {  	(v2sf) =	vpush v23, $0x0;
	v22 =	vld [tilespmem:s2+$0x810];
	[tilespmem:s24+$0xFFFFFFE0] =	vst v25  }
0x240: {  	(v2sf) =	vpush v15, $0x2;
	v24 =	vld [tilespmem:s3+$0x2010];
	[tilespmem:s28+$0x140] =	vst v26  }
0x241: {  	(v2sf) =	vpush v6, $0x5;
	v25 =	vld [tilespmem:s4+$0x1810];
	[tilespmem:s26+$0x2A0] =	vst v27  }
0x242: {  	(v2sf) =	vpush v1, $0x8;
	v26 =	vld [tilespmem:s5+$0x1410]  }
0x243: {  	v27 =	vld [tilespmem:s0+$0x200];
	[tilespmem:s29+$0xFFFFFD30] =	vst v21;
	s1 =	spop (v2sf);
	(v2sf) =	vpush v11, $0xB  }
0x244: {  	v21 =	vld [tilespmem:s1+$0x1800];
	[tilespmem:s25+$0xFFFFFE90] =	vst v22;
	s2 =	spop (v2sf);
	(v2sf) =	vpush v16, $0xD  }
0x245: {  	v28 =	vld [tilespmem:s2+$0x1400];
	[tilespmem:s24+$0xFFFFFFF0] =	vst v24;
	s3 =	spop (v2sf)  }
0x246: {  	v24 =	vld [tilespmem:s3+$0x800];
	[tilespmem:s28+$0x150] =	vst v25;
	s4 =	spop (v2sf)  }
0x247: {  	v25 =	vld [tilespmem:s4+$0x2000];
	[tilespmem:s26+$0x2B0] =	vst v26;
	s5 =	spop (v2sf)  }
0x248: {  	v26 =	vld [tilespmem:s5+$0x1800]  }
0x249: {  	v22 =	vshll.u32 v27, $0x9;
	v29 =	vld [tilespmem:s0+$0x400];
	[tilespmem:s29+$0xFFFFFD40] =	vst v21  }
0x24a: {  	v22 =	vshra.s32 v22, $0x2;
	v21 =	vld [tilespmem:s1+$0x1810];
	[tilespmem:s25+$0xFFFFFEA0] =	vst v28  }
0x24b: {  	(v2sf) =	vpush v22, $0x0;
	v27 =	vld [tilespmem:s2+$0x1410];
	[tilespmem:s24+$0x0] =	vst v24  }
0x24c: {  	(v2sf) =	vpush v12, $0x3;
	v24 =	vld [tilespmem:s3+$0x810];
	[tilespmem:s28+$0x160] =	vst v25  }
0x24d: {  	(v2sf) =	vpush v7, $0x5;
	v25 =	vld [tilespmem:s4+$0x2010];
	[tilespmem:s26+$0x2C0] =	vst v26  }
0x24e: {  	s0 =	spop (v2sf);
	(v2sf) =	vpush v2, $0x8;
	v26 =	vld [tilespmem:s5+$0x1810]  }
0x24f: {  	v28 =	vld [tilespmem:s0+$0x800];
	[tilespmem:s29+$0xFFFFFD50] =	vst v21;
	s1 =	spop (v2sf);
	(v2sf) =	vpush v10, $0xB  }
0x250: {  	v21 =	vld [tilespmem:s1+$0x2000];
	[tilespmem:s25+$0xFFFFFEB0] =	vst v27;
	s2 =	spop (v2sf);
	(v2sf) =	vpush v19, $0xE  }
0x251: {  	v27 =	vld [tilespmem:s2+$0x1800];
	[tilespmem:s24+$0x10] =	vst v24;
	s3 =	spop (v2sf)  }
0x252: {  	v24 =	vld [tilespmem:s3+$0x1400];
	[tilespmem:s28+$0x170] =	vst v25;
	s4 =	spop (v2sf)  }
0x253: {  	s29 =	sadd.s32 $0x800, s29;
	v25 =	vld [tilespmem:s4+$0x800];
	[tilespmem:s26+$0x2D0] =	vst v26;
	s5 =	spop (v2sf)  }
0x254: {  	[tilespmem:s29+$0xFFFFFC00] =	vst v28;
	v26 =	vld [tilespmem:s5+$0x2000]  }
0x255: {  	v29 =	vshll.u32 v29, $0x9;
	v28 =	vld [tilespmem:s0+$0x810];
	[tilespmem:s31+$0xFFFFFD60] =	vst v21  }
0x256: {  	v21 =	vshra.s32 v29, $0x2;
	v29 =	vld [tilespmem:s1+$0x2010];
	[tilespmem:s25+$0xFFFFFEC0] =	vst v27  }
0x257: {  	(v2sf) =	vpush v21, $0x0;
	v27 =	vld [tilespmem:s2+$0x1810];
	[tilespmem:s24+$0x20] =	vst v24  }
0x258: {  	(v2sf) =	vpush v13, $0x3;
	v24 =	vld [tilespmem:s3+$0x1410];
	[tilespmem:s28+$0x180] =	vst v25  }
0x259: {  	(v2sf) =	vpush v4, $0x6;
	v25 =	vld [tilespmem:s4+$0x810];
	[tilespmem:s26+$0x2E0] =	vst v26  }
0x25a: {  	[tilespmem:s29+$0xFFFFFC10] =	vst v28;
	s0 =	spop (v2sf);
	(v2sf) =	vpush v3, $0x8;
	v26 =	vld [tilespmem:s5+$0x2010]  }
0x25b: {  	v28 =	vld [tilespmem:s0+$0x1400];
	[tilespmem:s31+$0xFFFFFD70] =	vst v29;
	s1 =	spop (v2sf);
	(v2sf) =	vpush v9, $0xB  }
0x25c: {  	v29 =	vld [tilespmem:s1+$0x800];
	[tilespmem:s25+$0xFFFFFED0] =	vst v27;
	s2 =	spop (v2sf);
	(v2sf) =	vpush v18, $0xE  }
0x25d: {  	v27 =	vld [tilespmem:s2+$0x2000];
	[tilespmem:s24+$0x30] =	vst v24;
	s3 =	spop (v2sf)  }
0x25e: {  	v24 =	vld [tilespmem:s3+$0x1800];
	[tilespmem:s28+$0x190] =	vst v25;
	s4 =	spop (v2sf)  }
0x25f: {  	v25 =	vld [tilespmem:s4+$0x1400];
	[tilespmem:s26+$0x2F0] =	vst v26;
	s5 =	spop (v2sf)  }
0x260: {  	[tilespmem:s29+$0xFFFFFC20] =	vst v28;
	v26 =	vld [tilespmem:s5+$0x800]  }
0x261: {  	v20 =	vshll.u32 v20, $0x9;
	v28 =	vld [tilespmem:s0+$0x1410];
	[tilespmem:s31+$0xFFFFFD80] =	vst v29  }
0x262: {  	v20 =	vshra.s32 v20, $0x2;
	v29 =	vld [tilespmem:s1+$0x810];
	[tilespmem:s25+$0xFFFFFEE0] =	vst v27  }
0x263: {  	(v2sf) =	vpush v20, $0x0;
	v27 =	vld [tilespmem:s2+$0x2010];
	[tilespmem:s24+$0x40] =	vst v24  }
0x264: {  	(v2sf) =	vpush v14, $0x3;
	v24 =	vld [tilespmem:s3+$0x1810];
	[tilespmem:s28+$0x1A0] =	vst v25  }
0x265: {  	(v2sf) =	vpush v5, $0x6;
	v25 =	vld [tilespmem:s4+$0x1410];
	[tilespmem:s26+$0x300] =	vst v26  }
0x266: {  	[tilespmem:s29+$0xFFFFFC30] =	vst v28;
	s0 =	spop (v2sf);
	(v2sf) =	vpush v0, $0x9;
	v26 =	vld [tilespmem:s5+$0x810]  }
0x267: {  	v28 =	vld [tilespmem:s0+$0x1800];
	[tilespmem:s31+$0xFFFFFD90] =	vst v29;
	s1 =	spop (v2sf);
	(v2sf) =	vpush v8, $0xB  }
0x268: {  	v29 =	vld [tilespmem:s1+$0x1400];
	[tilespmem:s25+$0xFFFFFEF0] =	vst v27;
	s2 =	spop (v2sf);
	(v2sf) =	vpush v17, $0xE  }
0x269: {  	v27 =	vld [tilespmem:s2+$0x800];
	[tilespmem:s24+$0x50] =	vst v24;
	s3 =	spop (v2sf)  }
0x26a: {  	v24 =	vld [tilespmem:s3+$0x2000];
	[tilespmem:s28+$0x1B0] =	vst v25;
	s4 =	spop (v2sf)  }
0x26b: {  	v25 =	vld [tilespmem:s4+$0x1800];
	[tilespmem:s26+$0x310] =	vst v26;
	s5 =	spop (v2sf)  }
0x26c: {  	[tilespmem:s29+$0xFFFFFC40] =	vst v28;
	v26 =	vld [tilespmem:s5+$0x1400]  }
0x26d: {  	v28 =	vld [tilespmem:s0+$0x1810];
	[tilespmem:s31+$0xFFFFFDA0] =	vst v29  }
0x26e: {  	v29 =	vld [tilespmem:s1+$0x1410];
	[tilespmem:s25+$0xFFFFFF00] =	vst v27  }
0x26f: {  	(v2sf) =	vpush v23, $0x1;
	v27 =	vld [tilespmem:s2+$0x810];
	[tilespmem:s24+$0x60] =	vst v24  }
0x270: {  	(v2sf) =	vpush v15, $0x3;
	v24 =	vld [tilespmem:s3+$0x2010];
	[tilespmem:s28+$0x1C0] =	vst v25  }
0x271: {  	(v2sf) =	vpush v6, $0x6;
	v25 =	vld [tilespmem:s4+$0x1810];
	[tilespmem:s26+$0x320] =	vst v26  }
0x272: {  	[tilespmem:s29+$0xFFFFFC50] =	vst v28;
	s0 =	spop (v2sf);
	(v2sf) =	vpush v1, $0x9;
	v26 =	vld [tilespmem:s5+$0x1410]  }
0x273: {  	v28 =	vld [tilespmem:s0+$0x2000];
	[tilespmem:s31+$0xFFFFFDB0] =	vst v29;
	s1 =	spop (v2sf);
	(v2sf) =	vpush v11, $0xC  }
0x274: {  	v29 =	vld [tilespmem:s1+$0x1800];
	[tilespmem:s25+$0xFFFFFF10] =	vst v27;
	s2 =	spop (v2sf);
	(v2sf) =	vpush v16, $0xE  }
0x275: {  	v27 =	vld [tilespmem:s2+$0x1400];
	[tilespmem:s24+$0x70] =	vst v24;
	s3 =	spop (v2sf)  }
0x276: {  	v24 =	vld [tilespmem:s3+$0x800];
	[tilespmem:s28+$0x1D0] =	vst v25;
	s4 =	spop (v2sf)  }
0x277: {  	v25 =	vld [tilespmem:s4+$0x2000];
	[tilespmem:s26+$0x330] =	vst v26;
	s5 =	spop (v2sf)  }
0x278: {  	[tilespmem:s29+$0xFFFFFC60] =	vst v28;
	v26 =	vld [tilespmem:s5+$0x1800]  }
0x279: {  	v28 =	vld [tilespmem:s0+$0x2010];
	[tilespmem:s31+$0xFFFFFDC0] =	vst v29  }
0x27a: {  	v29 =	vld [tilespmem:s1+$0x1810];
	[tilespmem:s25+$0xFFFFFF20] =	vst v27  }
0x27b: {  	(v2sf) =	vpush v22, $0x1;
	v27 =	vld [tilespmem:s2+$0x1410];
	[tilespmem:s24+$0x80] =	vst v24  }
0x27c: {  	(v2sf) =	vpush v12, $0x4;
	v24 =	vld [tilespmem:s3+$0x810];
	[tilespmem:s28+$0x1E0] =	vst v25  }
0x27d: {  	(v2sf) =	vpush v7, $0x6;
	v25 =	vld [tilespmem:s4+$0x2010];
	[tilespmem:s26+$0x340] =	vst v26  }
0x27e: {  	[tilespmem:s29+$0xFFFFFC70] =	vst v28;
	s0 =	spop (v2sf);
	(v2sf) =	vpush v2, $0x9;
	v26 =	vld [tilespmem:s5+$0x1810]  }
0x27f: {  	v28 =	vld [tilespmem:s0+$0x800];
	[tilespmem:s31+$0xFFFFFDD0] =	vst v29;
	s1 =	spop (v2sf);
	(v2sf) =	vpush v10, $0xC  }
0x280: {  	v29 =	vld [tilespmem:s1+$0x2000];
	[tilespmem:s25+$0xFFFFFF30] =	vst v27;
	s2 =	spop (v2sf);
	(v2sf) =	vpush v19, $0xF;
	v19 =	vmovc v11;
	v11 =	vmovc v0;
	v0 =	vmov v4;
	v4 =	vmov v12  }
0x281: {  	v12 =	vmov v23;
	v27 =	vld [tilespmem:s2+$0x1800];
	[tilespmem:s24+$0x90] =	vst v24;
	s3 =	spop (v2sf)  }
0x282: {  	v23 =	vld [tilespmem:s3+$0x1400];
	[tilespmem:s28+$0x1F0] =	vst v25;
	s4 =	spop (v2sf)  }
0x283: {  	v24 =	vld [tilespmem:s4+$0x800];
	[tilespmem:s26+$0x350] =	vst v26;
	s5 =	spop (v2sf)  }
0x284: {  	[tilespmem:s29+$0xFFFFFC80] =	vst v28;
	v25 =	vld [tilespmem:s5+$0x2000]  }
0x285: {  	v26 =	vld [tilespmem:s0+$0x810];
	[tilespmem:s31+$0xFFFFFDE0] =	vst v29  }
0x286: {  	v28 =	vld [tilespmem:s1+$0x2010];
	[tilespmem:s25+$0xFFFFFF40] =	vst v27  }
0x287: {  	(v2sf) =	vpush v21, $0x1;
	v27 =	vld [tilespmem:s2+$0x1810];
	[tilespmem:s24+$0xA0] =	vst v23  }
0x288: {  	(v2sf) =	vpush v13, $0x4;
	v23 =	vld [tilespmem:s3+$0x1410];
	[tilespmem:s28+$0x200] =	vst v24  }
0x289: {  	(v2sf) =	vpush v0, $0x7;
	v24 =	vld [tilespmem:s4+$0x810];
	[tilespmem:s26+$0x360] =	vst v25  }
0x28a: {  	[tilespmem:s29+$0xFFFFFC90] =	vst v26;
	s0 =	spop (v2sf);
	(v2sf) =	vpush v3, $0x9;
	v25 =	vld [tilespmem:s5+$0x2010]  }
0x28b: {  	v26 =	vld [tilespmem:s0+$0x1400];
	[tilespmem:s31+$0xFFFFFDF0] =	vst v28;
	s1 =	spop (v2sf);
	(v2sf) =	vpush v9, $0xC  }
0x28c: {  	v28 =	vld [tilespmem:s1+$0x800];
	[tilespmem:s25+$0xFFFFFF50] =	vst v27;
	s2 =	spop (v2sf);
	(v2sf) =	vpush v18, $0xF;
	v18 =	vmovc v10;
	v10 =	vmovc v1;
	v1 =	vmov v5;
	v5 =	vmov v13  }
0x28d: {  	v13 =	vmov v22;
	v27 =	vld [tilespmem:s2+$0x2000];
	[tilespmem:s24+$0xB0] =	vst v23;
	s3 =	spop (v2sf)  }
0x28e: {  	v22 =	vld [tilespmem:s3+$0x1800];
	[tilespmem:s28+$0x210] =	vst v24;
	s4 =	spop (v2sf)  }
0x28f: {  	v23 =	vld [tilespmem:s4+$0x1400];
	[tilespmem:s26+$0x370] =	vst v25;
	s5 =	spop (v2sf)  }
0x290: {  	[tilespmem:s29+$0xFFFFFCA0] =	vst v26;
	v24 =	vld [tilespmem:s5+$0x800]  }
0x291: {  	v25 =	vld [tilespmem:s0+$0x1410];
	[tilespmem:s31+$0xFFFFFE00] =	vst v28  }
0x292: {  	v26 =	vld [tilespmem:s1+$0x810];
	[tilespmem:s25+$0xFFFFFF60] =	vst v27  }
0x293: {  	(v2sf) =	vpush v20, $0x1;
	v27 =	vld [tilespmem:s2+$0x2010];
	[tilespmem:s24+$0xC0] =	vst v22  }
0x294: {  	(v2sf) =	vpush v14, $0x4;
	v22 =	vld [tilespmem:s3+$0x1810];
	[tilespmem:s28+$0x220] =	vst v23  }
0x295: {  	(v2sf) =	vpush v1, $0x7;
	v23 =	vld [tilespmem:s4+$0x1410];
	[tilespmem:s26+$0x380] =	vst v24  }
0x296: {  	[tilespmem:s29+$0xFFFFFCB0] =	vst v25;
	s0 =	spop (v2sf);
	(v2sf) =	vpush v11, $0xA;
	v24 =	vld [tilespmem:s5+$0x810]  }
0x297: {  	v25 =	vld [tilespmem:s0+$0x1800];
	[tilespmem:s31+$0xFFFFFE10] =	vst v26;
	s1 =	spop (v2sf);
	(v2sf) =	vpush v8, $0xC  }
0x298: {  	v26 =	vld [tilespmem:s1+$0x1400];
	[tilespmem:s25+$0xFFFFFF70] =	vst v27;
	s2 =	spop (v2sf);
	(v2sf) =	vpush v17, $0xF;
	v17 =	vmovc v9;
	v9 =	vmovc v2;
	v2 =	vmov v6;
	v6 =	vmov v14  }
0x299: {  	v14 =	vmov v21;
	v27 =	vld [tilespmem:s2+$0x800];
	[tilespmem:s24+$0xD0] =	vst v22;
	s3 =	spop (v2sf)  }
0x29a: {  	v21 =	vld [tilespmem:s3+$0x2000];
	[tilespmem:s28+$0x230] =	vst v23;
	s4 =	spop (v2sf)  }
0x29b: {  	v22 =	vld [tilespmem:s4+$0x1800];
	[tilespmem:s26+$0x390] =	vst v24;
	s5 =	spop (v2sf)  }
0x29c: {  	[tilespmem:s29+$0xFFFFFCC0] =	vst v25;
	v23 =	vld [tilespmem:s5+$0x1400]  }
0x29d: {  	v24 =	vld [tilespmem:s0+$0x1810];
	[tilespmem:s31+$0xFFFFFE20] =	vst v26  }
0x29e: {  	v25 =	vld [tilespmem:s1+$0x1410];
	[tilespmem:s25+$0xFFFFFF80] =	vst v27  }
0x29f: {  	(v2sf) =	vpush v12, $0x2;
	v26 =	vld [tilespmem:s2+$0x810];
	[tilespmem:s24+$0xE0] =	vst v21  }
0x2a0: {  	(v2sf) =	vpush v15, $0x4;
	v21 =	vld [tilespmem:s3+$0x2010];
	[tilespmem:s28+$0x240] =	vst v22  }
0x2a1: {  	(v2sf) =	vpush v2, $0x7;
	v22 =	vld [tilespmem:s4+$0x1810];
	[tilespmem:s26+$0x3A0] =	vst v23  }
0x2a2: {  	[tilespmem:s29+$0xFFFFFCD0] =	vst v24;
	s0 =	spop (v2sf);
	(v2sf) =	vpush v10, $0xA;
	v23 =	vld [tilespmem:s5+$0x1410]  }
0x2a3: {  	v24 =	vld [tilespmem:s0+$0x2000];
	[tilespmem:s31+$0xFFFFFE30] =	vst v25;
	s1 =	spop (v2sf);
	(v2sf) =	vpush v19, $0xD  }
0x2a4: {  	v25 =	vld [tilespmem:s1+$0x1800];
	[tilespmem:s25+$0xFFFFFF90] =	vst v26;
	s2 =	spop (v2sf);
	(v2sf) =	vpush v16, $0xF;
	v16 =	vmovc v8;
	v8 =	vmovc v3;
	v3 =	vmov v7;
	v7 =	vmov v15  }
0x2a5: {  	v15 =	vmov v20;
	v26 =	vld [tilespmem:s2+$0x1400];
	[tilespmem:s24+$0xF0] =	vst v21;
	s3 =	spop (v2sf)  }
0x2a6: {  	v20 =	vld [tilespmem:s3+$0x800];
	[tilespmem:s28+$0x250] =	vst v22;
	s4 =	spop (v2sf)  }
0x2a7: {  	v21 =	vld [tilespmem:s4+$0x2000];
	[tilespmem:s26+$0x3B0] =	vst v23;
	s5 =	spop (v2sf)  }
0x2a8: {  	[tilespmem:s29+$0xFFFFFCE0] =	vst v24;
	v22 =	vld [tilespmem:s5+$0x1800]  }
0x2a9: {  	v23 =	vld [tilespmem:s0+$0x2010];
	[tilespmem:s31+$0xFFFFFE40] =	vst v25  }
0x2aa: {  	v24 =	vld [tilespmem:s1+$0x1810];
	[tilespmem:s25+$0xFFFFFFA0] =	vst v26  }
0x2ab: {  	v25 =	vld [tilespmem:s2+$0x1410];
	[tilespmem:s24+$0x100] =	vst v20  }
0x2ac: {  	(v2sf) =	vpush v13, $0x2;
	v20 =	vld [tilespmem:s3+$0x810];
	[tilespmem:s28+$0x260] =	vst v21  }
0x2ad: {  	(v2sf) =	vpush v4, $0x5;
	v21 =	vld [tilespmem:s4+$0x2010];
	[tilespmem:s26+$0x3C0] =	vst v22  }
0x2ae: {  	[tilespmem:s29+$0xFFFFFCF0] =	vst v23;
	s0 =	spop (v2sf);
	(v2sf) =	vpush v3, $0x7;
	v22 =	vld [tilespmem:s5+$0x1810]  }
0x2af: {  	v23 =	vld [tilespmem:s0+$0x800];
	[tilespmem:s31+$0xFFFFFE50] =	vst v24;
	s1 =	spop (v2sf);
	(v2sf) =	vpush v9, $0xA  }
0x2b0: {  	v24 =	vld [tilespmem:s1+$0x2000];
	[tilespmem:s25+$0xFFFFFFB0] =	vst v25;
	s2 =	spop (v2sf);
	(v2sf) =	vpush v18, $0xD  }
0x2b1: {  	v25 =	vld [tilespmem:s2+$0x1800];
	[tilespmem:s24+$0x110] =	vst v20;
	s3 =	spop (v2sf)  }
0x2b2: {  	v20 =	vld [tilespmem:s3+$0x1400];
	[tilespmem:s28+$0x270] =	vst v21;
	s4 =	spop (v2sf)  }
0x2b3: {  	v21 =	vld [tilespmem:s4+$0x800];
	[tilespmem:s26+$0x3D0] =	vst v22;
	s5 =	spop (v2sf)  }
0x2b4: {  	[tilespmem:s29+$0xFFFFFD00] =	vst v23;
	v22 =	vld [tilespmem:s5+$0x2000]  }
0x2b5: {  	v23 =	vld [tilespmem:s0+$0x810];
	[tilespmem:s31+$0xFFFFFE60] =	vst v24  }
0x2b6: {  	v24 =	vld [tilespmem:s1+$0x2010];
	[tilespmem:s25+$0xFFFFFFC0] =	vst v25  }
0x2b7: {  	v25 =	vld [tilespmem:s2+$0x1810];
	[tilespmem:s24+$0x120] =	vst v20  }
0x2b8: {  	(v2sf) =	vpush v14, $0x2;
	v20 =	vld [tilespmem:s3+$0x1410];
	[tilespmem:s28+$0x280] =	vst v21  }
0x2b9: {  	(v2sf) =	vpush v5, $0x5;
	v26 =	vld [tilespmem:s4+$0x810];
	[tilespmem:s26+$0x3E0] =	vst v22  }
0x2ba: {  	s0 =	sshra.s32 s30, $0x2;
	[tilespmem:s29+$0xFFFFFD10] =	vst v23;
	(v2sf) =	vpush v0, $0x8;
	v23 =	vld [tilespmem:s5+$0x2010]  }
0x2bb: {  	v21 =	vld [tilespmem:s0+$0x0];
	s1 =	spop (v2sf);
	[tilespmem:s31+$0xFFFFFE70] =	vst v24;
	(v2sf) =	vpush v8, $0xA  }
.Ltmp0:
0x2bc: {  	v22 =	vld [tilespmem:s1+$0x1400];
	s2 =	spop (v2sf);
	[tilespmem:s25+$0xFFFFFFD0] =	vst v25;
	(v2sf) =	vpush v17, $0xD;
	(pc) =	sbr.rel @p0 .LBB2_2-.Ltmp0, $4  }
0x2bd: {  	v24 =	vld [tilespmem:s2+$0x800];
	s3 =	spop (v2sf);
	[tilespmem:s24+$0x130] =	vst v20  }
0x2be: {  	v25 =	vld [tilespmem:s3+$0x2000];
	s4 =	spop (v2sf);
	[tilespmem:s28+$0x290] =	vst v26  }
0x2bf: {  	v26 =	vld [tilespmem:s4+$0x1800];
	s5 =	spop (v2sf);
	[tilespmem:s26+$0x3F0] =	vst v23;
	s26 =	smov.u32 s28;
	s28 =	smov.u32 s24  }
0x2c0: {  	s30 =	sadd.s32 $0x40, s30;
	s24 =	smov.u32 s25;
	s25 =	smov.u32 s31;
	v27 =	vld [tilespmem:s5+$0x1400]  }
0x2c1: {  	v20 =	vshll.u32 v21, $0x9;
	[tilespmem:s29+$0xFFFFFD20] =	vst v22  }
0x2c2: {  	v20 =	vshra.s32 v20, $0x2;
	v34 =	vld [tilespmem:s1+$0x1410];
	[tilespmem:s25+$0xFFFFFE80] =	vst v24  }
0x2c3: {  	(v2sf) =	vpush v20, $0x0;
	v35 =	vld [tilespmem:s2+$0x810];
	[tilespmem:s24+$0xFFFFFFE0] =	vst v25  }
0x2c4: {  	(v2sf) =	vpush v15, $0x2;
	v36 =	vld [tilespmem:s3+$0x2010]  }
0x2c5: {  	(v2sf) =	vpush v6, $0x5  }
0x2c6: {  	v23 =	vld [tilespmem:s0+$0x600];
	(v2sf) =	vpush v1, $0x8  }
0x2c7: {  	v39 =	vld [tilespmem:s0+$0x200];
	[tilespmem:s29+$0xFFFFFD30] =	vst v34;
	s21 =	spop (v2sf)  }
0x2c8: {  	v21 =	vld [tilespmem:s21+$0x1800];
	[tilespmem:s25+$0xFFFFFE90] =	vst v35;
	s22 =	spop (v2sf)  }
0x2c9: {  	v22 =	vld [tilespmem:s22+$0x1400];
	[tilespmem:s24+$0xFFFFFFF0] =	vst v36;
	s23 =	spop (v2sf)  }
0x2ca: {  	[tilespmem:s28+$0x140] =	vst v26;
	v24 =	vld [tilespmem:s23+$0x800]  }
0x2cb: {  	v37 =	vld [tilespmem:s4+$0x1810];
	[tilespmem:s26+$0x2A0] =	vst v27;
	(v2sf) =	vpush v11, $0xB  }
0x2cc: {  	v38 =	vld [tilespmem:s5+$0x1410];
	(v2sf) =	vpush v16, $0xD  }
0x2cd: {  	v28 =	vld [tilespmem:s0+$0x400];
	v27 =	vshll.u32 v39, $0x9;
	[tilespmem:s29+$0xFFFFFD40] =	vst v21  }
0x2ce: {  	v21 =	vshra.s32 v27, $0x2;
	v40 =	vld [tilespmem:s21+$0x1810];
	[tilespmem:s25+$0xFFFFFEA0] =	vst v22  }
0x2cf: {  	(v2sf) =	vpush v21, $0x0;
	v22 =	vld [tilespmem:s22+$0x1410];
	[tilespmem:s24+$0x0] =	vst v24  }
0x2d0: {  	[tilespmem:s28+$0x150] =	vst v37;
	s30 =	spop (v2sf);
	(v2sf) =	vpush v12, $0x3;
	v24 =	vld [tilespmem:s23+$0x810]  }
0x2d1: {  	v25 =	vld [tilespmem:s30+$0x2000];
	[tilespmem:s26+$0x2B0] =	vst v38;
	s31 =	spop (v2sf);
	(v2sf) =	vpush v7, $0x5  }
0x2d2: {  	v26 =	vld [tilespmem:s31+$0x1800];
	s1 =	spop (v2sf);
	(v2sf) =	vpush v2, $0x8  }
0x2d3: {  	v29 =	vld [tilespmem:s1+$0x800];
	[tilespmem:s29+$0xFFFFFD50] =	vst v40;
	s2 =	spop (v2sf)  }
0x2d4: {  	v27 =	vld [tilespmem:s2+$0x2000];
	[tilespmem:s25+$0xFFFFFEB0] =	vst v22;
	s3 =	spop (v2sf)  }
0x2d5: {  	v30 =	vld [tilespmem:s3+$0x1800];
	[tilespmem:s24+$0x10] =	vst v24;
	s4 =	spop (v2sf)  }
0x2d6: {  	[tilespmem:s28+$0x160] =	vst v25;
	v24 =	vld [tilespmem:s4+$0x1400]  }
0x2d7: {  	v25 =	vld [tilespmem:s30+$0x2010];
	[tilespmem:s26+$0x2C0] =	vst v26;
	s30 =	sadd.s32 $0x800, s29  }
0x2d8: {  	v26 =	vld [tilespmem:s31+$0x1810];
	[tilespmem:s30+$0xFFFFFC00] =	vst v29  }
0x2d9: {  	v41 =	vshll.u32 v28, $0x9;
	(v2sf) =	vpush v10, $0xB;
	v29 =	vld [tilespmem:s1+$0x810];
	[tilespmem:s29+$0xFFFFFD60] =	vst v27  }
0x2da: {  	(v2sf) =	vpush v19, $0xE;
	v22 =	vshra.s32 v41, $0x2;
	s5 =	spop (v2sf);
	v27 =	vld [tilespmem:s2+$0x2010];
	[tilespmem:s25+$0xFFFFFEC0] =	vst v30  }
0x2db: {  	s6 =	spop (v2sf);
	(v2sf) =	vpush v22, $0x0;
	v42 =	vld [tilespmem:s3+$0x1810];
	[tilespmem:s24+$0x20] =	vst v24  }
0x2dc: {  	[tilespmem:s28+$0x170] =	vst v25;
	(v2sf) =	vpush v13, $0x3;
	v24 =	vld [tilespmem:s4+$0x1410]  }
0x2dd: {  	v25 =	vld [tilespmem:s5+$0x800];
	[tilespmem:s26+$0x2D0] =	vst v26;
	(v2sf) =	vpush v4, $0x6  }
0x2de: {  	v26 =	vld [tilespmem:s6+$0x2000];
	s7 =	spop (v2sf);
	(v2sf) =	vpush v3, $0x8;
	[tilespmem:s30+$0xFFFFFC10] =	vst v29  }
0x2df: {  	s8 =	spop (v2sf);
	v29 =	vld [tilespmem:s7+$0x1400];
	[tilespmem:s29+$0xFFFFFD70] =	vst v27  }
0x2e0: {  	s9 =	spop (v2sf);
	v27 =	vld [tilespmem:s8+$0x800];
	[tilespmem:s25+$0xFFFFFED0] =	vst v42  }
0x2e1: {  	v28 =	vld [tilespmem:s9+$0x2000];
	[tilespmem:s24+$0x30] =	vst v24;
	s10 =	spop (v2sf)  }
0x2e2: {  	[tilespmem:s28+$0x180] =	vst v25;
	v24 =	vld [tilespmem:s10+$0x1800]  }
0x2e3: {  	v25 =	vld [tilespmem:s5+$0x810];
	[tilespmem:s26+$0x2E0] =	vst v26  }
0x2e4: {  	v26 =	vld [tilespmem:s6+$0x2010];
	[tilespmem:s30+$0xFFFFFC20] =	vst v29  }
0x2e5: {  	v23 =	vshll.u32 v23, $0x9;
	(v2sf) =	vpush v9, $0xB;
	v29 =	vld [tilespmem:s7+$0x1410];
	[tilespmem:s29+$0xFFFFFD80] =	vst v27  }
0x2e6: {  	v23 =	vshra.s32 v23, $0x2;
	(v2sf) =	vpush v18, $0xE;
	v27 =	vld [tilespmem:s8+$0x810];
	[tilespmem:s25+$0xFFFFFEE0] =	vst v28  }
0x2e7: {  	(v2sf) =	vpush v23, $0x0;
	v28 =	vld [tilespmem:s9+$0x2010];
	[tilespmem:s24+$0x40] =	vst v24  }
0x2e8: {  	[tilespmem:s28+$0x190] =	vst v25;
	s11 =	spop (v2sf);
	(v2sf) =	vpush v14, $0x3;
	v24 =	vld [tilespmem:s10+$0x1810]  }
0x2e9: {  	v25 =	vld [tilespmem:s11+$0x1400];
	[tilespmem:s26+$0x2F0] =	vst v26;
	s12 =	spop (v2sf);
	(v2sf) =	vpush v5, $0x6  }
0x2ea: {  	v26 =	vld [tilespmem:s12+$0x800];
	s13 =	spop (v2sf);
	(v2sf) =	vpush v0, $0x9;
	[tilespmem:s30+$0xFFFFFC30] =	vst v29  }
0x2eb: {  	s14 =	spop (v2sf);
	v29 =	vld [tilespmem:s13+$0x1800];
	[tilespmem:s29+$0xFFFFFD90] =	vst v27  }
0x2ec: {  	s15 =	spop (v2sf);
	v27 =	vld [tilespmem:s14+$0x1400];
	[tilespmem:s25+$0xFFFFFEF0] =	vst v28  }
0x2ed: {  	s16 =	spop (v2sf);
	v28 =	vld [tilespmem:s15+$0x800];
	[tilespmem:s24+$0x50] =	vst v24  }
0x2ee: {  	[tilespmem:s28+$0x1A0] =	vst v25;
	v24 =	vld [tilespmem:s16+$0x2000]  }
0x2ef: {  	v25 =	vld [tilespmem:s11+$0x1410];
	[tilespmem:s26+$0x300] =	vst v26  }
0x2f0: {  	v26 =	vld [tilespmem:s12+$0x810];
	[tilespmem:s30+$0xFFFFFC40] =	vst v29  }
0x2f1: {  	(v2sf) =	vpush v8, $0xB;
	v29 =	vld [tilespmem:s13+$0x1810];
	[tilespmem:s29+$0xFFFFFDA0] =	vst v27  }
0x2f2: {  	(v2sf) =	vpush v17, $0xE;
	v27 =	vld [tilespmem:s14+$0x1410];
	[tilespmem:s25+$0xFFFFFF00] =	vst v28  }
0x2f3: {  	(v2sf) =	vpush v20, $0x1;
	v28 =	vld [tilespmem:s15+$0x810];
	[tilespmem:s24+$0x60] =	vst v24  }
0x2f4: {  	s17 =	spop (v2sf);
	(v2sf) =	vpush v15, $0x3;
	[tilespmem:s28+$0x1B0] =	vst v25;
	v24 =	vld [tilespmem:s16+$0x2010]  }
0x2f5: {  	s18 =	spop (v2sf);
	(v2sf) =	vpush v6, $0x6;
	v25 =	vld [tilespmem:s17+$0x1800];
	[tilespmem:s26+$0x310] =	vst v26  }
0x2f6: {  	v26 =	vld [tilespmem:s18+$0x1400];
	s19 =	spop (v2sf);
	(v2sf) =	vpush v1, $0x9;
	[tilespmem:s30+$0xFFFFFC50] =	vst v29  }
0x2f7: {  	s20 =	spop (v2sf);
	v29 =	vld [tilespmem:s19+$0x2000];
	[tilespmem:s29+$0xFFFFFDB0] =	vst v27  }
0x2f8: {  	s21 =	spop (v2sf);
	v27 =	vld [tilespmem:s20+$0x1800];
	[tilespmem:s25+$0xFFFFFF10] =	vst v28  }
0x2f9: {  	s22 =	spop (v2sf);
	v28 =	vld [tilespmem:s21+$0x1400];
	[tilespmem:s24+$0x70] =	vst v24  }
0x2fa: {  	[tilespmem:s28+$0x1C0] =	vst v25;
	v24 =	vld [tilespmem:s22+$0x800]  }
0x2fb: {  	v25 =	vld [tilespmem:s17+$0x1810];
	[tilespmem:s26+$0x320] =	vst v26  }
0x2fc: {  	v26 =	vld [tilespmem:s18+$0x1410];
	[tilespmem:s30+$0xFFFFFC60] =	vst v29  }
0x2fd: {  	(v2sf) =	vpush v11, $0xC;
	v29 =	vld [tilespmem:s19+$0x2010];
	[tilespmem:s29+$0xFFFFFDC0] =	vst v27  }
0x2fe: {  	(v2sf) =	vpush v16, $0xE;
	v27 =	vld [tilespmem:s20+$0x1810];
	[tilespmem:s25+$0xFFFFFF20] =	vst v28  }
0x2ff: {  	(v2sf) =	vpush v21, $0x1;
	v28 =	vld [tilespmem:s21+$0x1410];
	[tilespmem:s24+$0x80] =	vst v24  }
0x300: {  	s23 =	spop (v2sf);
	(v2sf) =	vpush v12, $0x4;
	[tilespmem:s28+$0x1D0] =	vst v25;
	v24 =	vld [tilespmem:s22+$0x810]  }
0x301: {  	s31 =	spop (v2sf);
	(v2sf) =	vpush v7, $0x6;
	v25 =	vld [tilespmem:s23+$0x2000];
	[tilespmem:s26+$0x330] =	vst v26  }
0x302: {  	s1 =	spop (v2sf);
	(v2sf) =	vpush v2, $0x9;
	v26 =	vld [tilespmem:s31+$0x1800];
	[tilespmem:s30+$0xFFFFFC70] =	vst v29  }
0x303: {  	s2 =	spop (v2sf);
	v29 =	vld [tilespmem:s1+$0x800];
	[tilespmem:s29+$0xFFFFFDD0] =	vst v27  }
0x304: {  	s3 =	spop (v2sf);
	v27 =	vld [tilespmem:s2+$0x2000];
	[tilespmem:s25+$0xFFFFFF30] =	vst v28  }
0x305: {  	s4 =	spop (v2sf);
	v43 =	vld [tilespmem:s3+$0x1800];
	[tilespmem:s24+$0x90] =	vst v24  }
0x306: {  	[tilespmem:s28+$0x1E0] =	vst v25;
	v24 =	vld [tilespmem:s4+$0x1400]  }
0x307: {  	v25 =	vld [tilespmem:s23+$0x2010];
	[tilespmem:s26+$0x340] =	vst v26  }
0x308: {  	v26 =	vld [tilespmem:s31+$0x1810];
	[tilespmem:s30+$0xFFFFFC80] =	vst v29  }
0x309: {  	(v2sf) =	vpush v10, $0xC;
	v44 =	vld [tilespmem:s1+$0x810];
	[tilespmem:s29+$0xFFFFFDE0] =	vst v27  }
0x30a: {  	(v2sf) =	vpush v19, $0xF;
	v27 =	vld [tilespmem:s2+$0x2010];
	[tilespmem:s25+$0xFFFFFF40] =	vst v43  }
0x30b: {  	(v2sf) =	vpush v22, $0x1;
	v19 =	vld [tilespmem:s3+$0x1810];
	[tilespmem:s24+$0xA0] =	vst v24  }
0x30c: {  	s5 =	spop (v2sf);
	(v2sf) =	vpush v13, $0x4;
	[tilespmem:s28+$0x1F0] =	vst v25;
	v24 =	vld [tilespmem:s4+$0x1410]  }
0x30d: {  	s6 =	spop (v2sf);
	(v2sf) =	vpush v4, $0x7;
	v25 =	vld [tilespmem:s5+$0x800];
	[tilespmem:s26+$0x350] =	vst v26  }
0x30e: {  	s7 =	spop (v2sf);
	(v2sf) =	vpush v3, $0x9;
	v26 =	vld [tilespmem:s6+$0x2000];
	[tilespmem:s30+$0xFFFFFC90] =	vst v44  }
0x30f: {  	s8 =	spop (v2sf);
	v28 =	vld [tilespmem:s7+$0x1400];
	[tilespmem:s29+$0xFFFFFDF0] =	vst v27  }
0x310: {  	s9 =	spop (v2sf);
	v27 =	vld [tilespmem:s8+$0x800];
	[tilespmem:s25+$0xFFFFFF50] =	vst v19  }
0x311: {  	s10 =	spop (v2sf);
	v45 =	vld [tilespmem:s9+$0x2000];
	[tilespmem:s24+$0xB0] =	vst v24  }
0x312: {  	[tilespmem:s28+$0x200] =	vst v25;
	v46 =	vld [tilespmem:s10+$0x1800]  }
0x313: {  	v25 =	vld [tilespmem:s5+$0x810];
	[tilespmem:s26+$0x360] =	vst v26  }
0x314: {  	(v2sf) =	vpush v9, $0xC;
	v26 =	vld [tilespmem:s6+$0x2010];
	[tilespmem:s30+$0xFFFFFCA0] =	vst v28  }
0x315: {  	v49 =	vld [tilespmem:s7+$0x1410];
	[tilespmem:s29+$0xFFFFFE00] =	vst v27  }
0x316: {  	(v2sf) =	vpush v18, $0xF;
	v27 =	vld [tilespmem:s8+$0x810];
	[tilespmem:s25+$0xFFFFFF60] =	vst v45  }
0x317: {  	(v2sf) =	vpush v23, $0x1;
	v18 =	vld [tilespmem:s9+$0x2010];
	[tilespmem:s24+$0xC0] =	vst v46  }
0x318: {  	s11 =	spop (v2sf);
	(v2sf) =	vpush v14, $0x4;
	[tilespmem:s28+$0x210] =	vst v25;
	v19 =	vld [tilespmem:s10+$0x1810]  }
0x319: {  	s12 =	spop (v2sf);
	(v2sf) =	vpush v5, $0x7;
	v47 =	vld [tilespmem:s11+$0x1400];
	[tilespmem:s26+$0x370] =	vst v26  }
0x31a: {  	s13 =	spop (v2sf);
	(v2sf) =	vpush v0, $0xA;
	v48 =	vld [tilespmem:s12+$0x800];
	[tilespmem:s30+$0xFFFFFCB0] =	vst v49  }
0x31b: {  	s14 =	spop (v2sf);
	v26 =	vld [tilespmem:s13+$0x1800];
	[tilespmem:s29+$0xFFFFFE10] =	vst v27  }
0x31c: {  	s15 =	spop (v2sf);
	v27 =	vld [tilespmem:s14+$0x1400];
	[tilespmem:s25+$0xFFFFFF70] =	vst v18  }
0x31d: {  	s16 =	spop (v2sf);
	v50 =	vld [tilespmem:s15+$0x800];
	[tilespmem:s24+$0xD0] =	vst v19  }
0x31e: {  	[tilespmem:s28+$0x220] =	vst v47;
	v51 =	vld [tilespmem:s16+$0x2000]  }
0x31f: {  	v24 =	vld [tilespmem:s11+$0x1410];
	[tilespmem:s26+$0x380] =	vst v48  }
0x320: {  	(v2sf) =	vpush v8, $0xC;
	v25 =	vld [tilespmem:s12+$0x810];
	[tilespmem:s30+$0xFFFFFCC0] =	vst v26  }
0x321: {  	(v2sf) =	vpush v17, $0xF;
	v54 =	vld [tilespmem:s13+$0x1810];
	[tilespmem:s29+$0xFFFFFE20] =	vst v27  }
0x322: {  	(v2sf) =	vpush v20, $0x2;
	v55 =	vld [tilespmem:s14+$0x1410];
	[tilespmem:s25+$0xFFFFFF80] =	vst v50  }
0x323: {  	s17 =	spop (v2sf);
	(v2sf) =	vpush v15, $0x4;
	v17 =	vld [tilespmem:s15+$0x810];
	[tilespmem:s24+$0xE0] =	vst v51  }
0x324: {  	[tilespmem:s28+$0x230] =	vst v24;
	v18 =	vld [tilespmem:s16+$0x2010]  }
0x325: {  	s18 =	spop (v2sf);
	(v2sf) =	vpush v6, $0x7;
	v52 =	vld [tilespmem:s17+$0x1800];
	[tilespmem:s26+$0x390] =	vst v25  }
0x326: {  	s19 =	spop (v2sf);
	(v2sf) =	vpush v1, $0xA;
	v53 =	vld [tilespmem:s18+$0x1400];
	[tilespmem:s30+$0xFFFFFCD0] =	vst v54  }
0x327: {  	s20 =	spop (v2sf);
	v25 =	vld [tilespmem:s19+$0x2000];
	[tilespmem:s29+$0xFFFFFE30] =	vst v55  }
0x328: {  	s21 =	spop (v2sf);
	v26 =	vld [tilespmem:s20+$0x1800];
	[tilespmem:s25+$0xFFFFFF90] =	vst v17  }
0x329: {  	s22 =	spop (v2sf);
	v56 =	vld [tilespmem:s21+$0x1400];
	[tilespmem:s24+$0xF0] =	vst v18  }
0x32a: {  	[tilespmem:s28+$0x240] =	vst v52;
	v57 =	vld [tilespmem:s22+$0x800]  }
0x32b: {  	v19 =	vld [tilespmem:s17+$0x1810];
	[tilespmem:s26+$0x3A0] =	vst v53  }
0x32c: {  	(v2sf) =	vpush v11, $0xD;
	v24 =	vld [tilespmem:s18+$0x1410];
	[tilespmem:s30+$0xFFFFFCE0] =	vst v25  }
0x32d: {  	v60 =	vld [tilespmem:s19+$0x2010];
	[tilespmem:s29+$0xFFFFFE40] =	vst v26  }
0x32e: {  	(v2sf) =	vpush v16, $0xF;
	v61 =	vld [tilespmem:s20+$0x1810];
	[tilespmem:s25+$0xFFFFFFA0] =	vst v56  }
0x32f: {  	(v2sf) =	vpush v21, $0x2;
	s23 =	spop (v2sf);
	v16 =	vld [tilespmem:s21+$0x1410];
	[tilespmem:s24+$0x100] =	vst v57  }
0x330: {  	(v2sf) =	vpush v12, $0x5;
	s31 =	spop (v2sf);
	[tilespmem:s28+$0x250] =	vst v19;
	v17 =	vld [tilespmem:s22+$0x810]  }
0x331: {  	s3 =	spop (v2sf);
	v58 =	vld [tilespmem:s23+$0x2000];
	[tilespmem:s26+$0x3B0] =	vst v24  }
0x332: {  	s4 =	spop (v2sf);
	(v2sf) =	vpush v7, $0x7;
	v59 =	vld [tilespmem:s31+$0x1800];
	[tilespmem:s30+$0xFFFFFCF0] =	vst v60  }
0x333: {  	(v2sf) =	vpush v2, $0xA;
	v24 =	vld [tilespmem:s3+$0x800];
	[tilespmem:s29+$0xFFFFFE50] =	vst v61  }
0x334: {  	s5 =	spop (v2sf);
	v25 =	vld [tilespmem:s4+$0x2000];
	[tilespmem:s25+$0xFFFFFFB0] =	vst v16  }
0x335: {  	s6 =	spop (v2sf);
	v62 =	vld [tilespmem:s5+$0x1800];
	[tilespmem:s24+$0x110] =	vst v17  }
0x336: {  	[tilespmem:s28+$0x260] =	vst v58;
	v63 =	vld [tilespmem:s6+$0x1400]  }
0x337: {  	v18 =	vld [tilespmem:s23+$0x2010];
	[tilespmem:s26+$0x3C0] =	vst v59  }
0x338: {  	v19 =	vld [tilespmem:s31+$0x1810];
	[tilespmem:s30+$0xFFFFFD00] =	vst v24  }
0x339: {  	v32 =	vld [tilespmem:s3+$0x810];
	[tilespmem:s29+$0xFFFFFE60] =	vst v25  }
0x33a: {  	(v2sf) =	vpush v10, $0xD;
	v33 =	vld [tilespmem:s4+$0x2010];
	[tilespmem:s25+$0xFFFFFFC0] =	vst v62  }
0x33b: {  	s0 =	spop (v2sf);
	(v2sf) =	vpush v22, $0x2;
	v34 =	vld [tilespmem:s5+$0x1810];
	[tilespmem:s24+$0x120] =	vst v63  }
0x33c: {  	[tilespmem:s28+$0x270] =	vst v18;
	v35 =	vld [tilespmem:s6+$0x1410]  }
0x33d: {  	s31 =	spop (v2sf);
	(v2sf) =	vpush v13, $0x5;
	[tilespmem:s26+$0x3D0] =	vst v19  }
0x33e: {  	s7 =	spop (v2sf);
	(v2sf) =	vpush v4, $0x8;
	v30 =	vld [tilespmem:s0+$0x800];
	[tilespmem:s30+$0xFFFFFD10] =	vst v32  }
0x33f: {  	s8 =	spop (v2sf);
	(v2sf) =	vpush v3, $0xA;
	[tilespmem:s29+$0xFFFFFE70] =	vst v33;
	v18 =	vld [tilespmem:s7+$0x1400]  }
0x340: {  	v31 =	vld [tilespmem:s31+$0x2000];
	[tilespmem:s25+$0xFFFFFFD0] =	vst v34  }
0x341: {  	s9 =	spop (v2sf);
	v19 =	vld [tilespmem:s8+$0x800];
	[tilespmem:s24+$0x130] =	vst v35  }
0x342: {  	v24 =	vld [tilespmem:s9+$0x2000];
	s10 =	spop (v2sf)  }
0x343: {  	v36 =	vld [tilespmem:s10+$0x1800]  }
0x344: {  	[tilespmem:s30+$0xFFFFFD20] =	vst v18  }
0x345: {  	v18 =	vld [tilespmem:s7+$0x1410]  }
0x346: {  	(v2sf) =	vpush v9, $0xD;
	[tilespmem:s29+$0xFFFFFE80] =	vst v19  }
0x347: {  	(v2sf) =	vpush v23, $0x2;
	v19 =	vld [tilespmem:s8+$0x810];
	[tilespmem:s25+$0xFFFFFFE0] =	vst v24  }
0x348: {  	v24 =	vld [tilespmem:s9+$0x2010];
	[tilespmem:s24+$0x140] =	vst v36  }
0x349: {  	s2 =	spop (v2sf);
	(v2sf) =	vpush v14, $0x5;
	v25 =	vld [tilespmem:s10+$0x1810]  }
0x34a: {  	s11 =	spop (v2sf);
	(v2sf) =	vpush v5, $0x8;
	[tilespmem:s30+$0xFFFFFD30] =	vst v18  }
0x34b: {  	(v2sf) =	vpush v0, $0xB;
	v18 =	vld [tilespmem:s11+$0x1800]  }
0x34c: {  	s12 =	spop (v2sf);
	[tilespmem:s29+$0xFFFFFE90] =	vst v19  }
0x34d: {  	s13 =	spop (v2sf);
	v19 =	vld [tilespmem:s12+$0x1400];
	[tilespmem:s25+$0xFFFFFFF0] =	vst v24  }
0x34e: {  	s6 =	spop (v2sf);
	v24 =	vld [tilespmem:s13+$0x800];
	[tilespmem:s24+$0x150] =	vst v25  }
0x34f: {  	v25 =	vld [tilespmem:s6+$0x2000]  }
0x350: {  	[tilespmem:s30+$0xFFFFFD40] =	vst v18  }
0x351: {  	v18 =	vld [tilespmem:s11+$0x1810]  }
0x352: {  	(v2sf) =	vpush v8, $0xD;
	[tilespmem:s29+$0xFFFFFEA0] =	vst v19  }
0x353: {  	(v2sf) =	vpush v20, $0x3;
	v19 =	vld [tilespmem:s12+$0x1410];
	[tilespmem:s25+$0x0] =	vst v24  }
0x354: {  	v24 =	vld [tilespmem:s13+$0x810];
	[tilespmem:s24+$0x160] =	vst v25  }
0x355: {  	(v2sf) =	vpush v15, $0x5;
	s4 =	spop (v2sf);
	v25 =	vld [tilespmem:s6+$0x2010]  }
0x356: {  	(v2sf) =	vpush v6, $0x8;
	s14 =	spop (v2sf);
	[tilespmem:s30+$0xFFFFFD50] =	vst v18  }
0x357: {  	(v2sf) =	vpush v1, $0xB;
	v18 =	vld [tilespmem:s14+$0x2000]  }
0x358: {  	s15 =	spop (v2sf);
	[tilespmem:s29+$0xFFFFFEB0] =	vst v19  }
0x359: {  	s16 =	spop (v2sf);
	v19 =	vld [tilespmem:s15+$0x1800];
	[tilespmem:s25+$0x10] =	vst v24  }
0x35a: {  	s7 =	spop (v2sf);
	v24 =	vld [tilespmem:s16+$0x1400];
	[tilespmem:s24+$0x170] =	vst v25  }
0x35b: {  	v25 =	vld [tilespmem:s7+$0x800]  }
0x35c: {  	[tilespmem:s30+$0xFFFFFD60] =	vst v18  }
0x35d: {  	v18 =	vld [tilespmem:s14+$0x2010]  }
0x35e: {  	(v2sf) =	vpush v11, $0xE;
	[tilespmem:s29+$0xFFFFFEC0] =	vst v19  }
0x35f: {  	(v2sf) =	vpush v21, $0x3;
	v19 =	vld [tilespmem:s15+$0x1810];
	[tilespmem:s25+$0x20] =	vst v24  }
0x360: {  	v24 =	vld [tilespmem:s16+$0x1410];
	[tilespmem:s24+$0x180] =	vst v25  }
0x361: {  	(v2sf) =	vpush v12, $0x6;
	s5 =	spop (v2sf);
	v25 =	vld [tilespmem:s7+$0x810]  }
0x362: {  	s17 =	spop (v2sf);
	(v2sf) =	vpush v7, $0x8;
	[tilespmem:s30+$0xFFFFFD70] =	vst v18  }
0x363: {  	(v2sf) =	vpush v2, $0xB;
	v18 =	vld [tilespmem:s17+$0x800]  }
0x364: {  	s18 =	spop (v2sf);
	[tilespmem:s29+$0xFFFFFED0] =	vst v19  }
0x365: {  	s19 =	spop (v2sf);
	v19 =	vld [tilespmem:s18+$0x2000];
	[tilespmem:s25+$0x30] =	vst v24  }
0x366: {  	s20 =	spop (v2sf);
	v24 =	vld [tilespmem:s19+$0x1800];
	[tilespmem:s24+$0x190] =	vst v25  }
0x367: {  	v25 =	vld [tilespmem:s20+$0x1400]  }
0x368: {  	[tilespmem:s30+$0xFFFFFD80] =	vst v18  }
0x369: {  	v18 =	vld [tilespmem:s17+$0x810]  }
0x36a: {  	(v2sf) =	vpush v10, $0xE;
	[tilespmem:s29+$0xFFFFFEE0] =	vst v19  }
0x36b: {  	(v2sf) =	vpush v22, $0x3;
	v19 =	vld [tilespmem:s18+$0x2010];
	[tilespmem:s25+$0x40] =	vst v24  }
0x36c: {  	v24 =	vld [tilespmem:s19+$0x1810];
	[tilespmem:s24+$0x1A0] =	vst v25  }
0x36d: {  	(v2sf) =	vpush v13, $0x6;
	s3 =	spop (v2sf);
	v25 =	vld [tilespmem:s20+$0x1410]  }
0x36e: {  	(v2sf) =	vpush v4, $0x9;
	s21 =	spop (v2sf);
	[tilespmem:s30+$0xFFFFFD90] =	vst v18  }
0x36f: {  	(v2sf) =	vpush v3, $0xB;
	v18 =	vld [tilespmem:s21+$0x1400]  }
0x370: {  	s22 =	spop (v2sf);
	[tilespmem:s29+$0xFFFFFEF0] =	vst v19  }
0x371: {  	s23 =	spop (v2sf);
	v19 =	vld [tilespmem:s22+$0x800];
	[tilespmem:s25+$0x50] =	vst v24  }
0x372: {  	s8 =	spop (v2sf);
	v24 =	vld [tilespmem:s23+$0x2000];
	[tilespmem:s24+$0x1B0] =	vst v25  }
0x373: {  	v25 =	vld [tilespmem:s8+$0x1800]  }
0x374: {  	[tilespmem:s30+$0xFFFFFDA0] =	vst v18  }
0x375: {  	v18 =	vld [tilespmem:s21+$0x1410]  }
0x376: {  	(v2sf) =	vpush v9, $0xE;
	[tilespmem:s29+$0xFFFFFF00] =	vst v19  }
0x377: {  	(v2sf) =	vpush v23, $0x3;
	v19 =	vld [tilespmem:s22+$0x810];
	[tilespmem:s25+$0x60] =	vst v24  }
0x378: {  	v24 =	vld [tilespmem:s23+$0x2010];
	[tilespmem:s24+$0x1C0] =	vst v25  }
0x379: {  	(v2sf) =	vpush v14, $0x6;
	s1 =	spop (v2sf);
	v25 =	vld [tilespmem:s8+$0x1810]  }
0x37a: {  	(v2sf) =	vpush v5, $0x9;
	s8 =	spop (v2sf);
	[tilespmem:s30+$0xFFFFFDB0] =	vst v18  }
0x37b: {  	(v2sf) =	vpush v0, $0xC;
	v18 =	vld [tilespmem:s8+$0x1800]  }
0x37c: {  	s10 =	spop (v2sf);
	[tilespmem:s29+$0xFFFFFF10] =	vst v19  }
0x37d: {  	s11 =	spop (v2sf);
	v19 =	vld [tilespmem:s10+$0x1400];
	[tilespmem:s25+$0x70] =	vst v24  }
0x37e: {  	s9 =	spop (v2sf);
	v24 =	vld [tilespmem:s11+$0x800];
	[tilespmem:s24+$0x1D0] =	vst v25  }
0x37f: {  	v25 =	vld [tilespmem:s9+$0x2000]  }
0x380: {  	[tilespmem:s30+$0xFFFFFDC0] =	vst v18  }
0x381: {  	[tilespmem:s28+$0x280] =	vst v30;
	v18 =	vld [tilespmem:s8+$0x1810]  }
0x382: {  	v17 =	vld [tilespmem:s0+$0x810];
	(v2sf) =	vpush v8, $0xE;
	[tilespmem:s29+$0xFFFFFF20] =	vst v19  }
0x383: {  	(v2sf) =	vpush v20, $0x4;
	v19 =	vld [tilespmem:s10+$0x1410];
	[tilespmem:s25+$0x80] =	vst v24  }
0x384: {  	v24 =	vld [tilespmem:s11+$0x810];
	[tilespmem:s24+$0x1E0] =	vst v25  }
0x385: {  	(v2sf) =	vpush v15, $0x6;
	s0 =	spop (v2sf);
	v25 =	vld [tilespmem:s9+$0x2010]  }
0x386: {  	s12 =	spop (v2sf);
	(v2sf) =	vpush v6, $0x9;
	[tilespmem:s30+$0xFFFFFDD0] =	vst v18  }
0x387: {  	[tilespmem:s28+$0x290] =	vst v17;
	(v2sf) =	vpush v1, $0xC;
	v18 =	vld [tilespmem:s12+$0x2000]  }
0x388: {  	v17 =	vld [tilespmem:s2+$0x1400];
	s13 =	spop (v2sf);
	[tilespmem:s29+$0xFFFFFF30] =	vst v19  }
0x389: {  	s14 =	spop (v2sf);
	v19 =	vld [tilespmem:s13+$0x1800];
	[tilespmem:s25+$0x90] =	vst v24  }
0x38a: {  	s15 =	spop (v2sf);
	v24 =	vld [tilespmem:s14+$0x1400];
	[tilespmem:s24+$0x1F0] =	vst v25  }
0x38b: {  	v25 =	vld [tilespmem:s15+$0x800]  }
0x38c: {  	[tilespmem:s30+$0xFFFFFDE0] =	vst v18  }
0x38d: {  	[tilespmem:s28+$0x2A0] =	vst v17;
	v18 =	vld [tilespmem:s12+$0x2010]  }
0x38e: {  	v17 =	vld [tilespmem:s2+$0x1410];
	(v2sf) =	vpush v11, $0xF;
	[tilespmem:s29+$0xFFFFFF40] =	vst v19  }
0x38f: {  	(v2sf) =	vpush v21, $0x4;
	v37 =	vld [tilespmem:s13+$0x1810];
	[tilespmem:s25+$0xA0] =	vst v24  }
0x390: {  	v38 =	vld [tilespmem:s14+$0x1410];
	[tilespmem:s24+$0x200] =	vst v25  }
0x391: {  	(v2sf) =	vpush v12, $0x7;
	s2 =	spop (v2sf);
	v39 =	vld [tilespmem:s15+$0x810]  }
0x392: {  	(v2sf) =	vpush v7, $0x9;
	s16 =	spop (v2sf);
	[tilespmem:s30+$0xFFFFFDF0] =	vst v18  }
0x393: {  	[tilespmem:s28+$0x2B0] =	vst v17;
	(v2sf) =	vpush v2, $0xC;
	v18 =	vld [tilespmem:s16+$0x800]  }
0x394: {  	v17 =	vld [tilespmem:s4+$0x1800];
	s17 =	spop (v2sf);
	[tilespmem:s29+$0xFFFFFF50] =	vst v37  }
0x395: {  	s18 =	spop (v2sf);
	v11 =	vld [tilespmem:s17+$0x2000];
	[tilespmem:s25+$0xB0] =	vst v38  }
0x396: {  	s19 =	spop (v2sf);
	v19 =	vld [tilespmem:s18+$0x1800];
	[tilespmem:s24+$0x210] =	vst v39  }
0x397: {  	v24 =	vld [tilespmem:s19+$0x1400]  }
0x398: {  	[tilespmem:s30+$0xFFFFFE00] =	vst v18  }
0x399: {  	[tilespmem:s28+$0x2C0] =	vst v17;
	v18 =	vld [tilespmem:s16+$0x810]  }
0x39a: {  	v41 =	vld [tilespmem:s4+$0x1810];
	(v2sf) =	vpush v10, $0xF;
	[tilespmem:s29+$0xFFFFFF60] =	vst v11  }
0x39b: {  	(v2sf) =	vpush v22, $0x4;
	v40 =	vld [tilespmem:s17+$0x2010];
	[tilespmem:s25+$0xC0] =	vst v19  }
0x39c: {  	v42 =	vld [tilespmem:s18+$0x1810];
	[tilespmem:s24+$0x220] =	vst v24  }
0x39d: {  	(v2sf) =	vpush v13, $0x7;
	s4 =	spop (v2sf);
	v43 =	vld [tilespmem:s19+$0x1410]  }
0x39e: {  	(v2sf) =	vpush v4, $0xA;
	s20 =	spop (v2sf);
	[tilespmem:s30+$0xFFFFFE10] =	vst v18  }
0x39f: {  	[tilespmem:s28+$0x2D0] =	vst v41;
	(v2sf) =	vpush v3, $0xC;
	v18 =	vld [tilespmem:s20+$0x1400]  }
0x3a0: {  	s21 =	spop (v2sf);
	v11 =	vld [tilespmem:s5+$0x2000];
	[tilespmem:s29+$0xFFFFFF70] =	vst v40  }
0x3a1: {  	s22 =	spop (v2sf);
	v10 =	vld [tilespmem:s21+$0x800];
	[tilespmem:s25+$0xD0] =	vst v42  }
0x3a2: {  	s23 =	spop (v2sf);
	v17 =	vld [tilespmem:s22+$0x2000];
	[tilespmem:s24+$0x230] =	vst v43  }
0x3a3: {  	v19 =	vld [tilespmem:s23+$0x1800]  }
0x3a4: {  	[tilespmem:s30+$0xFFFFFE20] =	vst v18  }
0x3a5: {  	[tilespmem:s28+$0x2E0] =	vst v11;
	v18 =	vld [tilespmem:s20+$0x1410]  }
0x3a6: {  	(v2sf) =	vpush v9, $0xF;
	v45 =	vld [tilespmem:s5+$0x2010];
	[tilespmem:s29+$0xFFFFFF80] =	vst v10  }
0x3a7: {  	(v2sf) =	vpush v23, $0x4;
	v44 =	vld [tilespmem:s21+$0x810];
	[tilespmem:s25+$0xE0] =	vst v17  }
0x3a8: {  	v46 =	vld [tilespmem:s22+$0x2010];
	[tilespmem:s24+$0x240] =	vst v19  }
0x3a9: {  	(v2sf) =	vpush v14, $0x7;
	s5 =	spop (v2sf);
	v47 =	vld [tilespmem:s23+$0x1810]  }
0x3aa: {  	(v2sf) =	vpush v5, $0xA;
	s8 =	spop (v2sf);
	[tilespmem:s30+$0xFFFFFE30] =	vst v18  }
0x3ab: {  	(v2sf) =	vpush v0, $0xD;
	[tilespmem:s28+$0x2F0] =	vst v45;
	v18 =	vld [tilespmem:s8+$0x1800]  }
0x3ac: {  	s9 =	spop (v2sf);
	v10 =	vld [tilespmem:s3+$0x800];
	[tilespmem:s29+$0xFFFFFF90] =	vst v44  }
0x3ad: {  	s10 =	spop (v2sf);
	v9 =	vld [tilespmem:s9+$0x1400];
	[tilespmem:s25+$0xF0] =	vst v46  }
0x3ae: {  	s11 =	spop (v2sf);
	v11 =	vld [tilespmem:s10+$0x800];
	[tilespmem:s24+$0x250] =	vst v47  }
0x3af: {  	v17 =	vld [tilespmem:s11+$0x2000]  }
0x3b0: {  	[tilespmem:s30+$0xFFFFFE40] =	vst v18  }
0x3b1: {  	[tilespmem:s28+$0x300] =	vst v10;
	v18 =	vld [tilespmem:s8+$0x1810]  }
0x3b2: {  	(v2sf) =	vpush v8, $0xF;
	v49 =	vld [tilespmem:s3+$0x810];
	[tilespmem:s29+$0xFFFFFFA0] =	vst v9  }
0x3b3: {  	(v2sf) =	vpush v20, $0x5;
	v48 =	vld [tilespmem:s9+$0x1410];
	[tilespmem:s25+$0x100] =	vst v11  }
0x3b4: {  	v50 =	vld [tilespmem:s10+$0x810];
	[tilespmem:s24+$0x260] =	vst v17  }
0x3b5: {  	(v2sf) =	vpush v15, $0x7;
	s3 =	spop (v2sf);
	v51 =	vld [tilespmem:s11+$0x2010]  }
0x3b6: {  	(v2sf) =	vpush v6, $0xA;
	s12 =	spop (v2sf);
	[tilespmem:s30+$0xFFFFFE50] =	vst v18  }
0x3b7: {  	(v2sf) =	vpush v1, $0xD;
	[tilespmem:s28+$0x310] =	vst v49;
	v52 =	vld [tilespmem:s12+$0x2000]  }
0x3b8: {  	s13 =	spop (v2sf);
	v9 =	vld [tilespmem:s1+$0x1400];
	[tilespmem:s29+$0xFFFFFFB0] =	vst v48  }
0x3b9: {  	s14 =	spop (v2sf);
	v8 =	vld [tilespmem:s13+$0x1800];
	[tilespmem:s25+$0x110] =	vst v50  }
0x3ba: {  	s15 =	spop (v2sf);
	v10 =	vld [tilespmem:s14+$0x1400];
	[tilespmem:s24+$0x270] =	vst v51  }
0x3bb: {  	v11 =	vld [tilespmem:s15+$0x800]  }
0x3bc: {  	[tilespmem:s30+$0xFFFFFE60] =	vst v52  }
0x3bd: {  	[tilespmem:s28+$0x320] =	vst v9;
	v17 =	vld [tilespmem:s12+$0x2010]  }
0x3be: {  	v9 =	vld [tilespmem:s1+$0x1410];
	[tilespmem:s29+$0xFFFFFFC0] =	vst v8  }
0x3bf: {  	(v2sf) =	vpush v21, $0x5;
	v8 =	vld [tilespmem:s13+$0x1810];
	[tilespmem:s25+$0x120] =	vst v10  }
0x3c0: {  	v10 =	vld [tilespmem:s14+$0x1410];
	[tilespmem:s24+$0x280] =	vst v11  }
0x3c1: {  	(v2sf) =	vpush v12, $0x8;
	s1 =	spop (v2sf);
	v11 =	vld [tilespmem:s15+$0x810]  }
0x3c2: {  	(v2sf) =	vpush v7, $0xA;
	s16 =	spop (v2sf);
	[tilespmem:s30+$0xFFFFFE70] =	vst v17  }
0x3c3: {  	(v2sf) =	vpush v2, $0xD;
	[tilespmem:s28+$0x330] =	vst v9;
	v53 =	vld [tilespmem:s16+$0x800]  }
0x3c4: {  	s17 =	spop (v2sf);
	v9 =	vld [tilespmem:s0+$0x1800];
	[tilespmem:s29+$0xFFFFFFD0] =	vst v8  }
0x3c5: {  	s18 =	spop (v2sf);
	v54 =	vld [tilespmem:s17+$0x2000];
	[tilespmem:s25+$0x130] =	vst v10  }
0x3c6: {  	s19 =	spop (v2sf);
	[tilespmem:s24+$0x290] =	vst v11;
	v10 =	vld [tilespmem:s18+$0x1800]  }
0x3c7: {  	v11 =	vld [tilespmem:s19+$0x1400]  }
0x3c8: {  	[tilespmem:s30+$0xFFFFFE80] =	vst v53  }
0x3c9: {  	[tilespmem:s28+$0x340] =	vst v9;
	v8 =	vld [tilespmem:s16+$0x810]  }
0x3ca: {  	v9 =	vld [tilespmem:s0+$0x1810];
	[tilespmem:s29+$0xFFFFFFE0] =	vst v54  }
0x3cb: {  	(v2sf) =	vpush v22, $0x5;
	v17 =	vld [tilespmem:s17+$0x2010];
	[tilespmem:s25+$0x140] =	vst v10  }
0x3cc: {  	(v2sf) =	vpush v13, $0x8;
	v10 =	vld [tilespmem:s18+$0x1810];
	[tilespmem:s24+$0x2A0] =	vst v11  }
0x3cd: {  	v11 =	vld [tilespmem:s19+$0x1410]  }
0x3ce: {  	s20 =	spop (v2sf);
	(v2sf) =	vpush v4, $0xB;
	[tilespmem:s30+$0xFFFFFE90] =	vst v8  }
0x3cf: {  	(v2sf) =	vpush v3, $0xD;
	[tilespmem:s28+$0x350] =	vst v9;
	v8 =	vld [tilespmem:s20+$0x1400]  }
0x3d0: {  	s21 =	spop (v2sf);
	v9 =	vld [tilespmem:s2+$0x2000];
	[tilespmem:s29+$0xFFFFFFF0] =	vst v17  }
0x3d1: {  	s22 =	spop (v2sf);
	v17 =	vld [tilespmem:s21+$0x800];
	[tilespmem:s25+$0x150] =	vst v10  }
0x3d2: {  	s23 =	spop (v2sf);
	v10 =	vld [tilespmem:s22+$0x2000];
	[tilespmem:s24+$0x2B0] =	vst v11  }
0x3d3: {  	v11 =	vld [tilespmem:s23+$0x1800]  }
0x3d4: {  	[tilespmem:s30+$0xFFFFFEA0] =	vst v8  }
0x3d5: {  	[tilespmem:s28+$0x360] =	vst v9;
	v8 =	vld [tilespmem:s20+$0x1410]  }
0x3d6: {  	v9 =	vld [tilespmem:s2+$0x2010];
	[tilespmem:s29+$0x0] =	vst v17  }
0x3d7: {  	(v2sf) =	vpush v23, $0x5;
	v17 =	vld [tilespmem:s21+$0x810];
	[tilespmem:s25+$0x160] =	vst v10  }
0x3d8: {  	(v2sf) =	vpush v14, $0x8;
	v10 =	vld [tilespmem:s22+$0x2010];
	[tilespmem:s24+$0x2C0] =	vst v11  }
0x3d9: {  	v11 =	vld [tilespmem:s23+$0x1810]  }
0x3da: {  	s6 =	spop (v2sf);
	(v2sf) =	vpush v5, $0xB;
	[tilespmem:s30+$0xFFFFFEB0] =	vst v8  }
0x3db: {  	s7 =	spop (v2sf);
	(v2sf) =	vpush v0, $0xE;
	[tilespmem:s28+$0x370] =	vst v9;
	v8 =	vld [tilespmem:s6+$0x1800]  }
0x3dc: {  	v9 =	vld [tilespmem:s4+$0x800];
	[tilespmem:s29+$0x10] =	vst v17  }
0x3dd: {  	s8 =	spop (v2sf);
	v17 =	vld [tilespmem:s7+$0x1400];
	[tilespmem:s25+$0x170] =	vst v10  }
0x3de: {  	s9 =	spop (v2sf);
	v10 =	vld [tilespmem:s8+$0x800];
	[tilespmem:s24+$0x2D0] =	vst v11  }
0x3df: {  	v11 =	vld [tilespmem:s9+$0x2000]  }
0x3e0: {  	[tilespmem:s30+$0xFFFFFEC0] =	vst v8  }
0x3e1: {  	[tilespmem:s28+$0x380] =	vst v9;
	v8 =	vld [tilespmem:s6+$0x1810]  }
0x3e2: {  	v9 =	vld [tilespmem:s4+$0x810];
	[tilespmem:s29+$0x20] =	vst v17  }
0x3e3: {  	(v2sf) =	vpush v20, $0x6;
	v17 =	vld [tilespmem:s7+$0x1410];
	[tilespmem:s25+$0x180] =	vst v10  }
0x3e4: {  	(v2sf) =	vpush v15, $0x8;
	v10 =	vld [tilespmem:s8+$0x810];
	[tilespmem:s24+$0x2E0] =	vst v11  }
0x3e5: {  	v11 =	vld [tilespmem:s9+$0x2010]  }
0x3e6: {  	s10 =	spop (v2sf);
	(v2sf) =	vpush v6, $0xB;
	[tilespmem:s30+$0xFFFFFED0] =	vst v8  }
0x3e7: {  	s11 =	spop (v2sf);
	(v2sf) =	vpush v1, $0xE;
	[tilespmem:s28+$0x390] =	vst v9;
	v8 =	vld [tilespmem:s10+$0x2000]  }
0x3e8: {  	v9 =	vld [tilespmem:s5+$0x1400];
	[tilespmem:s29+$0x30] =	vst v17  }
0x3e9: {  	s12 =	spop (v2sf);
	v17 =	vld [tilespmem:s11+$0x1800];
	[tilespmem:s25+$0x190] =	vst v10  }
0x3ea: {  	s13 =	spop (v2sf);
	v10 =	vld [tilespmem:s12+$0x1400];
	[tilespmem:s24+$0x2F0] =	vst v11  }
0x3eb: {  	v11 =	vld [tilespmem:s13+$0x800]  }
0x3ec: {  	[tilespmem:s30+$0xFFFFFEE0] =	vst v8  }
0x3ed: {  	[tilespmem:s28+$0x3A0] =	vst v9;
	v8 =	vld [tilespmem:s10+$0x2010]  }
0x3ee: {  	v9 =	vld [tilespmem:s5+$0x1410];
	[tilespmem:s29+$0x40] =	vst v17  }
0x3ef: {  	(v2sf) =	vpush v21, $0x6;
	v17 =	vld [tilespmem:s11+$0x1810];
	[tilespmem:s25+$0x1A0] =	vst v10  }
0x3f0: {  	(v2sf) =	vpush v12, $0x9;
	v10 =	vld [tilespmem:s12+$0x1410];
	[tilespmem:s24+$0x300] =	vst v11  }
0x3f1: {  	v11 =	vld [tilespmem:s13+$0x810]  }
0x3f2: {  	s14 =	spop (v2sf);
	(v2sf) =	vpush v7, $0xB;
	[tilespmem:s30+$0xFFFFFEF0] =	vst v8  }
0x3f3: {  	s15 =	spop (v2sf);
	(v2sf) =	vpush v2, $0xE;
	[tilespmem:s28+$0x3B0] =	vst v9;
	v8 =	vld [tilespmem:s14+$0x800]  }
0x3f4: {  	v9 =	vld [tilespmem:s3+$0x1800];
	[tilespmem:s29+$0x50] =	vst v17  }
0x3f5: {  	s16 =	spop (v2sf);
	v17 =	vld [tilespmem:s15+$0x2000];
	[tilespmem:s25+$0x1B0] =	vst v10  }
0x3f6: {  	s17 =	spop (v2sf);
	v10 =	vld [tilespmem:s16+$0x1800];
	[tilespmem:s24+$0x310] =	vst v11  }
0x3f7: {  	v11 =	vld [tilespmem:s17+$0x1400]  }
0x3f8: {  	[tilespmem:s30+$0xFFFFFF00] =	vst v8  }
0x3f9: {  	[tilespmem:s28+$0x3C0] =	vst v9;
	v8 =	vld [tilespmem:s14+$0x810]  }
0x3fa: {  	v9 =	vld [tilespmem:s3+$0x1810];
	[tilespmem:s29+$0x60] =	vst v17  }
0x3fb: {  	(v2sf) =	vpush v22, $0x6;
	v17 =	vld [tilespmem:s15+$0x2010];
	[tilespmem:s25+$0x1C0] =	vst v10  }
0x3fc: {  	v10 =	vld [tilespmem:s16+$0x1810];
	[tilespmem:s24+$0x320] =	vst v11  }
0x3fd: {  	(v2sf) =	vpush v13, $0x9;
	v11 =	vld [tilespmem:s17+$0x1410]  }
0x3fe: {  	s18 =	spop (v2sf);
	(v2sf) =	vpush v4, $0xC;
	[tilespmem:s30+$0xFFFFFF10] =	vst v8  }
0x3ff: {  	s19 =	spop (v2sf);
	(v2sf) =	vpush v3, $0xE;
	[tilespmem:s28+$0x3D0] =	vst v9;
	v8 =	vld [tilespmem:s18+$0x1400]  }
0x400: {  	v9 =	vld [tilespmem:s1+$0x2000];
	[tilespmem:s29+$0x70] =	vst v17  }
0x401: {  	s20 =	spop (v2sf);
	v17 =	vld [tilespmem:s19+$0x800];
	[tilespmem:s25+$0x1D0] =	vst v10  }
0x402: {  	s21 =	spop (v2sf);
	v10 =	vld [tilespmem:s20+$0x2000];
	[tilespmem:s24+$0x330] =	vst v11  }
0x403: {  	[tilespmem:s26+$0x3E0] =	vst v31;
	v11 =	vld [tilespmem:s21+$0x1800]  }
0x404: {  	v56 =	vld [tilespmem:s31+$0x2010];
	[tilespmem:s30+$0xFFFFFF20] =	vst v8  }
0x405: {  	[tilespmem:s28+$0x3E0] =	vst v9;
	v8 =	vld [tilespmem:s18+$0x1410]  }
0x406: {  	v9 =	vld [tilespmem:s1+$0x2010];
	[tilespmem:s29+$0x80] =	vst v17  }
0x407: {  	(v2sf) =	vpush v23, $0x6;
	v55 =	vld [tilespmem:s19+$0x810];
	[tilespmem:s25+$0x1E0] =	vst v10  }
0x408: {  	v10 =	vld [tilespmem:s20+$0x2010];
	[tilespmem:s24+$0x340] =	vst v11  }
0x409: {  	[tilespmem:s26+$0x3F0] =	vst v56;
	v11 =	vld [tilespmem:s21+$0x1810]  }
0x40a: {  	s22 =	spop (v2sf);
	[tilespmem:s30+$0xFFFFFF30] =	vst v8  }
0x40b: {  	[tilespmem:s28+$0x3F0] =	vst v9;
	v18 =	vld [tilespmem:s22+$0x1800]  }
0x40c: {  	s23 =	spop (v2sf);
	[tilespmem:s29+$0x90] =	vst v55  }
0x40d: {  	s12 =	spop (v2sf);
	[tilespmem:s25+$0x1F0] =	vst v10  }
0x40e: {  	s31 =	spop (v2sf);
	v16 =	vld [tilespmem:s23+$0x1400];
	[tilespmem:s24+$0x350] =	vst v11  }
0x40f: {  	(v2sf) =	vpush v14, $0x9;
	v57 =	vld [tilespmem:s12+$0x800];
	[dreg:$0x13] =	wrdreg s31  }
0x410: {  	(v2sf) =	vpush v5, $0xC;
	[tilespmem:s30+$0xFFFFFF40] =	vst v18  }
0x411: {  	(v2sf) =	vpush v0, $0xF;
	v59 =	vld [tilespmem:s22+$0x1810];
	_ =	sdelay $0x1  }
0x412: {  	(v2sf) =	vpush v20, $0x7;
	_ =	sdelay $0x2  }
0x413: {  	s3 =	spop (v2sf);
	[tilespmem:s30+$0xFFFFFF50] =	vst v59  }
0x414: {  	v0 =	vld [tilespmem:s3+$0x2000];
	_ =	sdelay $0x3  }
0x415: {  	(v2sf) =	vpush v15, $0x9  }
0x416: {  	(v2sf) =	vpush v6, $0xC;
	[tilespmem:s30+$0xFFFFFF60] =	vst v0  }
0x417: {  	(v2sf) =	vpush v1, $0xF;
	v0 =	vld [tilespmem:s3+$0x2010]  }
0x418: {  	s1 =	spop (v2sf)  }
0x419: {  	(v2sf) =	vpush v21, $0x7;
	s10 =	spop (v2sf)  }
0x41a: {  	s4 =	spop (v2sf);
	v58 =	vld [tilespmem:s31+$0x2000];
	[tilespmem:s29+$0xA0] =	vst v16  }
0x41b: {  	v60 =	vld [tilespmem:s23+$0x1410];
	[dreg:$0x15] =	wrdreg s4  }
0x41c: {  	s0 =	spop (v2sf);
	[tilespmem:s30+$0xFFFFFF70] =	vst v0  }
0x41d: {  	v0 =	vld [tilespmem:s0+$0x800];
	_ =	sdelay $0x3  }
0x41e: {  	(v2sf) =	vpush v12, $0xA  }
0x41f: {  	(v2sf) =	vpush v7, $0xC;
	[tilespmem:s30+$0xFFFFFF80] =	vst v0  }
0x420: {  	(v2sf) =	vpush v2, $0xF;
	v0 =	vld [tilespmem:s0+$0x810]  }
0x421: {  	s2 =	spop (v2sf)  }
0x422: {  	s9 =	spop (v2sf);
	(v2sf) =	vpush v22, $0x7  }
0x423: {  	s5 =	spop (v2sf)  }
0x424: {  	[dreg:$0x14] =	wrdreg s5  }
0x425: {  	s6 =	spop (v2sf);
	[tilespmem:s30+$0xFFFFFF90] =	vst v0  }
0x426: {  	v0 =	vld [tilespmem:s6+$0x1400];
	_ =	sdelay $0x3  }
0x427: {  	(v2sf) =	vpush v13, $0xA  }
0x428: {  	(v2sf) =	vpush v4, $0xD;
	[tilespmem:s30+$0xFFFFFFA0] =	vst v0  }
0x429: {  	(v2sf) =	vpush v3, $0xF;
	v0 =	vld [tilespmem:s6+$0x1410]  }
0x42a: {  	s8 =	spop (v2sf)  }
0x42b: {  	(v2sf) =	vpush v23, $0x7;
	s13 =	spop (v2sf)  }
0x42c: {  	s7 =	spop (v2sf)  }
0x42d: {  	[dreg:$0x12] =	wrdreg s7  }
0x42e: {  	s11 =	spop (v2sf);
	[tilespmem:s30+$0xFFFFFFB0] =	vst v0  }
0x42f: {  	v0 =	vld [tilespmem:s11+$0x1800];
	_ =	sdelay $0x4  }
0x430: {  	[tilespmem:s30+$0xFFFFFFC0] =	vst v0  }
0x431: {  	(v2sf) =	vpush v14, $0xA;
	v0 =	vld [tilespmem:s11+$0x1810]  }
0x432: {  	(v2sf) =	vpush v5, $0xD;
	s3 =	spop (v2sf)  }
0x433: {  	(v2sf) =	vpush v20, $0x8;
	s21 =	spop (v2sf)  }
0x434: {  	s14 =	spop (v2sf)  }
0x435: {  	[dreg:$0x11] =	wrdreg s14  }
0x436: {  	s15 =	spop (v2sf);
	[tilespmem:s30+$0xFFFFFFD0] =	vst v0  }
0x437: {  	v0 =	vld [tilespmem:s15+$0x2000];
	_ =	sdelay $0x4  }
0x438: {  	[tilespmem:s30+$0xFFFFFFE0] =	vst v0  }
0x439: {  	(v2sf) =	vpush v15, $0xA;
	v0 =	vld [tilespmem:s15+$0x2010]  }
0x43a: {  	(v2sf) =	vpush v6, $0xD  }
0x43b: {  	(v2sf) =	vpush v21, $0x8  }
0x43c: {  	s4 =	spop (v2sf)  }
0x43d: {  	s19 =	spop (v2sf)  }
0x43e: {  	s16 =	spop (v2sf);
	[tilespmem:s30+$0xFFFFFFF0] =	vst v0  }
0x43f: {  	v0 =	vld [tilespmem:s16+$0x800];
	_ =	sdelay $0x4  }
0x440: {  	[tilespmem:s30+$0x0] =	vst v0  }
0x441: {  	(v2sf) =	vpush v12, $0xB;
	v0 =	vld [tilespmem:s16+$0x810]  }
0x442: {  	(v2sf) =	vpush v7, $0xD  }
0x443: {  	(v2sf) =	vpush v22, $0x8  }
0x444: {  	s20 =	spop (v2sf)  }
0x445: {  	s18 =	spop (v2sf)  }
0x446: {  	s17 =	spop (v2sf);
	[tilespmem:s30+$0x10] =	vst v0  }
0x447: {  	v0 =	vld [tilespmem:s17+$0x1400];
	_ =	sdelay $0x4  }
0x448: {  	[tilespmem:s30+$0x20] =	vst v0  }
0x449: {  	(v2sf) =	vpush v13, $0xB;
	v0 =	vld [tilespmem:s17+$0x1410]  }
0x44a: {  	(v2sf) =	vpush v4, $0xE  }
0x44b: {  	(v2sf) =	vpush v23, $0x8  }
0x44c: {  	s23 =	spop (v2sf)  }
0x44d: {  	s17 =	spop (v2sf)  }
0x44e: {  	s22 =	spop (v2sf);
	[tilespmem:s30+$0x30] =	vst v0  }
0x44f: {  	v0 =	vld [tilespmem:s22+$0x1800];
	_ =	sdelay $0x4  }
0x450: {  	[tilespmem:s30+$0x40] =	vst v0  }
0x451: {  	(v2sf) =	vpush v14, $0xB;
	v0 =	vld [tilespmem:s22+$0x1810]  }
0x452: {  	(v2sf) =	vpush v5, $0xE  }
0x453: {  	(v2sf) =	vpush v20, $0x9  }
0x454: {  	s6 =	spop (v2sf)  }
0x455: {  	s16 =	spop (v2sf)  }
0x456: {  	s26 =	spop (v2sf);
	[tilespmem:s30+$0x50] =	vst v0  }
0x457: {  	v0 =	vld [tilespmem:s26+$0x2000];
	_ =	sdelay $0x4  }
0x458: {  	[tilespmem:s30+$0x60] =	vst v0  }
0x459: {  	(v2sf) =	vpush v15, $0xB;
	v0 =	vld [tilespmem:s26+$0x2010]  }
0x45a: {  	(v2sf) =	vpush v6, $0xE  }
0x45b: {  	(v2sf) =	vpush v21, $0x9  }
0x45c: {  	s22 =	spop (v2sf)  }
0x45d: {  	s15 =	spop (v2sf)  }
0x45e: {  	s28 =	spop (v2sf);
	[tilespmem:s30+$0x70] =	vst v0  }
0x45f: {  	v0 =	vld [tilespmem:s28+$0x800];
	_ =	sdelay $0x3  }
0x460: {  	(v2sf) =	vpush v12, $0xC  }
0x461: {  	(v2sf) =	vpush v7, $0xE;
	[tilespmem:s30+$0x80] =	vst v0  }
0x462: {  	v0 =	vld [tilespmem:s28+$0x810];
	_ =	sdelay $0x1  }
0x463: {  	(v2sf) =	vpush v22, $0x9  }
0x464: {  	s11 =	spop (v2sf)  }
0x465: {  	s14 =	spop (v2sf)  }
0x466: {  	s31 =	spop (v2sf);
	[tilespmem:s30+$0x90] =	vst v0  }
0x467: {  	v0 =	vld [tilespmem:s31+$0x1400];
	_ =	sdelay $0x4  }
0x468: {  	[tilespmem:s30+$0xA0] =	vst v0  }
0x469: {  	(v2sf) =	vpush v13, $0xC;
	v0 =	vld [tilespmem:s31+$0x1410]  }
0x46a: {  	(v2sf) =	vpush v4, $0xF;
	s7 =	spop (v2sf)  }
0x46b: {  	[tilespmem:s29+$0xB0] =	vst v60;
	(v2sf) =	vpush v23, $0x9;
	s5 =	spop (v2sf)  }
0x46c: {  	[dreg:$0x16] =	wrdreg s5  }
0x46d: {  	v61 =	vld [tilespmem:s1+$0x1800]  }
0x46e: {  	s26 =	spop (v2sf);
	[tilespmem:s30+$0xB0] =	vst v0  }
0x46f: {  	v0 =	vld [tilespmem:s26+$0x1800];
	_ =	sdelay $0x2  }
0x470: {  	[tilespmem:s29+$0xC0] =	vst v61  }
0x471: {  	v1 =	vld [tilespmem:s1+$0x1810]  }
0x472: {  	[tilespmem:s30+$0xC0] =	vst v0  }
0x473: {  	(v2sf) =	vpush v14, $0xC;
	v0 =	vld [tilespmem:s26+$0x1810]  }
0x474: {  	(v2sf) =	vpush v5, $0xF  }
0x475: {  	(v2sf) =	vpush v20, $0xA  }
0x476: {  	s1 =	spop (v2sf);
	[tilespmem:s29+$0xD0] =	vst v1  }
0x477: {  	s5 =	spop (v2sf);
	v1 =	vld [tilespmem:s2+$0x2000]  }
0x478: {  	s28 =	spop (v2sf);
	[tilespmem:s30+$0xD0] =	vst v0  }
0x479: {  	v0 =	vld [tilespmem:s28+$0x2000];
	_ =	sdelay $0x2  }
0x47a: {  	[tilespmem:s29+$0xE0] =	vst v1  }
0x47b: {  	v1 =	vld [tilespmem:s2+$0x2010]  }
0x47c: {  	[tilespmem:s30+$0xE0] =	vst v0  }
0x47d: {  	(v2sf) =	vpush v15, $0xC;
	v0 =	vld [tilespmem:s28+$0x2010]  }
0x47e: {  	(v2sf) =	vpush v6, $0xF  }
0x47f: {  	(v2sf) =	vpush v21, $0xA  }
0x480: {  	s2 =	spop (v2sf);
	[tilespmem:s29+$0xF0] =	vst v1  }
0x481: {  	s26 =	spop (v2sf);
	v1 =	vld [tilespmem:s8+$0x800]  }
0x482: {  	s31 =	spop (v2sf);
	[tilespmem:s30+$0xF0] =	vst v0  }
0x483: {  	v0 =	vld [tilespmem:s31+$0x800];
	_ =	sdelay $0x2  }
0x484: {  	[tilespmem:s29+$0x100] =	vst v1  }
0x485: {  	v1 =	vld [tilespmem:s8+$0x810]  }
0x486: {  	[tilespmem:s30+$0x100] =	vst v0  }
0x487: {  	(v2sf) =	vpush v12, $0xD;
	v0 =	vld [tilespmem:s31+$0x810]  }
0x488: {  	(v2sf) =	vpush v7, $0xF  }
0x489: {  	(v2sf) =	vpush v22, $0xA  }
0x48a: {  	s8 =	spop (v2sf);
	[tilespmem:s29+$0x110] =	vst v1  }
0x48b: {  	s28 =	spop (v2sf);
	v1 =	vld [tilespmem:s3+$0x1400]  }
0x48c: {  	s0 =	spop (v2sf);
	[tilespmem:s30+$0x110] =	vst v0  }
0x48d: {  	v0 =	vld [tilespmem:s0+$0x1400];
	_ =	sdelay $0x2  }
0x48e: {  	[tilespmem:s29+$0x120] =	vst v1  }
0x48f: {  	v1 =	vld [tilespmem:s3+$0x1410]  }
0x490: {  	[tilespmem:s30+$0x120] =	vst v0  }
0x491: {  	v0 =	vld [tilespmem:s0+$0x1410]  }
0x492: {  	(v2sf) =	vpush v13, $0xD  }
0x493: {  	(v2sf) =	vpush v23, $0xA  }
0x494: {  	s3 =	spop (v2sf);
	[tilespmem:s29+$0x130] =	vst v1  }
0x495: {  	s31 =	spop (v2sf);
	v1 =	vld [tilespmem:s4+$0x1800]  }
0x496: {  	s0 =	spop (v2sf);
	[tilespmem:s30+$0x130] =	vst v0  }
0x497: {  	v0 =	vld [tilespmem:s0+$0x1800];
	_ =	sdelay $0x2  }
0x498: {  	[tilespmem:s29+$0x140] =	vst v1  }
0x499: {  	v1 =	vld [tilespmem:s4+$0x1810]  }
0x49a: {  	[tilespmem:s30+$0x140] =	vst v0  }
0x49b: {  	v0 =	vld [tilespmem:s0+$0x1810]  }
0x49c: {  	(v2sf) =	vpush v14, $0xD  }
0x49d: {  	(v2sf) =	vpush v20, $0xB  }
0x49e: {  	[tilespmem:s29+$0x150] =	vst v1  }
0x49f: {  	s4 =	spop (v2sf);
	v1 =	vld [tilespmem:s20+$0x2000]  }
0x4a0: {  	s0 =	spop (v2sf);
	[tilespmem:s30+$0x150] =	vst v0  }
0x4a1: {  	v0 =	vld [tilespmem:s0+$0x2000];
	_ =	sdelay $0x2  }
0x4a2: {  	[tilespmem:s29+$0x160] =	vst v1  }
0x4a3: {  	v1 =	vld [tilespmem:s20+$0x2010]  }
0x4a4: {  	[tilespmem:s30+$0x160] =	vst v0  }
0x4a5: {  	v0 =	vld [tilespmem:s0+$0x2010]  }
0x4a6: {  	(v2sf) =	vpush v15, $0xD  }
0x4a7: {  	(v2sf) =	vpush v21, $0xB  }
0x4a8: {  	[tilespmem:s29+$0x170] =	vst v1  }
0x4a9: {  	s20 =	spop (v2sf);
	v1 =	vld [tilespmem:s23+$0x800]  }
0x4aa: {  	s0 =	spop (v2sf);
	[tilespmem:s30+$0x170] =	vst v0  }
0x4ab: {  	v0 =	vld [tilespmem:s0+$0x800];
	_ =	sdelay $0x2  }
0x4ac: {  	[tilespmem:s29+$0x180] =	vst v1  }
0x4ad: {  	v1 =	vld [tilespmem:s23+$0x810]  }
0x4ae: {  	[tilespmem:s30+$0x180] =	vst v0  }
0x4af: {  	v0 =	vld [tilespmem:s0+$0x810]  }
0x4b0: {  	(v2sf) =	vpush v12, $0xE  }
0x4b1: {  	(v2sf) =	vpush v22, $0xB  }
0x4b2: {  	[tilespmem:s29+$0x190] =	vst v1  }
0x4b3: {  	s23 =	spop (v2sf);
	v1 =	vld [tilespmem:s6+$0x1400]  }
0x4b4: {  	s0 =	spop (v2sf);
	[tilespmem:s30+$0x190] =	vst v0  }
0x4b5: {  	v0 =	vld [tilespmem:s0+$0x1400];
	_ =	sdelay $0x2  }
0x4b6: {  	[tilespmem:s29+$0x1A0] =	vst v1  }
0x4b7: {  	v1 =	vld [tilespmem:s6+$0x1410]  }
0x4b8: {  	[tilespmem:s30+$0x1A0] =	vst v0  }
0x4b9: {  	v0 =	vld [tilespmem:s0+$0x1410]  }
0x4ba: {  	(v2sf) =	vpush v13, $0xE  }
0x4bb: {  	(v2sf) =	vpush v23, $0xB  }
0x4bc: {  	[tilespmem:s29+$0x1B0] =	vst v1  }
0x4bd: {  	s6 =	spop (v2sf);
	v1 =	vld [tilespmem:s22+$0x1800]  }
0x4be: {  	s0 =	spop (v2sf);
	[tilespmem:s30+$0x1B0] =	vst v0  }
0x4bf: {  	v0 =	vld [tilespmem:s0+$0x1800];
	_ =	sdelay $0x2  }
0x4c0: {  	[tilespmem:s29+$0x1C0] =	vst v1  }
0x4c1: {  	v1 =	vld [tilespmem:s22+$0x1810]  }
0x4c2: {  	[tilespmem:s30+$0x1C0] =	vst v0  }
0x4c3: {  	v0 =	vld [tilespmem:s0+$0x1810]  }
0x4c4: {  	(v2sf) =	vpush v14, $0xE  }
0x4c5: {  	(v2sf) =	vpush v20, $0xC  }
0x4c6: {  	[tilespmem:s29+$0x1D0] =	vst v1  }
0x4c7: {  	s22 =	spop (v2sf);
	v1 =	vld [tilespmem:s11+$0x2000]  }
0x4c8: {  	s0 =	spop (v2sf);
	[tilespmem:s30+$0x1D0] =	vst v0  }
0x4c9: {  	v0 =	vld [tilespmem:s0+$0x2000];
	_ =	sdelay $0x2  }
0x4ca: {  	[tilespmem:s29+$0x1E0] =	vst v1  }
0x4cb: {  	v1 =	vld [tilespmem:s11+$0x2010]  }
0x4cc: {  	[tilespmem:s30+$0x1E0] =	vst v0  }
0x4cd: {  	v0 =	vld [tilespmem:s0+$0x2010]  }
0x4ce: {  	(v2sf) =	vpush v15, $0xE  }
0x4cf: {  	(v2sf) =	vpush v21, $0xC  }
0x4d0: {  	[tilespmem:s29+$0x1F0] =	vst v1  }
0x4d1: {  	s11 =	spop (v2sf);
	v1 =	vld [tilespmem:s7+$0x800]  }
0x4d2: {  	s0 =	spop (v2sf);
	[tilespmem:s30+$0x1F0] =	vst v0  }
0x4d3: {  	v0 =	vld [tilespmem:s0+$0x800];
	_ =	sdelay $0x1  }
0x4d4: {  	[tilespmem:s25+$0x200] =	vst v57  }
0x4d5: {  	v62 =	vld [tilespmem:s12+$0x810];
	[tilespmem:s29+$0x200] =	vst v1  }
0x4d6: {  	v1 =	vld [tilespmem:s7+$0x810]  }
0x4d7: {  	[tilespmem:s30+$0x200] =	vst v0  }
0x4d8: {  	v0 =	vld [tilespmem:s0+$0x810]  }
0x4d9: {  	(v2sf) =	vpush v12, $0xF  }
0x4da: {  	[tilespmem:s25+$0x210] =	vst v62;
	(v2sf) =	vpush v22, $0xC  }
0x4db: {  	v2 =	vld [tilespmem:s10+$0x1400];
	[tilespmem:s29+$0x210] =	vst v1  }
0x4dc: {  	s12 =	spop (v2sf);
	v1 =	vld [tilespmem:s1+$0x1400]  }
0x4dd: {  	s7 =	spop (v2sf);
	[tilespmem:s30+$0x210] =	vst v0  }
0x4de: {  	v0 =	vld [tilespmem:s7+$0x1400];
	_ =	sdelay $0x1  }
0x4df: {  	[tilespmem:s25+$0x220] =	vst v2  }
0x4e0: {  	v2 =	vld [tilespmem:s10+$0x1410];
	[tilespmem:s29+$0x220] =	vst v1  }
0x4e1: {  	v1 =	vld [tilespmem:s1+$0x1410]  }
0x4e2: {  	[tilespmem:s30+$0x220] =	vst v0  }
0x4e3: {  	v0 =	vld [tilespmem:s7+$0x1410]  }
0x4e4: {  	(v2sf) =	vpush v13, $0xF  }
0x4e5: {  	[tilespmem:s25+$0x230] =	vst v2;
	(v2sf) =	vpush v23, $0xC  }
0x4e6: {  	v2 =	vld [tilespmem:s9+$0x1800];
	[tilespmem:s29+$0x230] =	vst v1  }
0x4e7: {  	s10 =	spop (v2sf);
	v1 =	vld [tilespmem:s2+$0x1800]  }
0x4e8: {  	s1 =	spop (v2sf);
	[tilespmem:s30+$0x230] =	vst v0  }
0x4e9: {  	v0 =	vld [tilespmem:s1+$0x1800];
	_ =	sdelay $0x1  }
0x4ea: {  	[tilespmem:s25+$0x240] =	vst v2  }
0x4eb: {  	v2 =	vld [tilespmem:s9+$0x1810];
	[tilespmem:s29+$0x240] =	vst v1  }
0x4ec: {  	v1 =	vld [tilespmem:s2+$0x1810]  }
0x4ed: {  	[tilespmem:s30+$0x240] =	vst v0  }
0x4ee: {  	v0 =	vld [tilespmem:s1+$0x1810]  }
0x4ef: {  	(v2sf) =	vpush v14, $0xF  }
0x4f0: {  	[tilespmem:s25+$0x250] =	vst v2;
	(v2sf) =	vpush v20, $0xD  }
0x4f1: {  	v2 =	vld [tilespmem:s13+$0x2000];
	[tilespmem:s29+$0x250] =	vst v1  }
0x4f2: {  	s9 =	spop (v2sf);
	v1 =	vld [tilespmem:s8+$0x2000]  }
0x4f3: {  	s7 =	spop (v2sf);
	[tilespmem:s30+$0x250] =	vst v0  }
0x4f4: {  	v0 =	vld [tilespmem:s7+$0x2000];
	_ =	sdelay $0x1  }
0x4f5: {  	[tilespmem:s25+$0x260] =	vst v2  }
0x4f6: {  	v2 =	vld [tilespmem:s13+$0x2010];
	[tilespmem:s29+$0x260] =	vst v1  }
0x4f7: {  	v1 =	vld [tilespmem:s8+$0x2010]  }
0x4f8: {  	[tilespmem:s30+$0x260] =	vst v0  }
0x4f9: {  	v0 =	vld [tilespmem:s7+$0x2010]  }
0x4fa: {  	(v2sf) =	vpush v15, $0xF  }
0x4fb: {  	[tilespmem:s25+$0x270] =	vst v2;
	(v2sf) =	vpush v21, $0xD  }
0x4fc: {  	v2 =	vld [tilespmem:s21+$0x800];
	[tilespmem:s29+$0x270] =	vst v1  }
0x4fd: {  	s8 =	spop (v2sf);
	v1 =	vld [tilespmem:s3+$0x800]  }
0x4fe: {  	s13 =	spop (v2sf);
	[tilespmem:s30+$0x270] =	vst v0  }
0x4ff: {  	v0 =	vld [tilespmem:s13+$0x800];
	_ =	sdelay $0x1  }
0x500: {  	[tilespmem:s25+$0x280] =	vst v2  }
0x501: {  	v2 =	vld [tilespmem:s21+$0x810];
	[tilespmem:s29+$0x280] =	vst v1  }
0x502: {  	v1 =	vld [tilespmem:s3+$0x810]  }
0x503: {  	[tilespmem:s30+$0x280] =	vst v0  }
0x504: {  	v0 =	vld [tilespmem:s13+$0x810];
	_ =	sdelay $0x1  }
0x505: {  	[tilespmem:s25+$0x290] =	vst v2;
	(v2sf) =	vpush v22, $0xD  }
0x506: {  	v2 =	vld [tilespmem:s19+$0x1400];
	[tilespmem:s29+$0x290] =	vst v1  }
0x507: {  	s7 =	spop (v2sf);
	v1 =	vld [tilespmem:s4+$0x1400]  }
0x508: {  	s21 =	spop (v2sf);
	[tilespmem:s30+$0x290] =	vst v0  }
0x509: {  	v0 =	vld [tilespmem:s21+$0x1400];
	_ =	sdelay $0x1  }
0x50a: {  	[tilespmem:s25+$0x2A0] =	vst v2  }
0x50b: {  	v2 =	vld [tilespmem:s19+$0x1410];
	[tilespmem:s29+$0x2A0] =	vst v1  }
0x50c: {  	v1 =	vld [tilespmem:s4+$0x1410]  }
0x50d: {  	[tilespmem:s30+$0x2A0] =	vst v0  }
0x50e: {  	v0 =	vld [tilespmem:s21+$0x1410];
	_ =	sdelay $0x1  }
0x50f: {  	[tilespmem:s25+$0x2B0] =	vst v2;
	(v2sf) =	vpush v23, $0xD  }
0x510: {  	v2 =	vld [tilespmem:s18+$0x1800];
	[tilespmem:s29+$0x2B0] =	vst v1  }
0x511: {  	v1 =	vld [tilespmem:s20+$0x1800]  }
0x512: {  	s1 =	spop (v2sf);
	[tilespmem:s30+$0x2B0] =	vst v0  }
0x513: {  	v0 =	vld [tilespmem:s1+$0x1800];
	_ =	sdelay $0x1  }
0x514: {  	[tilespmem:s25+$0x2C0] =	vst v2  }
0x515: {  	v2 =	vld [tilespmem:s18+$0x1810];
	[tilespmem:s29+$0x2C0] =	vst v1  }
0x516: {  	v1 =	vld [tilespmem:s20+$0x1810]  }
0x517: {  	[tilespmem:s30+$0x2C0] =	vst v0  }
0x518: {  	v0 =	vld [tilespmem:s1+$0x1810];
	_ =	sdelay $0x1  }
0x519: {  	[tilespmem:s25+$0x2D0] =	vst v2;
	(v2sf) =	vpush v20, $0xE  }
0x51a: {  	v2 =	vld [tilespmem:s17+$0x2000];
	[tilespmem:s29+$0x2D0] =	vst v1  }
0x51b: {  	v1 =	vld [tilespmem:s23+$0x2000]  }
0x51c: {  	s2 =	spop (v2sf);
	[tilespmem:s30+$0x2D0] =	vst v0  }
0x51d: {  	v0 =	vld [tilespmem:s2+$0x2000];
	_ =	sdelay $0x1  }
0x51e: {  	[tilespmem:s25+$0x2E0] =	vst v2  }
0x51f: {  	v2 =	vld [tilespmem:s17+$0x2010];
	[tilespmem:s29+$0x2E0] =	vst v1  }
0x520: {  	v1 =	vld [tilespmem:s23+$0x2010]  }
0x521: {  	[tilespmem:s30+$0x2E0] =	vst v0  }
0x522: {  	v0 =	vld [tilespmem:s2+$0x2010];
	_ =	sdelay $0x1  }
0x523: {  	[tilespmem:s25+$0x2F0] =	vst v2;
	(v2sf) =	vpush v21, $0xE  }
0x524: {  	v2 =	vld [tilespmem:s16+$0x800];
	[tilespmem:s29+$0x2F0] =	vst v1  }
0x525: {  	v1 =	vld [tilespmem:s6+$0x800]  }
0x526: {  	s3 =	spop (v2sf);
	[tilespmem:s30+$0x2F0] =	vst v0  }
0x527: {  	v0 =	vld [tilespmem:s3+$0x800];
	_ =	sdelay $0x1  }
0x528: {  	[tilespmem:s25+$0x300] =	vst v2  }
0x529: {  	v2 =	vld [tilespmem:s16+$0x810];
	[tilespmem:s29+$0x300] =	vst v1  }
0x52a: {  	v1 =	vld [tilespmem:s6+$0x810]  }
0x52b: {  	[tilespmem:s30+$0x300] =	vst v0  }
0x52c: {  	v0 =	vld [tilespmem:s3+$0x810];
	_ =	sdelay $0x1  }
0x52d: {  	[tilespmem:s25+$0x310] =	vst v2;
	(v2sf) =	vpush v22, $0xE  }
0x52e: {  	v2 =	vld [tilespmem:s15+$0x1400];
	[tilespmem:s29+$0x310] =	vst v1  }
0x52f: {  	v1 =	vld [tilespmem:s22+$0x1400]  }
0x530: {  	s4 =	spop (v2sf);
	[tilespmem:s30+$0x310] =	vst v0  }
0x531: {  	v0 =	vld [tilespmem:s4+$0x1400];
	_ =	sdelay $0x1  }
0x532: {  	[tilespmem:s25+$0x320] =	vst v2  }
0x533: {  	v2 =	vld [tilespmem:s15+$0x1410];
	[tilespmem:s29+$0x320] =	vst v1  }
0x534: {  	v1 =	vld [tilespmem:s22+$0x1410]  }
0x535: {  	[tilespmem:s30+$0x320] =	vst v0  }
0x536: {  	v0 =	vld [tilespmem:s4+$0x1410];
	_ =	sdelay $0x1  }
0x537: {  	[tilespmem:s25+$0x330] =	vst v2;
	(v2sf) =	vpush v23, $0xE  }
0x538: {  	v2 =	vld [tilespmem:s14+$0x1800];
	[tilespmem:s29+$0x330] =	vst v1  }
0x539: {  	v1 =	vld [tilespmem:s11+$0x1800]  }
0x53a: {  	s6 =	spop (v2sf);
	[tilespmem:s30+$0x330] =	vst v0  }
0x53b: {  	v0 =	vld [tilespmem:s6+$0x1800];
	_ =	sdelay $0x1  }
0x53c: {  	[tilespmem:s25+$0x340] =	vst v2  }
0x53d: {  	v2 =	vld [tilespmem:s14+$0x1810];
	[tilespmem:s29+$0x340] =	vst v1  }
0x53e: {  	v1 =	vld [tilespmem:s11+$0x1810]  }
0x53f: {  	[tilespmem:s30+$0x340] =	vst v0  }
0x540: {  	v0 =	vld [tilespmem:s6+$0x1810];
	_ =	sdelay $0x1  }
0x541: {  	[tilespmem:s25+$0x350] =	vst v2  }
0x542: {  	(v2sf) =	vpush v20, $0xF;
	s13 =	rddreg [dreg:$0x16];
	[tilespmem:s29+$0x350] =	vst v1  }
0x543: {  	[tilespmem:s24+$0x360] =	vst v58;
	v2 =	vld [tilespmem:s13+$0x2000]  }
0x544: {  	s14 =	spop (v2sf);
	v1 =	vld [tilespmem:s12+$0x2000];
	[tilespmem:s30+$0x350] =	vst v0  }
0x545: {  	v0 =	vld [tilespmem:s14+$0x2000];
	s15 =	rddreg [dreg:$0x13]  }
0x546: {  	v63 =	vld [tilespmem:s15+$0x2010];
	_ =	sdelay $0x1  }
0x547: {  	[tilespmem:s25+$0x360] =	vst v2  }
0x548: {  	[tilespmem:s29+$0x360] =	vst v1  }
0x549: {  	v2 =	vld [tilespmem:s13+$0x2010];
	[tilespmem:s30+$0x360] =	vst v0  }
0x54a: {  	v1 =	vld [tilespmem:s12+$0x2010];
	[tilespmem:s24+$0x370] =	vst v63  }
0x54b: {  	v0 =	vld [tilespmem:s14+$0x2010];
	s16 =	rddreg [dreg:$0x15]  }
0x54c: {  	v3 =	vld [tilespmem:s16+$0x800];
	_ =	sdelay $0x1  }
0x54d: {  	(v2sf) =	vpush v21, $0xF;
	[tilespmem:s25+$0x370] =	vst v2  }
0x54e: {  	[tilespmem:s29+$0x370] =	vst v1;
	v2 =	vld [tilespmem:s5+$0x800]  }
0x54f: {  	s17 =	spop (v2sf);
	v1 =	vld [tilespmem:s10+$0x800];
	[tilespmem:s30+$0x370] =	vst v0  }
0x550: {  	v0 =	vld [tilespmem:s17+$0x800];
	[tilespmem:s24+$0x380] =	vst v3  }
0x551: {  	v3 =	vld [tilespmem:s16+$0x810];
	_ =	sdelay $0x1  }
0x552: {  	[tilespmem:s25+$0x380] =	vst v2  }
0x553: {  	[tilespmem:s29+$0x380] =	vst v1  }
0x554: {  	v2 =	vld [tilespmem:s5+$0x810];
	[tilespmem:s30+$0x380] =	vst v0  }
0x555: {  	v1 =	vld [tilespmem:s10+$0x810];
	[tilespmem:s24+$0x390] =	vst v3  }
0x556: {  	v0 =	vld [tilespmem:s17+$0x810];
	s18 =	rddreg [dreg:$0x14]  }
0x557: {  	v3 =	vld [tilespmem:s18+$0x1400]  }
0x558: {  	(v2sf) =	vpush v22, $0xF  }
0x559: {  	[tilespmem:s25+$0x390] =	vst v2  }
0x55a: {  	[tilespmem:s29+$0x390] =	vst v1;
	v2 =	vld [tilespmem:s26+$0x1400]  }
0x55b: {  	s19 =	spop (v2sf);
	v1 =	vld [tilespmem:s9+$0x1400];
	[tilespmem:s30+$0x390] =	vst v0  }
0x55c: {  	v0 =	vld [tilespmem:s19+$0x1400];
	[tilespmem:s24+$0x3A0] =	vst v3  }
0x55d: {  	v3 =	vld [tilespmem:s18+$0x1410];
	_ =	sdelay $0x1  }
0x55e: {  	[tilespmem:s25+$0x3A0] =	vst v2  }
0x55f: {  	[tilespmem:s29+$0x3A0] =	vst v1;
	v2 =	vld [tilespmem:s26+$0x1410]  }
0x560: {  	v1 =	vld [tilespmem:s9+$0x1410];
	[tilespmem:s30+$0x3A0] =	vst v0  }
0x561: {  	v0 =	vld [tilespmem:s19+$0x1410];
	[tilespmem:s24+$0x3B0] =	vst v3  }
0x562: {  	s20 =	rddreg [dreg:$0x12]  }
0x563: {  	(v2sf) =	vpush v23, $0xF;
	v3 =	vld [tilespmem:s20+$0x1800]  }
0x564: {  	[tilespmem:s25+$0x3B0] =	vst v2  }
0x565: {  	[tilespmem:s29+$0x3B0] =	vst v1;
	v2 =	vld [tilespmem:s28+$0x1800]  }
0x566: {  	s21 =	spop (v2sf);
	v1 =	vld [tilespmem:s8+$0x1800];
	[tilespmem:s30+$0x3B0] =	vst v0  }
0x567: {  	v0 =	vld [tilespmem:s21+$0x1800]  }
0x568: {  	[tilespmem:s24+$0x3C0] =	vst v3  }
0x569: {  	v3 =	vld [tilespmem:s20+$0x1810]  }
0x56a: {  	[tilespmem:s25+$0x3C0] =	vst v2  }
0x56b: {  	[tilespmem:s29+$0x3C0] =	vst v1;
	v2 =	vld [tilespmem:s28+$0x1810]  }
0x56c: {  	v1 =	vld [tilespmem:s8+$0x1810];
	[tilespmem:s30+$0x3C0] =	vst v0  }
0x56d: {  	v0 =	vld [tilespmem:s21+$0x1810]  }
0x56e: {  	[tilespmem:s24+$0x3D0] =	vst v3  }
0x56f: {  	s22 =	rddreg [dreg:$0x11]  }
0x570: {  	[tilespmem:s25+$0x3D0] =	vst v2;
	v3 =	vld [tilespmem:s22+$0x2000]  }
0x571: {  	[tilespmem:s29+$0x3D0] =	vst v1;
	v2 =	vld [tilespmem:s31+$0x2000]  }
0x572: {  	s23 =	spop (v2sf);
	v1 =	vld [tilespmem:s7+$0x2000];
	[tilespmem:s30+$0x3D0] =	vst v0  }
0x573: {  	v0 =	vld [tilespmem:s23+$0x2000];
	_ =	sdelay $0x1  }
0x574: {  	[tilespmem:s24+$0x3E0] =	vst v3  }
0x575: {  	[tilespmem:s25+$0x3E0] =	vst v2;
	v3 =	vld [tilespmem:s22+$0x2010]  }
0x576: {  	[tilespmem:s29+$0x3E0] =	vst v1;
	v2 =	vld [tilespmem:s31+$0x2010]  }
0x577: {  	v1 =	vld [tilespmem:s7+$0x2010];
	[tilespmem:s30+$0x3E0] =	vst v0  }
0x578: {  	v0 =	vld [tilespmem:s23+$0x2010];
	_ =	sdelay $0x1  }
0x579: {  	[tilespmem:s24+$0x3F0] =	vst v3  }
0x57a: {  	[tilespmem:s25+$0x3F0] =	vst v2  }
0x57b: {  	[tilespmem:s29+$0x3F0] =	vst v1  }
0x57c: {  	s9 =	simm.s32 $0x0;
	[tilespmem:s30+$0x3F0] =	vst v0  }
0x57d: {  	s28 =	simm.s32 $0x2800;
	s29 =	simm.s32 $0x2;
	s26 =	rddreg [dreg:$0xe]  }
0x57e: {  	[hbm4b:s26+s9] =	stream.linear.scatter [tilespmem:s28], [sflag:$0x2], $0x10000, $0x38;
	[tilespmem:$0x12800] =	vst v63  }
0x57f: {  	_ =	swait.ge [sflag:s29], $0x10000  }
0x580: {  	s30 =	rddreg [dreg:$0x10]  }
0x581: {  	s31 =	rddreg [dreg:$0xf];
	s2 =	sadd.s32 $0x1, s30  }
0x582: {  	p0 =	sne.s32 s2, s31  }
.Ltmp1:
0x583: {  	_ = 	snop;
	(pc) =	sbr.rel @p0 .LBB2_1-.Ltmp1, $3  }
0x584: {  	_ =	sdelay $0x1  }
0x585: {  	[sflag:s29] =	ssyncset.done $0x0  }
0x586: {  	[sflag:s29] =	ssyncadd.s32 $0xFFFF0000  }
0x587: {  	_ =	sfence.sel $0x180000  }
0x588: {  	[bflag:$0x0] =	sbarrier.arrive $0xFFFF  }
0x589: {  	_ =	strace $0x90000047  }
0x58a: {  	s0 =	stileid.u32;
	[bflag:$0x2] =	sbarrier.arrive $0xFFFF  }
0x58b: {  	p0 =	sne.s32 s0, $0x0;
	s0 =	rddreg [dreg:$0x9]  }
0x58c: {  	s0 =	sadd.s32 @!p0 $0x100000, s0  }
0x58d: {  	[sflag:s0] =	ssyncadd.tile.s32 @!p0 $0x1;
	_ =	shalt  }
.Lfunc_end2:
_tile_overlayer_lowered:
.L_overlay_start_2:
0x58e: {  	(tag) =	ssettag $0x2  }
0x58f: {  	s0 =	rddreg [dreg:$0x0];
	s2 =	stileid.u32  }
0x590: {  	s1 =	rddreg [dreg:$0x1];
	p0 =	sne.s32 s2, $0x0  }
0x591: {  	s3 =	rddreg [dreg:$0x2];
	[bflag:$0x3] =	sbarrier.arrive $0xFFFF;
	s2 =	simm.s32 @!p0 $0x1C02  }
0x592: {  	[timem:s3], [sflag:s2] =	dma.local @!p0 [hbm:s0], s1  }
0x593: {  	s0 =	simm.s32 @!p0 $0x2  }
0x594: {  	_ =	swait.ge @!p0 [sflag:s0], s1  }
0x595: {  	s1 =	ssub.s32 @!p0 $0x0, s1;
	[sflag:s0] =	ssyncset.done @!p0 $0x0  }
0x596: {  	[sflag:s0] =	ssyncadd.s32 @!p0 s1  }
0x597: {  	[bflag:$0x3] =	sbarrier.arrive $0xFFFF  }
0x598: {  	_ =	shalt  }

</sc_bundles>
